<compile_context>
chip_gen: v7x
topology: tpu7x:2x2x1
jax: 0.10.2.dev20260603
libtpu: 0.0.44.dev20260713+nightly
codegen_flags: <defaults>
</compile_context>

<pallas_src>
import functools

import jax
import jax.numpy as jnp
from jax import lax
from jax.experimental import pallas as pl
from jax.experimental.pallas import tpu as pltpu
from jax.experimental.pallas import tpu_sc as plsc

B, C, H, W = 4, 96, 224, 224
HW = H * W
NC, NS = 2, 16
NW = NC * NS
L = 16

P1_NQ = HW // 8

CG = 96
NG = C // CG
PAIRS = CG // 2
TASKS = B * PAIRS
TASKS_PER_W = TASKS // NW
Q = 1568
NCHUNK = HW // Q

_mesh = plsc.VectorSubcoreMesh(
    core_axis_name="c", subcore_axis_name="s", num_cores=NC, num_subcores=NS)
_params = pltpu.CompilerParams(needs_layout_passes=False)


def _wid():
    return lax.axis_index("s") * NC + lax.axis_index("c")


@functools.partial(
    pl.kernel,
    out_type=[jax.ShapeDtypeStruct((B * HW,), jnp.int32)]
    + [jax.ShapeDtypeStruct((B * HW,), jnp.float32) for _ in range(5)],
    mesh=_mesh,
    compiler_params=_params,
    scratch_types=[
        pltpu.VMEM((HW,), jnp.float32),
        pltpu.VMEM((P1_NQ,), jnp.float32),
        pltpu.VMEM((P1_NQ,), jnp.float32),
        pltpu.VMEM((P1_NQ,), jnp.int32),
        pltpu.VMEM((P1_NQ,), jnp.float32),
        pltpu.VMEM((P1_NQ,), jnp.float32),
        pltpu.VMEM((P1_NQ,), jnp.float32),
        pltpu.VMEM((P1_NQ,), jnp.float32),
        pltpu.VMEM((P1_NQ,), jnp.float32),
    ],
)
def _coef_kernel(xq_hbm, yq_hbm, mask_hbm,
                 idx_hbm, a00_hbm, a01_hbm, a10_hbm, a11_hbm, valid_hbm,
                 mask_v, xq_v, yq_v, idx_o, a00_o, a01_o, a10_o, a11_o,
                 valid_o):
    wid = _wid()
    b = wid // 8
    base = b * HW + (wid % 8) * P1_NQ
    pltpu.sync_copy(mask_hbm.at[pl.ds(b * HW, HW)], mask_v)
    pltpu.sync_copy(xq_hbm.at[pl.ds(base, P1_NQ)], xq_v)
    pltpu.sync_copy(yq_hbm.at[pl.ds(base, P1_NQ)], yq_v)

    @plsc.parallel_loop(0, P1_NQ, step=L, unroll=4)
    def grp(q):
        s = pl.ds(q, L)
        xq = xq_v[s]
        yq = yq_v[s]
        x0 = jnp.clip(xq.astype(jnp.int32), 0, W - 2)
        y0 = jnp.clip(yq.astype(jnp.int32), 0, H - 2)
        xw = xq - x0.astype(jnp.float32)
        yw = yq - y0.astype(jnp.float32)
        i00 = y0 * W + x0
        m00 = plsc.load_gather(mask_v, [i00])
        m01 = plsc.load_gather(mask_v, [i00 + 1])
        m10 = plsc.load_gather(mask_v, [i00 + W])
        m11 = plsc.load_gather(mask_v, [i00 + (W + 1)])
        w00 = (1.0 - yw) * (1.0 - xw)
        w01 = (1.0 - yw) * xw
        w10 = yw * (1.0 - xw)
        w11 = yw * xw
        ww00 = m00 * w00
        ww01 = m01 * w01
        ww10 = m10 * w10
        ww11 = m11 * w11
        m_w = (ww00 + ww01) + (ww10 + ww11)
        inv = 1.0 / (m_w + 1e-12)
        invalid_m = (1.0 - m_w) * inv > 0.5
        oob = ((xq < 0.0) | (xq >= float(W))) | ((yq < 0.0) | (yq >= float(H)))
        factor = jnp.where(invalid_m | oob, 0.0, inv)
        idx_o[s] = i00
        a00_o[s] = ww00 * factor
        a01_o[s] = ww01 * factor
        a10_o[s] = ww10 * factor
        a11_o[s] = ww11 * factor
        valid_o[s] = jnp.where(invalid_m, 0.0, 1.0)

    dst = pl.ds(base, P1_NQ)
    pltpu.sync_copy(idx_o, idx_hbm.at[dst])
    pltpu.sync_copy(a00_o, a00_hbm.at[dst])
    pltpu.sync_copy(a01_o, a01_hbm.at[dst])
    pltpu.sync_copy(a10_o, a10_hbm.at[dst])
    pltpu.sync_copy(a11_o, a11_hbm.at[dst])
    pltpu.sync_copy(valid_o, valid_hbm.at[dst])


@functools.partial(
    pl.kernel,
    out_type=jax.ShapeDtypeStruct((B * CG * HW,), jnp.float32),
    mesh=_mesh,
    compiler_params=_params,
    scratch_types=[
        pltpu.VMEM((HW,), jnp.float32),
        pltpu.VMEM((HW,), jnp.float32),
        [pltpu.VMEM((Q,), jnp.int32) for _ in range(2)],
        [[pltpu.VMEM((Q,), jnp.float32) for _ in range(4)]
         for _ in range(2)],
        [[pltpu.VMEM((Q,), jnp.float32) for _ in range(2)]
         for _ in range(2)],
        pltpu.SemaphoreType.DMA,
        [pltpu.SemaphoreType.DMA for _ in range(2)],
        [pltpu.SemaphoreType.DMA for _ in range(2)],
    ],
)
def _combine_kernel(v_hbm, idx_hbm, a00_hbm, a01_hbm, a10_hbm, a11_hbm,
                    out_hbm,
                    plane0, plane1, idx_c, a_c, o_c, psem, csem, osem):
    wid = _wid()
    coef_hbm = (a00_hbm, a01_hbm, a10_hbm, a11_hbm)

    def issue_coefs(b, k, buf):
        qb = b * HW + k * Q
        src = pl.ds(qb, Q)
        pltpu.async_copy(idx_hbm.at[src], idx_c[buf], csem[buf])
        for j in range(4):
            pltpu.async_copy(coef_hbm[j].at[src], a_c[buf][j], csem[buf])

    def drain_coefs(buf):
        pltpu.make_async_copy(
            idx_hbm.at[pl.ds(0, Q)], idx_c[buf], csem[buf]).wait()
        for j in range(4):
            pltpu.make_async_copy(
                coef_hbm[j].at[pl.ds(0, Q)], a_c[buf][j], csem[buf]).wait()

    def drain_outs(buf):
        for j in range(2):
            pltpu.make_async_copy(
                o_c[buf][j], out_hbm.at[pl.ds(0, Q)], osem[buf]).wait()

    def half(b, vbase, k, buf, wait_out):
        drain_coefs(buf)
        if wait_out:
            drain_outs(buf)
        idx_b = idx_c[buf]
        a00_c, a01_c, a10_c, a11_c = a_c[buf]
        o0, o1 = o_c[buf]

        @plsc.parallel_loop(0, Q, step=L, unroll=4)
        def grp(q):
            s = pl.ds(q, L)
            i00 = idx_b[s]
            i01 = i00 + 1
            i10 = i00 + W
            i11 = i00 + (W + 1)
            c00 = a00_c[s]
            c01 = a01_c[s]
            c10 = a10_c[s]
            c11 = a11_c[s]
            g00 = plsc.load_gather(plane0, [i00])
            g01 = plsc.load_gather(plane0, [i01])
            g10 = plsc.load_gather(plane0, [i10])
            g11 = plsc.load_gather(plane0, [i11])
            o0[s] = (c00 * g00 + c01 * g01) + (c10 * g10 + c11 * g11)
            h00 = plsc.load_gather(plane1, [i00])
            h01 = plsc.load_gather(plane1, [i01])
            h10 = plsc.load_gather(plane1, [i10])
            h11 = plsc.load_gather(plane1, [i11])
            o1[s] = (c00 * h00 + c01 * h01) + (c10 * h10 + c11 * h11)

        obase = vbase + k * Q
        pltpu.async_copy(o0, out_hbm.at[pl.ds(obase, Q)], osem[buf])
        pltpu.async_copy(o1, out_hbm.at[pl.ds(obase + HW, Q)], osem[buf])
        issue_coefs(b, jnp.minimum(k + 2, NCHUNK - 1), buf)

    def task(t, carry):
        gp = wid * TASKS_PER_W + t
        b = gp // PAIRS
        c0 = (gp % PAIRS) * 2
        vbase = (b * CG + c0) * HW
        pd0 = pltpu.async_copy(v_hbm.at[pl.ds(vbase, HW)], plane0, psem)
        pd1 = pltpu.async_copy(v_hbm.at[pl.ds(vbase + HW, HW)], plane1, psem)
        issue_coefs(b, 0, 0)
        issue_coefs(b, 1, 1)
        pd0.wait()
        pd1.wait()
        half(b, vbase, 0, 0, False)
        half(b, vbase, 1, 1, False)

        def pair(kk, carry2):
            half(b, vbase, 2 * kk, 0, True)
            half(b, vbase, 2 * kk + 1, 1, True)
            return carry2

        lax.fori_loop(1, NCHUNK // 2, pair, 0)
        drain_coefs(0)
        drain_coefs(1)
        drain_outs(0)
        drain_outs(1)
        return carry

    lax.fori_loop(0, TASKS_PER_W, task, 0)


def kernel(v, xq, yq, mask):
    xqf = xq.reshape(B * HW)
    yqf = yq.reshape(B * HW)
    maskf = mask.reshape(B * HW)
    idx, a00, a01, a10, a11, valid = _coef_kernel(xqf, yqf, maskf)
    outs = []
    for g in range(NG):
        vg = lax.slice_in_dim(v, g * CG, (g + 1) * CG, axis=1)
        og = _combine_kernel(vg.reshape(B * CG * HW), idx, a00, a01, a10, a11)
        outs.append(og.reshape(B, CG, H, W))
    return jnp.concatenate(outs, axis=1), valid.reshape(B, 1, H, W)

# --- scband reference (transcript-rebuilt; emitter-appended) ---
"""Pipeline reference for scband-interp2-mask-binary-74929999446522 (READ-ONLY COPY).

The authoritative reference and input builder live on the scoring server;
editing this copy changes nothing except your own understanding.
"""

import jax, jax.numpy as jnp
import numpy as np

B, C, H, W = 4, 96, 224, 224

def setup_inputs(seed: int = 0) -> dict:
    key = jax.random.key(seed)
    k1, k2, k3, k4 = jax.random.split(key, 4)
    v = jax.random.normal(k1, (B, C, H, W), dtype=jnp.float32)
    xq = jax.random.uniform(k2, (B, H, W), dtype=jnp.float32) * (W - 1)
    yq = jax.random.uniform(k3, (B, H, W), dtype=jnp.float32) * (H - 1)
    mask = (jax.random.uniform(k4, (B, 1, H, W), dtype=jnp.float32) > 0.2).astype(jnp.float32)
    return {"v": v, "xq": xq, "yq": yq, "mask": mask}

def reference(v, xq, yq, mask):
    Bv, Cv, Hv, Wv = v.shape
    cm = mask.shape[1]
    if cm != Cv:
        mask = jnp.tile(mask, (1, Cv // cm, 1, 1))
    x0 = jnp.clip(jnp.floor(xq).astype(jnp.int32), 0, Wv - 1)
    y0 = jnp.clip(jnp.floor(yq).astype(jnp.int32), 0, Hv - 1)
    x1 = jnp.clip(x0 + 1, 0, Wv - 1)
    y1 = jnp.clip(y0 + 1, 0, Hv - 1)
    v_flat = jnp.transpose(v, (0, 2, 3, 1)).reshape(Bv, Hv * Wv, Cv)
    m_flat = jnp.transpose(mask, (0, 2, 3, 1)).reshape(Bv, Hv * Wv, Cv)
    def gather(flat, ys, xs):
        idx = (ys * Wv + xs).reshape(Bv, Hv * Wv, 1)
        return jnp.take_along_axis(flat, idx, axis=1)
    v00 = gather(v_flat, y0, x0); v01 = gather(v_flat, y0, x1)
    v10 = gather(v_flat, y1, x0); v11 = gather(v_flat, y1, x1)
    m00 = gather(m_flat, y0, x0); m01 = gather(m_flat, y0, x1)
    m10 = gather(m_flat, y1, x0); m11 = gather(m_flat, y1, x1)
    xw = (xq - x0.astype(jnp.float32)).reshape(Bv, Hv * Wv, 1)
    yw = (yq - y0.astype(jnp.float32)).reshape(Bv, Hv * Wv, 1)
    w00 = (1.0 - yw) * (1.0 - xw)
    w01 = (1.0 - yw) * xw
    w10 = yw * (1.0 - xw)
    w11 = yw * xw
    values = m00 * v00 * w00 + m01 * v01 * w01 + m10 * v10 * w10 + m11 * v11 * w11
    m_w = m00 * w00 + m01 * w01 + m10 * w10 + m11 * w11
    values = values / (m_w + 1e-12)
    values_bchw = jnp.transpose(values.reshape(Bv, Hv, Wv, Cv), (0, 3, 1, 2))
    mw_bchw = jnp.transpose(m_w.reshape(Bv, Hv, Wv, Cv), (0, 3, 1, 2))
    invalid_mask = ((1.0 - mw_bchw) / (mw_bchw + 1e-12) > 0.5)[:, 0:1, :, :]
    oob = (xq < 0) | (xq >= Wv) | (yq < 0) | (yq >= Hv)
    invalid = (oob | invalid_mask[:, 0]).astype(jnp.float32)[:, None, :, :]
    transformed = (1.0 - invalid) * values_bchw
    return transformed, (~invalid_mask).astype(jnp.float32)

if __name__ == "__main__":
    import jax
    _d = setup_inputs()
    print(jax.jit(kernel)(*tuple(_d.values())))

</pallas_src>

<mosaic_0001>
#map = affine_map<(d0, d1) -> (0)>
module attributes {stable_mosaic.version = 14 : i64} {
  func.func @_coef_kernel(%arg0: i32, %arg1: i32, %arg2: memref<200704xf32, #tpu.memory_space<hbm>>, %arg3: memref<200704xf32, #tpu.memory_space<hbm>>, %arg4: memref<200704xf32, #tpu.memory_space<hbm>>, %arg5: memref<200704xi32, #tpu.memory_space<hbm>>, %arg6: memref<200704xf32, #tpu.memory_space<hbm>>, %arg7: memref<200704xf32, #tpu.memory_space<hbm>>, %arg8: memref<200704xf32, #tpu.memory_space<hbm>>, %arg9: memref<200704xf32, #tpu.memory_space<hbm>>, %arg10: memref<200704xf32, #tpu.memory_space<hbm>>, %arg11: memref<50176xf32, #tpu.memory_space<vmem>>, %arg12: memref<6272xf32, #tpu.memory_space<vmem>>, %arg13: memref<6272xf32, #tpu.memory_space<vmem>>, %arg14: memref<6272xi32, #tpu.memory_space<vmem>>, %arg15: memref<6272xf32, #tpu.memory_space<vmem>>, %arg16: memref<6272xf32, #tpu.memory_space<vmem>>, %arg17: memref<6272xf32, #tpu.memory_space<vmem>>, %arg18: memref<6272xf32, #tpu.memory_space<vmem>>, %arg19: memref<6272xf32, #tpu.memory_space<vmem>>) attributes {dimension_semantics = [#tpu.dimension_semantics<core_parallel>, #tpu.dimension_semantics<subcore_parallel>], iteration_bounds = array<i64: 2, 16>, scalar_prefetch = 0 : i64, scratch_operands = 9 : i64, tpu.core_type = #tpu.core_type<sc_vector_subcore>, window_params = [{transform_indices = #map}, {transform_indices = #map}, {transform_indices = #map}, {transform_indices = #map}, {transform_indices = #map}, {transform_indices = #map}, {transform_indices = #map}, {transform_indices = #map}, {transform_indices = #map}]} {
    %mul3A = arith.constant 2 : i32
    %mul3A_0 = arith.muli %arg1, %mul3A : i32
    %add3A = arith.addi %mul3A_0, %arg0 : i32
    %jit3A = arith.constant 8 : i32
    %div3A = arith.divsi %add3A, %jit3A : i32
    %sign3A = arith.constant 0 : i32
    %sign3A_1 = arith.cmpi sgt, %add3A, %sign3A : i32
    %sign3A_2 = arith.extui %sign3A_1 : i1 to i32
    %sign3A_3 = arith.constant 0 : i32
    %sign3A_4 = arith.cmpi slt, %add3A, %sign3A_3 : i32
    %sign3A_5 = arith.extui %sign3A_4 : i1 to i32
    %sign3A_6 = arith.subi %sign3A_2, %sign3A_5 : i32
    %sign3A_7 = arith.constant 0 : i32
    %sign3A_8 = arith.cmpi sgt, %jit3A, %sign3A_7 : i32
    %sign3A_9 = arith.extui %sign3A_8 : i1 to i32
    %sign3A_10 = arith.constant 0 : i32
    %sign3A_11 = arith.cmpi slt, %jit3A, %sign3A_10 : i32
    %sign3A_12 = arith.extui %sign3A_11 : i1 to i32
    %sign3A_13 = arith.subi %sign3A_9, %sign3A_12 : i32
    %ne3A = arith.cmpi ne, %sign3A_6, %sign3A_13 : i32
    %rem3A = arith.remsi %add3A, %jit3A : i32
    %ne3A_14 = arith.constant 0 : i32
    %ne3A_15 = arith.cmpi ne, %rem3A, %ne3A_14 : i32
    %and3A = arith.andi %ne3A, %ne3A_15 : i1
    %sub3A = arith.constant 1 : i32
    %sub3A_16 = arith.subi %div3A, %sub3A : i32
    %select_n3A = arith.select %and3A, %sub3A_16, %div3A : i32
    %mul3A_17 = arith.constant 50176 : i32
    %mul3A_18 = arith.muli %select_n3A, %mul3A_17 : i32
    %jit3A_19 = arith.constant 8 : i32
    %eq3A = arith.constant 0 : i32
    %eq3A_20 = arith.cmpi eq, %jit3A_19, %eq3A : i32
    %jit3A_21 = arith.constant 1 : i32
    %select_n3A_22 = arith.select %eq3A_20, %jit3A_21, %jit3A_19 : i32
    %rem3A_23 = arith.remsi %add3A, %select_n3A_22 : i32
    %ne3A_24 = arith.constant 0 : i32
    %ne3A_25 = arith.cmpi ne, %rem3A_23, %ne3A_24 : i32
    %lt3A = arith.constant 0 : i32
    %lt3A_26 = arith.cmpi slt, %rem3A_23, %lt3A : i32
    %lt3A_27 = arith.constant 0 : i32
    %lt3A_28 = arith.cmpi slt, %select_n3A_22, %lt3A_27 : i32
    %ne3A_29 = arith.xori %lt3A_26, %lt3A_28 : i1
    %and3A_30 = arith.andi %ne3A_29, %ne3A_25 : i1
    %add3A_31 = arith.addi %rem3A_23, %select_n3A_22 : i32
    %select_n3A_32 = arith.select %and3A_30, %add3A_31, %rem3A_23 : i32
    %mul3A_33 = arith.constant 6272 : i32
    %mul3A_34 = arith.muli %select_n3A_32, %mul3A_33 : i32
    %add3A_35 = arith.addi %mul3A_18, %mul3A_34 : i32
    %mul3A_36 = arith.constant 50176 : i32
    %mul3A_37 = arith.muli %select_n3A, %mul3A_36 : i32
    "tpu.region"() ({
      %run_scoped3A = tpu.sem_alloc : memref<!tpu.dma_semaphore, #tpu.memory_space<semaphore_mem>>
      %dma_start3A = tpu.memref_slice %arg4[%mul3A_37] : memref<200704xf32, #tpu.memory_space<hbm>> -> memref<50176xf32, #tpu.memory_space<hbm>>
      %dma_start3A_40 = tpu.memref_slice %arg4[%mul3A_37] : memref<200704xf32, #tpu.memory_space<hbm>> -> memref<50176xf32, #tpu.memory_space<hbm>>
      tpu.enqueue_dma source(%dma_start3A_40 : memref<50176xf32, #tpu.memory_space<hbm>>) target(%arg11 : memref<50176xf32, #tpu.memory_space<vmem>>) target_semaphore(%run_scoped3A : memref<!tpu.dma_semaphore, #tpu.memory_space<semaphore_mem>>)
      %dma_wait3A = tpu.memref_slice %arg4[%mul3A_37] : memref<200704xf32, #tpu.memory_space<hbm>> -> memref<50176xf32, #tpu.memory_space<hbm>>
      %dma_wait3A_41 = tpu.memref_slice %arg4[%mul3A_37] : memref<200704xf32, #tpu.memory_space<hbm>> -> memref<50176xf32, #tpu.memory_space<hbm>>
      tpu.wait_dma2 semaphore(%run_scoped3A : memref<!tpu.dma_semaphore, #tpu.memory_space<semaphore_mem>>) src(%dma_wait3A_41 : memref<50176xf32, #tpu.memory_space<hbm>>) dst(%arg11 : memref<50176xf32, #tpu.memory_space<vmem>>)
      tpu.yield
    }) : () -> ()
    "tpu.region"() ({
      %run_scoped3A = tpu.sem_alloc : memref<!tpu.dma_semaphore, #tpu.memory_space<semaphore_mem>>
      %dma_start3A = tpu.memref_slice %arg2[%add3A_35] : memref<200704xf32, #tpu.memory_space<hbm>> -> memref<6272xf32, #tpu.memory_space<hbm>>
      %dma_start3A_40 = tpu.memref_slice %arg2[%add3A_35] : memref<200704xf32, #tpu.memory_space<hbm>> -> memref<6272xf32, #tpu.memory_space<hbm>>
      tpu.enqueue_dma source(%dma_start3A_40 : memref<6272xf32, #tpu.memory_space<hbm>>) target(%arg12 : memref<6272xf32, #tpu.memory_space<vmem>>) target_semaphore(%run_scoped3A : memref<!tpu.dma_semaphore, #tpu.memory_space<semaphore_mem>>)
      %dma_wait3A = tpu.memref_slice %arg2[%add3A_35] : memref<200704xf32, #tpu.memory_space<hbm>> -> memref<6272xf32, #tpu.memory_space<hbm>>
      %dma_wait3A_41 = tpu.memref_slice %arg2[%add3A_35] : memref<200704xf32, #tpu.memory_space<hbm>> -> memref<6272xf32, #tpu.memory_space<hbm>>
      tpu.wait_dma2 semaphore(%run_scoped3A : memref<!tpu.dma_semaphore, #tpu.memory_space<semaphore_mem>>) src(%dma_wait3A_41 : memref<6272xf32, #tpu.memory_space<hbm>>) dst(%arg12 : memref<6272xf32, #tpu.memory_space<vmem>>)
      tpu.yield
    }) : () -> ()
    "tpu.region"() ({
      %run_scoped3A = tpu.sem_alloc : memref<!tpu.dma_semaphore, #tpu.memory_space<semaphore_mem>>
      %dma_start3A = tpu.memref_slice %arg3[%add3A_35] : memref<200704xf32, #tpu.memory_space<hbm>> -> memref<6272xf32, #tpu.memory_space<hbm>>
      %dma_start3A_40 = tpu.memref_slice %arg3[%add3A_35] : memref<200704xf32, #tpu.memory_space<hbm>> -> memref<6272xf32, #tpu.memory_space<hbm>>
      tpu.enqueue_dma source(%dma_start3A_40 : memref<6272xf32, #tpu.memory_space<hbm>>) target(%arg13 : memref<6272xf32, #tpu.memory_space<vmem>>) target_semaphore(%run_scoped3A : memref<!tpu.dma_semaphore, #tpu.memory_space<semaphore_mem>>)
      %dma_wait3A = tpu.memref_slice %arg3[%add3A_35] : memref<200704xf32, #tpu.memory_space<hbm>> -> memref<6272xf32, #tpu.memory_space<hbm>>
      %dma_wait3A_41 = tpu.memref_slice %arg3[%add3A_35] : memref<200704xf32, #tpu.memory_space<hbm>> -> memref<6272xf32, #tpu.memory_space<hbm>>
      tpu.wait_dma2 semaphore(%run_scoped3A : memref<!tpu.dma_semaphore, #tpu.memory_space<semaphore_mem>>) src(%dma_wait3A_41 : memref<6272xf32, #tpu.memory_space<hbm>>) dst(%arg13 : memref<6272xf32, #tpu.memory_space<vmem>>)
      tpu.yield
    }) : () -> ()
    %parallel_loop3A = arith.constant 0 : i32
    %parallel_loop3A_38 = arith.constant 6272 : i32
    %parallel_loop3A_39 = arith.constant 16 : i32
    scf.for %parallel_loop3A_40 = %parallel_loop3A to %parallel_loop3A_38 step %parallel_loop3A_39  : i32 {
      %parallel_loop3A_41 = arith.index_cast %parallel_loop3A_40 : i32 to index
      %parallel_loop3A_42 = tpu.vector_load %arg12[%parallel_loop3A_41] {strides = array<i32>} : memref<6272xf32, #tpu.memory_space<vmem>>, vector<16xf32>,
      %parallel_loop3A_43 = arith.index_cast %parallel_loop3A_40 : i32 to index
      %parallel_loop3A_44 = tpu.vector_load %arg13[%parallel_loop3A_43] {strides = array<i32>} : memref<6272xf32, #tpu.memory_space<vmem>>, vector<16xf32>,
      %parallel_loop3A_45 = arith.fptosi %parallel_loop3A_42 : vector<16xf32> to vector<16xi32>
      %parallel_loop3A_46 = arith.constant 0 : i32
      %parallel_loop3A_47 = arith.constant 222 : i32
      %parallel_loop3A_48 = vector.broadcast %parallel_loop3A_46 : i32 to vector<16xi32>
      %parallel_loop3A_49 = arith.maxsi %parallel_loop3A_48, %parallel_loop3A_45 : vector<16xi32>
      %parallel_loop3A_50 = vector.broadcast %parallel_loop3A_47 : i32 to vector<16xi32>
      %parallel_loop3A_51 = arith.minsi %parallel_loop3A_50, %parallel_loop3A_49 : vector<16xi32>
      %parallel_loop3A_52 = arith.fptosi %parallel_loop3A_44 : vector<16xf32> to vector<16xi32>
      %parallel_loop3A_53 = arith.constant 0 : i32
      %parallel_loop3A_54 = arith.constant 222 : i32
      %parallel_loop3A_55 = vector.broadcast %parallel_loop3A_53 : i32 to vector<16xi32>
      %parallel_loop3A_56 = arith.maxsi %parallel_loop3A_55, %parallel_loop3A_52 : vector<16xi32>
      %parallel_loop3A_57 = vector.broadcast %parallel_loop3A_54 : i32 to vector<16xi32>
      %parallel_loop3A_58 = arith.minsi %parallel_loop3A_57, %parallel_loop3A_56 : vector<16xi32>
      %parallel_loop3A_59 = arith.sitofp %parallel_loop3A_51 : vector<16xi32> to vector<16xf32>
      %parallel_loop3A_60 = arith.subf %parallel_loop3A_42, %parallel_loop3A_59 : vector<16xf32>
      %parallel_loop3A_61 = arith.sitofp %parallel_loop3A_58 : vector<16xi32> to vector<16xf32>
      %parallel_loop3A_62 = arith.subf %parallel_loop3A_44, %parallel_loop3A_61 : vector<16xf32>
      %parallel_loop3A_63 = arith.constant 224 : i32
      %parallel_loop3A_64 = vector.broadcast %parallel_loop3A_63 : i32 to vector<16xi32>
      %parallel_loop3A_65 = arith.muli %parallel_loop3A_58, %parallel_loop3A_64 : vector<16xi32>
      %parallel_loop3A_66 = arith.addi %parallel_loop3A_65, %parallel_loop3A_51 : vector<16xi32>
      %parallel_loop3A_67 = tpu.vector_load_idx %arg11[%parallel_loop3A_66] : memref<50176xf32, #tpu.memory_space<vmem>>[vector<16xi32>], vector<16xf32>,
      %parallel_loop3A_68 = arith.constant 1 : i32
      %parallel_loop3A_69 = vector.broadcast %parallel_loop3A_68 : i32 to vector<16xi32>
      %parallel_loop3A_70 = arith.addi %parallel_loop3A_66, %parallel_loop3A_69 : vector<16xi32>
      %parallel_loop3A_71 = tpu.vector_load_idx %arg11[%parallel_loop3A_70] : memref<50176xf32, #tpu.memory_space<vmem>>[vector<16xi32>], vector<16xf32>,
      %parallel_loop3A_72 = arith.constant 224 : i32
      %parallel_loop3A_73 = vector.broadcast %parallel_loop3A_72 : i32 to vector<16xi32>
      %parallel_loop3A_74 = arith.addi %parallel_loop3A_66, %parallel_loop3A_73 : vector<16xi32>
      %parallel_loop3A_75 = tpu.vector_load_idx %arg11[%parallel_loop3A_74] : memref<50176xf32, #tpu.memory_space<vmem>>[vector<16xi32>], vector<16xf32>,
      %parallel_loop3A_76 = arith.constant 225 : i32
      %parallel_loop3A_77 = vector.broadcast %parallel_loop3A_76 : i32 to vector<16xi32>
      %parallel_loop3A_78 = arith.addi %parallel_loop3A_66, %parallel_loop3A_77 : vector<16xi32>
      %parallel_loop3A_79 = tpu.vector_load_idx %arg11[%parallel_loop3A_78] : memref<50176xf32, #tpu.memory_space<vmem>>[vector<16xi32>], vector<16xf32>,
      %parallel_loop3A_80 = arith.constant 1.000000e+00 : f32
      %parallel_loop3A_81 = vector.broadcast %parallel_loop3A_80 : f32 to vector<16xf32>
      %parallel_loop3A_82 = arith.subf %parallel_loop3A_81, %parallel_loop3A_62 : vector<16xf32>
      %parallel_loop3A_83 = arith.constant 1.000000e+00 : f32
      %parallel_loop3A_84 = vector.broadcast %parallel_loop3A_83 : f32 to vector<16xf32>
      %parallel_loop3A_85 = arith.subf %parallel_loop3A_84, %parallel_loop3A_60 : vector<16xf32>
      %parallel_loop3A_86 = arith.mulf %parallel_loop3A_82, %parallel_loop3A_85 : vector<16xf32>
      %parallel_loop3A_87 = arith.constant 1.000000e+00 : f32
      %parallel_loop3A_88 = vector.broadcast %parallel_loop3A_87 : f32 to vector<16xf32>
      %parallel_loop3A_89 = arith.subf %parallel_loop3A_88, %parallel_loop3A_62 : vector<16xf32>
      %parallel_loop3A_90 = arith.mulf %parallel_loop3A_89, %parallel_loop3A_60 : vector<16xf32>
      %parallel_loop3A_91 = arith.constant 1.000000e+00 : f32
      %parallel_loop3A_92 = vector.broadcast %parallel_loop3A_91 : f32 to vector<16xf32>
      %parallel_loop3A_93 = arith.subf %parallel_loop3A_92, %parallel_loop3A_60 : vector<16xf32>
      %parallel_loop3A_94 = arith.mulf %parallel_loop3A_62, %parallel_loop3A_93 : vector<16xf32>
      %parallel_loop3A_95 = arith.mulf %parallel_loop3A_62, %parallel_loop3A_60 : vector<16xf32>
      %parallel_loop3A_96 = arith.mulf %parallel_loop3A_67, %parallel_loop3A_86 : vector<16xf32>
      %parallel_loop3A_97 = arith.mulf %parallel_loop3A_71, %parallel_loop3A_90 : vector<16xf32>
      %parallel_loop3A_98 = arith.mulf %parallel_loop3A_75, %parallel_loop3A_94 : vector<16xf32>
      %parallel_loop3A_99 = arith.mulf %parallel_loop3A_79, %parallel_loop3A_95 : vector<16xf32>
      %parallel_loop3A_100 = arith.addf %parallel_loop3A_96, %parallel_loop3A_97 : vector<16xf32>
      %parallel_loop3A_101 = arith.addf %parallel_loop3A_98, %parallel_loop3A_99 : vector<16xf32>
      %parallel_loop3A_102 = arith.addf %parallel_loop3A_100, %parallel_loop3A_101 : vector<16xf32>
      %parallel_loop3A_103 = arith.constant 9.99999996E-13 : f32
      %parallel_loop3A_104 = vector.broadcast %parallel_loop3A_103 : f32 to vector<16xf32>
      %parallel_loop3A_105 = arith.addf %parallel_loop3A_102, %parallel_loop3A_104 : vector<16xf32>
      %parallel_loop3A_106 = arith.constant 1.000000e+00 : f32
      %parallel_loop3A_107 = vector.broadcast %parallel_loop3A_106 : f32 to vector<16xf32>
      %parallel_loop3A_108 = arith.divf %parallel_loop3A_107, %parallel_loop3A_105 : vector<16xf32>
      %parallel_loop3A_109 = arith.constant 1.000000e+00 : f32
      %parallel_loop3A_110 = vector.broadcast %parallel_loop3A_109 : f32 to vector<16xf32>
      %parallel_loop3A_111 = arith.subf %parallel_loop3A_110, %parallel_loop3A_102 : vector<16xf32>
      %parallel_loop3A_112 = arith.mulf %parallel_loop3A_111, %parallel_loop3A_108 : vector<16xf32>
      %parallel_loop3A_113 = arith.constant 5.000000e-01 : f32
      %parallel_loop3A_114 = vector.broadcast %parallel_loop3A_113 : f32 to vector<16xf32>
      %parallel_loop3A_115 = arith.cmpf ogt, %parallel_loop3A_112, %parallel_loop3A_114 : vector<16xf32>
      %parallel_loop3A_116 = arith.constant 0.000000e+00 : f32
      %parallel_loop3A_117 = vector.broadcast %parallel_loop3A_116 : f32 to vector<16xf32>
      %parallel_loop3A_118 = arith.cmpf olt, %parallel_loop3A_42, %parallel_loop3A_117 : vector<16xf32>
      %parallel_loop3A_119 = arith.constant 2.240000e+02 : f32
      %parallel_loop3A_120 = vector.broadcast %parallel_loop3A_119 : f32 to vector<16xf32>
      %parallel_loop3A_121 = arith.cmpf oge, %parallel_loop3A_42, %parallel_loop3A_120 : vector<16xf32>
      %parallel_loop3A_122 = arith.ori %parallel_loop3A_118, %parallel_loop3A_121 : vector<16xi1>
      %parallel_loop3A_123 = arith.constant 0.000000e+00 : f32
      %parallel_loop3A_124 = vector.broadcast %parallel_loop3A_123 : f32 to vector<16xf32>
      %parallel_loop3A_125 = arith.cmpf olt, %parallel_loop3A_44, %parallel_loop3A_124 : vector<16xf32>
      %parallel_loop3A_126 = arith.constant 2.240000e+02 : f32
      %parallel_loop3A_127 = vector.broadcast %parallel_loop3A_126 : f32 to vector<16xf32>
      %parallel_loop3A_128 = arith.cmpf oge, %parallel_loop3A_44, %parallel_loop3A_127 : vector<16xf32>
      %parallel_loop3A_129 = arith.ori %parallel_loop3A_125, %parallel_loop3A_128 : vector<16xi1>
      %parallel_loop3A_130 = arith.ori %parallel_loop3A_122, %parallel_loop3A_129 : vector<16xi1>
      %parallel_loop3A_131 = arith.ori %parallel_loop3A_115, %parallel_loop3A_130 : vector<16xi1>
      %parallel_loop3A_132 = arith.constant 0.000000e+00 : f32
      %parallel_loop3A_133 = vector.broadcast %parallel_loop3A_132 : f32 to vector<16xf32>
      %parallel_loop3A_134 = arith.select %parallel_loop3A_131, %parallel_loop3A_133, %parallel_loop3A_108 : vector<16xi1>, vector<16xf32>
      %parallel_loop3A_135 = arith.index_cast %parallel_loop3A_40 : i32 to index
      %parallel_loop3A_136 = tpu.vector_load %arg14[%parallel_loop3A_135] {strides = array<i32>} : memref<6272xi32, #tpu.memory_space<vmem>>, vector<16xi32>,
      tpu.vector_store %arg14[%parallel_loop3A_135], %parallel_loop3A_66 {strides = array<i32>} : memref<6272xi32, #tpu.memory_space<vmem>>, vector<16xi32>,
      %parallel_loop3A_137 = arith.mulf %parallel_loop3A_96, %parallel_loop3A_134 : vector<16xf32>
      %parallel_loop3A_138 = arith.index_cast %parallel_loop3A_40 : i32 to index
      %parallel_loop3A_139 = tpu.vector_load %arg15[%parallel_loop3A_138] {strides = array<i32>} : memref<6272xf32, #tpu.memory_space<vmem>>, vector<16xf32>,
      tpu.vector_store %arg15[%parallel_loop3A_138], %parallel_loop3A_137 {strides = array<i32>} : memref<6272xf32, #tpu.memory_space<vmem>>, vector<16xf32>,
      %parallel_loop3A_140 = arith.mulf %parallel_loop3A_97, %parallel_loop3A_134 : vector<16xf32>
      %parallel_loop3A_141 = arith.index_cast %parallel_loop3A_40 : i32 to index
      %parallel_loop3A_142 = tpu.vector_load %arg16[%parallel_loop3A_141] {strides = array<i32>} : memref<6272xf32, #tpu.memory_space<vmem>>, vector<16xf32>,
      tpu.vector_store %arg16[%parallel_loop3A_141], %parallel_loop3A_140 {strides = array<i32>} : memref<6272xf32, #tpu.memory_space<vmem>>, vector<16xf32>,
      %parallel_loop3A_143 = arith.mulf %parallel_loop3A_98, %parallel_loop3A_134 : vector<16xf32>
      %parallel_loop3A_144 = arith.index_cast %parallel_loop3A_40 : i32 to index
      %parallel_loop3A_145 = tpu.vector_load %arg17[%parallel_loop3A_144] {strides = array<i32>} : memref<6272xf32, #tpu.memory_space<vmem>>, vector<16xf32>,
      tpu.vector_store %arg17[%parallel_loop3A_144], %parallel_loop3A_143 {strides = array<i32>} : memref<6272xf32, #tpu.memory_space<vmem>>, vector<16xf32>,
      %parallel_loop3A_146 = arith.mulf %parallel_loop3A_99, %parallel_loop3A_134 : vector<16xf32>
      %parallel_loop3A_147 = arith.index_cast %parallel_loop3A_40 : i32 to index
      %parallel_loop3A_148 = tpu.vector_load %arg18[%parallel_loop3A_147] {strides = array<i32>} : memref<6272xf32, #tpu.memory_space<vmem>>, vector<16xf32>,
      tpu.vector_store %arg18[%parallel_loop3A_147], %parallel_loop3A_146 {strides = array<i32>} : memref<6272xf32, #tpu.memory_space<vmem>>, vector<16xf32>,
      %parallel_loop3A_149 = arith.constant 0.000000e+00 : f32
      %parallel_loop3A_150 = arith.constant 1.000000e+00 : f32
      %parallel_loop3A_151 = vector.broadcast %parallel_loop3A_149 : f32 to vector<16xf32>
      %parallel_loop3A_152 = vector.broadcast %parallel_loop3A_150 : f32 to vector<16xf32>
      %parallel_loop3A_153 = arith.select %parallel_loop3A_115, %parallel_loop3A_151, %parallel_loop3A_152 : vector<16xi1>, vector<16xf32>
      %parallel_loop3A_154 = arith.index_cast %parallel_loop3A_40 : i32 to index
      %parallel_loop3A_155 = tpu.vector_load %arg19[%parallel_loop3A_154] {strides = array<i32>} : memref<6272xf32, #tpu.memory_space<vmem>>, vector<16xf32>,
      tpu.vector_store %arg19[%parallel_loop3A_154], %parallel_loop3A_153 {strides = array<i32>} : memref<6272xf32, #tpu.memory_space<vmem>>, vector<16xf32>,
    } {sc.loop_unroll_factor = 4 : i64, sc.parallel_access}
    "tpu.region"() ({
      %run_scoped3A = tpu.sem_alloc : memref<!tpu.dma_semaphore, #tpu.memory_space<semaphore_mem>>
      %dma_start3A = tpu.memref_slice %arg5[%add3A_35] : memref<200704xi32, #tpu.memory_space<hbm>> -> memref<6272xi32, #tpu.memory_space<hbm>>
      %dma_start3A_40 = tpu.memref_slice %arg5[%add3A_35] : memref<200704xi32, #tpu.memory_space<hbm>> -> memref<6272xi32, #tpu.memory_space<hbm>>
      tpu.enqueue_dma source(%arg14 : memref<6272xi32, #tpu.memory_space<vmem>>) target(%dma_start3A_40 : memref<6272xi32, #tpu.memory_space<hbm>>) target_semaphore(%run_scoped3A : memref<!tpu.dma_semaphore, #tpu.memory_space<semaphore_mem>>)
      %dma_wait3A = tpu.memref_slice %arg5[%add3A_35] : memref<200704xi32, #tpu.memory_space<hbm>> -> memref<6272xi32, #tpu.memory_space<hbm>>
      %dma_wait3A_41 = tpu.memref_slice %arg5[%add3A_35] : memref<200704xi32, #tpu.memory_space<hbm>> -> memref<6272xi32, #tpu.memory_space<hbm>>
      tpu.wait_dma2 semaphore(%run_scoped3A : memref<!tpu.dma_semaphore, #tpu.memory_space<semaphore_mem>>) src(%arg14 : memref<6272xi32, #tpu.memory_space<vmem>>) dst(%dma_wait3A_41 : memref<6272xi32, #tpu.memory_space<hbm>>)
      tpu.yield
    }) : () -> ()
    "tpu.region"() ({
      %run_scoped3A = tpu.sem_alloc : memref<!tpu.dma_semaphore, #tpu.memory_space<semaphore_mem>>
      %dma_start3A = tpu.memref_slice %arg6[%add3A_35] : memref<200704xf32, #tpu.memory_space<hbm>> -> memref<6272xf32, #tpu.memory_space<hbm>>
      %dma_start3A_40 = tpu.memref_slice %arg6[%add3A_35] : memref<200704xf32, #tpu.memory_space<hbm>> -> memref<6272xf32, #tpu.memory_space<hbm>>
      tpu.enqueue_dma source(%arg15 : memref<6272xf32, #tpu.memory_space<vmem>>) target(%dma_start3A_40 : memref<6272xf32, #tpu.memory_space<hbm>>) target_semaphore(%run_scoped3A : memref<!tpu.dma_semaphore, #tpu.memory_space<semaphore_mem>>)
      %dma_wait3A = tpu.memref_slice %arg6[%add3A_35] : memref<200704xf32, #tpu.memory_space<hbm>> -> memref<6272xf32, #tpu.memory_space<hbm>>
      %dma_wait3A_41 = tpu.memref_slice %arg6[%add3A_35] : memref<200704xf32, #tpu.memory_space<hbm>> -> memref<6272xf32, #tpu.memory_space<hbm>>
      tpu.wait_dma2 semaphore(%run_scoped3A : memref<!tpu.dma_semaphore, #tpu.memory_space<semaphore_mem>>) src(%arg15 : memref<6272xf32, #tpu.memory_space<vmem>>) dst(%dma_wait3A_41 : memref<6272xf32, #tpu.memory_space<hbm>>)
      tpu.yield
    }) : () -> ()
    "tpu.region"() ({
      %run_scoped3A = tpu.sem_alloc : memref<!tpu.dma_semaphore, #tpu.memory_space<semaphore_mem>>
      %dma_start3A = tpu.memref_slice %arg7[%add3A_35] : memref<200704xf32, #tpu.memory_space<hbm>> -> memref<6272xf32, #tpu.memory_space<hbm>>
      %dma_start3A_40 = tpu.memref_slice %arg7[%add3A_35] : memref<200704xf32, #tpu.memory_space<hbm>> -> memref<6272xf32, #tpu.memory_space<hbm>>
      tpu.enqueue_dma source(%arg16 : memref<6272xf32, #tpu.memory_space<vmem>>) target(%dma_start3A_40 : memref<6272xf32, #tpu.memory_space<hbm>>) target_semaphore(%run_scoped3A : memref<!tpu.dma_semaphore, #tpu.memory_space<semaphore_mem>>)
      %dma_wait3A = tpu.memref_slice %arg7[%add3A_35] : memref<200704xf32, #tpu.memory_space<hbm>> -> memref<6272xf32, #tpu.memory_space<hbm>>
      %dma_wait3A_41 = tpu.memref_slice %arg7[%add3A_35] : memref<200704xf32, #tpu.memory_space<hbm>> -> memref<6272xf32, #tpu.memory_space<hbm>>
      tpu.wait_dma2 semaphore(%run_scoped3A : memref<!tpu.dma_semaphore, #tpu.memory_space<semaphore_mem>>) src(%arg16 : memref<6272xf32, #tpu.memory_space<vmem>>) dst(%dma_wait3A_41 : memref<6272xf32, #tpu.memory_space<hbm>>)
      tpu.yield
    }) : () -> ()
    "tpu.region"() ({
      %run_scoped3A = tpu.sem_alloc : memref<!tpu.dma_semaphore, #tpu.memory_space<semaphore_mem>>
      %dma_start3A = tpu.memref_slice %arg8[%add3A_35] : memref<200704xf32, #tpu.memory_space<hbm>> -> memref<6272xf32, #tpu.memory_space<hbm>>
      %dma_start3A_40 = tpu.memref_slice %arg8[%add3A_35] : memref<200704xf32, #tpu.memory_space<hbm>> -> memref<6272xf32, #tpu.memory_space<hbm>>
      tpu.enqueue_dma source(%arg17 : memref<6272xf32, #tpu.memory_space<vmem>>) target(%dma_start3A_40 : memref<6272xf32, #tpu.memory_space<hbm>>) target_semaphore(%run_scoped3A : memref<!tpu.dma_semaphore, #tpu.memory_space<semaphore_mem>>)
      %dma_wait3A = tpu.memref_slice %arg8[%add3A_35] : memref<200704xf32, #tpu.memory_space<hbm>> -> memref<6272xf32, #tpu.memory_space<hbm>>
      %dma_wait3A_41 = tpu.memref_slice %arg8[%add3A_35] : memref<200704xf32, #tpu.memory_space<hbm>> -> memref<6272xf32, #tpu.memory_space<hbm>>
      tpu.wait_dma2 semaphore(%run_scoped3A : memref<!tpu.dma_semaphore, #tpu.memory_space<semaphore_mem>>) src(%arg17 : memref<6272xf32, #tpu.memory_space<vmem>>) dst(%dma_wait3A_41 : memref<6272xf32, #tpu.memory_space<hbm>>)
      tpu.yield
    }) : () -> ()
    "tpu.region"() ({
      %run_scoped3A = tpu.sem_alloc : memref<!tpu.dma_semaphore, #tpu.memory_space<semaphore_mem>>
      %dma_start3A = tpu.memref_slice %arg9[%add3A_35] : memref<200704xf32, #tpu.memory_space<hbm>> -> memref<6272xf32, #tpu.memory_space<hbm>>
      %dma_start3A_40 = tpu.memref_slice %arg9[%add3A_35] : memref<200704xf32, #tpu.memory_space<hbm>> -> memref<6272xf32, #tpu.memory_space<hbm>>
      tpu.enqueue_dma source(%arg18 : memref<6272xf32, #tpu.memory_space<vmem>>) target(%dma_start3A_40 : memref<6272xf32, #tpu.memory_space<hbm>>) target_semaphore(%run_scoped3A : memref<!tpu.dma_semaphore, #tpu.memory_space<semaphore_mem>>)
      %dma_wait3A = tpu.memref_slice %arg9[%add3A_35] : memref<200704xf32, #tpu.memory_space<hbm>> -> memref<6272xf32, #tpu.memory_space<hbm>>
      %dma_wait3A_41 = tpu.memref_slice %arg9[%add3A_35] : memref<200704xf32, #tpu.memory_space<hbm>> -> memref<6272xf32, #tpu.memory_space<hbm>>
      tpu.wait_dma2 semaphore(%run_scoped3A : memref<!tpu.dma_semaphore, #tpu.memory_space<semaphore_mem>>) src(%arg18 : memref<6272xf32, #tpu.memory_space<vmem>>) dst(%dma_wait3A_41 : memref<6272xf32, #tpu.memory_space<hbm>>)
      tpu.yield
    }) : () -> ()
    "tpu.region"() ({
      %run_scoped3A = tpu.sem_alloc : memref<!tpu.dma_semaphore, #tpu.memory_space<semaphore_mem>>
      %dma_start3A = tpu.memref_slice %arg10[%add3A_35] : memref<200704xf32, #tpu.memory_space<hbm>> -> memref<6272xf32, #tpu.memory_space<hbm>>
      %dma_start3A_40 = tpu.memref_slice %arg10[%add3A_35] : memref<200704xf32, #tpu.memory_space<hbm>> -> memref<6272xf32, #tpu.memory_space<hbm>>
      tpu.enqueue_dma source(%arg19 : memref<6272xf32, #tpu.memory_space<vmem>>) target(%dma_start3A_40 : memref<6272xf32, #tpu.memory_space<hbm>>) target_semaphore(%run_scoped3A : memref<!tpu.dma_semaphore, #tpu.memory_space<semaphore_mem>>)
      %dma_wait3A = tpu.memref_slice %arg10[%add3A_35] : memref<200704xf32, #tpu.memory_space<hbm>> -> memref<6272xf32, #tpu.memory_space<hbm>>
      %dma_wait3A_41 = tpu.memref_slice %arg10[%add3A_35] : memref<200704xf32, #tpu.memory_space<hbm>> -> memref<6272xf32, #tpu.memory_space<hbm>>
      tpu.wait_dma2 semaphore(%run_scoped3A : memref<!tpu.dma_semaphore, #tpu.memory_space<semaphore_mem>>) src(%arg19 : memref<6272xf32, #tpu.memory_space<vmem>>) dst(%dma_wait3A_41 : memref<6272xf32, #tpu.memory_space<hbm>>)
      tpu.yield
    }) : () -> ()
    return
  }
}

#map = affine_map<(d0, d1) -> (0)>
module attributes {stable_mosaic.version = 14 : i64} {
  func.func @_combine_kernel(%arg0: i32, %arg1: i32, %arg2: memref<19267584xf32, #tpu.memory_space<hbm>>, %arg3: memref<200704xi32, #tpu.memory_space<hbm>>, %arg4: memref<200704xf32, #tpu.memory_space<hbm>>, %arg5: memref<200704xf32, #tpu.memory_space<hbm>>, %arg6: memref<200704xf32, #tpu.memory_space<hbm>>, %arg7: memref<200704xf32, #tpu.memory_space<hbm>>, %arg8: memref<19267584xf32, #tpu.memory_space<hbm>>, %arg9: memref<50176xf32, #tpu.memory_space<vmem>>, %arg10: memref<50176xf32, #tpu.memory_space<vmem>>, %arg11: memref<1568xi32, #tpu.memory_space<vmem>>, %arg12: memref<1568xi32, #tpu.memory_space<vmem>>, %arg13: memref<1568xf32, #tpu.memory_space<vmem>>, %arg14: memref<1568xf32, #tpu.memory_space<vmem>>, %arg15: memref<1568xf32, #tpu.memory_space<vmem>>, %arg16: memref<1568xf32, #tpu.memory_space<vmem>>, %arg17: memref<1568xf32, #tpu.memory_space<vmem>>, %arg18: memref<1568xf32, #tpu.memory_space<vmem>>, %arg19: memref<1568xf32, #tpu.memory_space<vmem>>, %arg20: memref<1568xf32, #tpu.memory_space<vmem>>, %arg21: memref<1568xf32, #tpu.memory_space<vmem>>, %arg22: memref<1568xf32, #tpu.memory_space<vmem>>, %arg23: memref<1568xf32, #tpu.memory_space<vmem>>, %arg24: memref<1568xf32, #tpu.memory_space<vmem>>, %arg25: memref<!tpu.dma_semaphore, #tpu.memory_space<semaphore_mem>>, %arg26: memref<!tpu.dma_semaphore, #tpu.memory_space<semaphore_mem>>, %arg27: memref<!tpu.dma_semaphore, #tpu.memory_space<semaphore_mem>>, %arg28: memref<!tpu.dma_semaphore, #tpu.memory_space<semaphore_mem>>, %arg29: memref<!tpu.dma_semaphore, #tpu.memory_space<semaphore_mem>>) attributes {dimension_semantics = [#tpu.dimension_semantics<core_parallel>, #tpu.dimension_semantics<subcore_parallel>], iteration_bounds = array<i64: 2, 16>, scalar_prefetch = 0 : i64, scratch_operands = 21 : i64, tpu.core_type = #tpu.core_type<sc_vector_subcore>, window_params = [{transform_indices = #map}, {transform_indices = #map}, {transform_indices = #map}, {transform_indices = #map}, {transform_indices = #map}, {transform_indices = #map}, {transform_indices = #map}]} {
    %mul3A = arith.constant 2 : i32
    %mul3A_0 = arith.muli %arg1, %mul3A : i32
    %add3A = arith.addi %mul3A_0, %arg0 : i32
    %scan3A = arith.constant 0 : i32
    %scan3A_1 = arith.constant 0 : i32
    %scan3A_2 = arith.constant 6 : i32
    %scan3A_3 = arith.addi %scan3A_1, %scan3A_2 : i32
    %scan3A_4 = arith.constant 1 : i32
    scf.for %scan3A_6 = %scan3A_1 to %scan3A_3 step %scan3A_4  : i32 {
      %mul3A_7 = arith.constant 6 : i32
      %mul3A_8 = arith.muli %add3A, %mul3A_7 : i32
      %add3A_9 = arith.addi %mul3A_8, %scan3A_6 : i32
      %jit3A = arith.constant 48 : i32
      %div3A = arith.divsi %add3A_9, %jit3A : i32
      %sign3A = arith.constant 0 : i32
      %sign3A_10 = arith.cmpi sgt, %add3A_9, %sign3A : i32
      %sign3A_11 = arith.extui %sign3A_10 : i1 to i32
      %sign3A_12 = arith.constant 0 : i32
      %sign3A_13 = arith.cmpi slt, %add3A_9, %sign3A_12 : i32
      %sign3A_14 = arith.extui %sign3A_13 : i1 to i32
      %sign3A_15 = arith.subi %sign3A_11, %sign3A_14 : i32
      %sign3A_16 = arith.constant 0 : i32
      %sign3A_17 = arith.cmpi sgt, %jit3A, %sign3A_16 : i32
      %sign3A_18 = arith.extui %sign3A_17 : i1 to i32
      %sign3A_19 = arith.constant 0 : i32
      %sign3A_20 = arith.cmpi slt, %jit3A, %sign3A_19 : i32
      %sign3A_21 = arith.extui %sign3A_20 : i1 to i32
      %sign3A_22 = arith.subi %sign3A_18, %sign3A_21 : i32
      %ne3A = arith.cmpi ne, %sign3A_15, %sign3A_22 : i32
      %rem3A = arith.remsi %add3A_9, %jit3A : i32
      %ne3A_23 = arith.constant 0 : i32
      %ne3A_24 = arith.cmpi ne, %rem3A, %ne3A_23 : i32
      %and3A = arith.andi %ne3A, %ne3A_24 : i1
      %sub3A = arith.constant 1 : i32
      %sub3A_25 = arith.subi %div3A, %sub3A : i32
      %select_n3A = arith.select %and3A, %sub3A_25, %div3A : i32
      %jit3A_26 = arith.constant 48 : i32
      %eq3A = arith.constant 0 : i32
      %eq3A_27 = arith.cmpi eq, %jit3A_26, %eq3A : i32
      %jit3A_28 = arith.constant 1 : i32
      %select_n3A_29 = arith.select %eq3A_27, %jit3A_28, %jit3A_26 : i32
      %rem3A_30 = arith.remsi %add3A_9, %select_n3A_29 : i32
      %ne3A_31 = arith.constant 0 : i32
      %ne3A_32 = arith.cmpi ne, %rem3A_30, %ne3A_31 : i32
      %lt3A = arith.constant 0 : i32
      %lt3A_33 = arith.cmpi slt, %rem3A_30, %lt3A : i32
      %lt3A_34 = arith.constant 0 : i32
      %lt3A_35 = arith.cmpi slt, %select_n3A_29, %lt3A_34 : i32
      %ne3A_36 = arith.xori %lt3A_33, %lt3A_35 : i1
      %and3A_37 = arith.andi %ne3A_36, %ne3A_32 : i1
      %add3A_38 = arith.addi %rem3A_30, %select_n3A_29 : i32
      %select_n3A_39 = arith.select %and3A_37, %add3A_38, %rem3A_30 : i32
      %mul3A_40 = arith.constant 2 : i32
      %mul3A_41 = arith.muli %select_n3A_39, %mul3A_40 : i32
      %mul3A_42 = arith.constant 96 : i32
      %mul3A_43 = arith.muli %select_n3A, %mul3A_42 : i32
      %add3A_44 = arith.addi %mul3A_43, %mul3A_41 : i32
      %mul3A_45 = arith.constant 50176 : i32
      %mul3A_46 = arith.muli %add3A_44, %mul3A_45 : i32
      %dma_start3A = tpu.memref_slice %arg2[%mul3A_46] : memref<19267584xf32, #tpu.memory_space<hbm>> -> memref<50176xf32, #tpu.memory_space<hbm>>
      %dma_start3A_47 = tpu.memref_slice %arg2[%mul3A_46] : memref<19267584xf32, #tpu.memory_space<hbm>> -> memref<50176xf32, #tpu.memory_space<hbm>>
      tpu.enqueue_dma source(%dma_start3A_47 : memref<50176xf32, #tpu.memory_space<hbm>>) target(%arg9 : memref<50176xf32, #tpu.memory_space<vmem>>) target_semaphore(%arg25 : memref<!tpu.dma_semaphore, #tpu.memory_space<semaphore_mem>>)
      %add3A_48 = arith.constant 50176 : i32
      %add3A_49 = arith.addi %mul3A_46, %add3A_48 : i32
      %dma_start3A_50 = tpu.memref_slice %arg2[%add3A_49] : memref<19267584xf32, #tpu.memory_space<hbm>> -> memref<50176xf32, #tpu.memory_space<hbm>>
      %dma_start3A_51 = tpu.memref_slice %arg2[%add3A_49] : memref<19267584xf32, #tpu.memory_space<hbm>> -> memref<50176xf32, #tpu.memory_space<hbm>>
      tpu.enqueue_dma source(%dma_start3A_51 : memref<50176xf32, #tpu.memory_space<hbm>>) target(%arg10 : memref<50176xf32, #tpu.memory_space<vmem>>) target_semaphore(%arg25 : memref<!tpu.dma_semaphore, #tpu.memory_space<semaphore_mem>>)
      %mul3A_52 = arith.constant 50176 : i32
      %mul3A_53 = arith.muli %select_n3A, %mul3A_52 : i32
      %add3A_54 = arith.constant 0 : i32
      %add3A_55 = arith.addi %mul3A_53, %add3A_54 : i32
      %dma_start3A_56 = tpu.memref_slice %arg3[%add3A_55] : memref<200704xi32, #tpu.memory_space<hbm>> -> memref<1568xi32, #tpu.memory_space<hbm>>
      %dma_start3A_57 = tpu.memref_slice %arg3[%add3A_55] : memref<200704xi32, #tpu.memory_space<hbm>> -> memref<1568xi32, #tpu.memory_space<hbm>>
      tpu.enqueue_dma source(%dma_start3A_57 : memref<1568xi32, #tpu.memory_space<hbm>>) target(%arg11 : memref<1568xi32, #tpu.memory_space<vmem>>) target_semaphore(%arg26 : memref<!tpu.dma_semaphore, #tpu.memory_space<semaphore_mem>>)
      %dma_start3A_58 = tpu.memref_slice %arg4[%add3A_55] : memref<200704xf32, #tpu.memory_space<hbm>> -> memref<1568xf32, #tpu.memory_space<hbm>>
      %dma_start3A_59 = tpu.memref_slice %arg4[%add3A_55] : memref<200704xf32, #tpu.memory_space<hbm>> -> memref<1568xf32, #tpu.memory_space<hbm>>
      tpu.enqueue_dma source(%dma_start3A_59 : memref<1568xf32, #tpu.memory_space<hbm>>) target(%arg13 : memref<1568xf32, #tpu.memory_space<vmem>>) target_semaphore(%arg26 : memref<!tpu.dma_semaphore, #tpu.memory_space<semaphore_mem>>)
      %dma_start3A_60 = tpu.memref_slice %arg5[%add3A_55] : memref<200704xf32, #tpu.memory_space<hbm>> -> memref<1568xf32, #tpu.memory_space<hbm>>
      %dma_start3A_61 = tpu.memref_slice %arg5[%add3A_55] : memref<200704xf32, #tpu.memory_space<hbm>> -> memref<1568xf32, #tpu.memory_space<hbm>>
      tpu.enqueue_dma source(%dma_start3A_61 : memref<1568xf32, #tpu.memory_space<hbm>>) target(%arg14 : memref<1568xf32, #tpu.memory_space<vmem>>) target_semaphore(%arg26 : memref<!tpu.dma_semaphore, #tpu.memory_space<semaphore_mem>>)
      %dma_start3A_62 = tpu.memref_slice %arg6[%add3A_55] : memref<200704xf32, #tpu.memory_space<hbm>> -> memref<1568xf32, #tpu.memory_space<hbm>>
      %dma_start3A_63 = tpu.memref_slice %arg6[%add3A_55] : memref<200704xf32, #tpu.memory_space<hbm>> -> memref<1568xf32, #tpu.memory_space<hbm>>
      tpu.enqueue_dma source(%dma_start3A_63 : memref<1568xf32, #tpu.memory_space<hbm>>) target(%arg15 : memref<1568xf32, #tpu.memory_space<vmem>>) target_semaphore(%arg26 : memref<!tpu.dma_semaphore, #tpu.memory_space<semaphore_mem>>)
      %dma_start3A_64 = tpu.memref_slice %arg7[%add3A_55] : memref<200704xf32, #tpu.memory_space<hbm>> -> memref<1568xf32, #tpu.memory_space<hbm>>
      %dma_start3A_65 = tpu.memref_slice %arg7[%add3A_55] : memref<200704xf32, #tpu.memory_space<hbm>> -> memref<1568xf32, #tpu.memory_space<hbm>>
      tpu.enqueue_dma source(%dma_start3A_65 : memref<1568xf32, #tpu.memory_space<hbm>>) target(%arg16 : memref<1568xf32, #tpu.memory_space<vmem>>) target_semaphore(%arg26 : memref<!tpu.dma_semaphore, #tpu.memory_space<semaphore_mem>>)
      %mul3A_66 = arith.constant 50176 : i32
      %mul3A_67 = arith.muli %select_n3A, %mul3A_66 : i32
      %add3A_68 = arith.constant 1568 : i32
      %add3A_69 = arith.addi %mul3A_67, %add3A_68 : i32
      %dma_start3A_70 = tpu.memref_slice %arg3[%add3A_69] : memref<200704xi32, #tpu.memory_space<hbm>> -> memref<1568xi32, #tpu.memory_space<hbm>>
      %dma_start3A_71 = tpu.memref_slice %arg3[%add3A_69] : memref<200704xi32, #tpu.memory_space<hbm>> -> memref<1568xi32, #tpu.memory_space<hbm>>
      tpu.enqueue_dma source(%dma_start3A_71 : memref<1568xi32, #tpu.memory_space<hbm>>) target(%arg12 : memref<1568xi32, #tpu.memory_space<vmem>>) target_semaphore(%arg27 : memref<!tpu.dma_semaphore, #tpu.memory_space<semaphore_mem>>)
      %dma_start3A_72 = tpu.memref_slice %arg4[%add3A_69] : memref<200704xf32, #tpu.memory_space<hbm>> -> memref<1568xf32, #tpu.memory_space<hbm>>
      %dma_start3A_73 = tpu.memref_slice %arg4[%add3A_69] : memref<200704xf32, #tpu.memory_space<hbm>> -> memref<1568xf32, #tpu.memory_space<hbm>>
      tpu.enqueue_dma source(%dma_start3A_73 : memref<1568xf32, #tpu.memory_space<hbm>>) target(%arg17 : memref<1568xf32, #tpu.memory_space<vmem>>) target_semaphore(%arg27 : memref<!tpu.dma_semaphore, #tpu.memory_space<semaphore_mem>>)
      %dma_start3A_74 = tpu.memref_slice %arg5[%add3A_69] : memref<200704xf32, #tpu.memory_space<hbm>> -> memref<1568xf32, #tpu.memory_space<hbm>>
      %dma_start3A_75 = tpu.memref_slice %arg5[%add3A_69] : memref<200704xf32, #tpu.memory_space<hbm>> -> memref<1568xf32, #tpu.memory_space<hbm>>
      tpu.enqueue_dma source(%dma_start3A_75 : memref<1568xf32, #tpu.memory_space<hbm>>) target(%arg18 : memref<1568xf32, #tpu.memory_space<vmem>>) target_semaphore(%arg27 : memref<!tpu.dma_semaphore, #tpu.memory_space<semaphore_mem>>)
      %dma_start3A_76 = tpu.memref_slice %arg6[%add3A_69] : memref<200704xf32, #tpu.memory_space<hbm>> -> memref<1568xf32, #tpu.memory_space<hbm>>
      %dma_start3A_77 = tpu.memref_slice %arg6[%add3A_69] : memref<200704xf32, #tpu.memory_space<hbm>> -> memref<1568xf32, #tpu.memory_space<hbm>>
      tpu.enqueue_dma source(%dma_start3A_77 : memref<1568xf32, #tpu.memory_space<hbm>>) target(%arg19 : memref<1568xf32, #tpu.memory_space<vmem>>) target_semaphore(%arg27 : memref<!tpu.dma_semaphore, #tpu.memory_space<semaphore_mem>>)
      %dma_start3A_78 = tpu.memref_slice %arg7[%add3A_69] : memref<200704xf32, #tpu.memory_space<hbm>> -> memref<1568xf32, #tpu.memory_space<hbm>>
      %dma_start3A_79 = tpu.memref_slice %arg7[%add3A_69] : memref<200704xf32, #tpu.memory_space<hbm>> -> memref<1568xf32, #tpu.memory_space<hbm>>
      tpu.enqueue_dma source(%dma_start3A_79 : memref<1568xf32, #tpu.memory_space<hbm>>) target(%arg20 : memref<1568xf32, #tpu.memory_space<vmem>>) target_semaphore(%arg27 : memref<!tpu.dma_semaphore, #tpu.memory_space<semaphore_mem>>)
      %dma_wait3A = tpu.memref_slice %arg2[%mul3A_46] : memref<19267584xf32, #tpu.memory_space<hbm>> -> memref<50176xf32, #tpu.memory_space<hbm>>
      %dma_wait3A_80 = tpu.memref_slice %arg2[%mul3A_46] : memref<19267584xf32, #tpu.memory_space<hbm>> -> memref<50176xf32, #tpu.memory_space<hbm>>
      tpu.wait_dma2 semaphore(%arg25 : memref<!tpu.dma_semaphore, #tpu.memory_space<semaphore_mem>>) src(%dma_wait3A_80 : memref<50176xf32, #tpu.memory_space<hbm>>) dst(%arg9 : memref<50176xf32, #tpu.memory_space<vmem>>)
      %dma_wait3A_81 = tpu.memref_slice %arg2[%add3A_49] : memref<19267584xf32, #tpu.memory_space<hbm>> -> memref<50176xf32, #tpu.memory_space<hbm>>
      %dma_wait3A_82 = tpu.memref_slice %arg2[%add3A_49] : memref<19267584xf32, #tpu.memory_space<hbm>> -> memref<50176xf32, #tpu.memory_space<hbm>>
      tpu.wait_dma2 semaphore(%arg25 : memref<!tpu.dma_semaphore, #tpu.memory_space<semaphore_mem>>) src(%dma_wait3A_82 : memref<50176xf32, #tpu.memory_space<hbm>>) dst(%arg10 : memref<50176xf32, #tpu.memory_space<vmem>>)
      %dma_wait3A_83 = arith.constant 0 : i32
      %dma_wait3A_84 = tpu.memref_slice %arg3[%dma_wait3A_83] : memref<200704xi32, #tpu.memory_space<hbm>> -> memref<1568xi32, #tpu.memory_space<hbm>>
      %dma_wait3A_85 = arith.constant 0 : i32
      %dma_wait3A_86 = tpu.memref_slice %arg3[%dma_wait3A_85] : memref<200704xi32, #tpu.memory_space<hbm>> -> memref<1568xi32, #tpu.memory_space<hbm>>
      tpu.wait_dma2 semaphore(%arg26 : memref<!tpu.dma_semaphore, #tpu.memory_space<semaphore_mem>>) src(%dma_wait3A_86 : memref<1568xi32, #tpu.memory_space<hbm>>) dst(%arg11 : memref<1568xi32, #tpu.memory_space<vmem>>)
      %dma_wait3A_87 = arith.constant 0 : i32
      %dma_wait3A_88 = tpu.memref_slice %arg4[%dma_wait3A_87] : memref<200704xf32, #tpu.memory_space<hbm>> -> memref<1568xf32, #tpu.memory_space<hbm>>
      %dma_wait3A_89 = arith.constant 0 : i32
      %dma_wait3A_90 = tpu.memref_slice %arg4[%dma_wait3A_89] : memref<200704xf32, #tpu.memory_space<hbm>> -> memref<1568xf32, #tpu.memory_space<hbm>>
      tpu.wait_dma2 semaphore(%arg26 : memref<!tpu.dma_semaphore, #tpu.memory_space<semaphore_mem>>) src(%dma_wait3A_90 : memref<1568xf32, #tpu.memory_space<hbm>>) dst(%arg13 : memref<1568xf32, #tpu.memory_space<vmem>>)
      %dma_wait3A_91 = arith.constant 0 : i32
      %dma_wait3A_92 = tpu.memref_slice %arg5[%dma_wait3A_91] : memref<200704xf32, #tpu.memory_space<hbm>> -> memref<1568xf32, #tpu.memory_space<hbm>>
      %dma_wait3A_93 = arith.constant 0 : i32
      %dma_wait3A_94 = tpu.memref_slice %arg5[%dma_wait3A_93] : memref<200704xf32, #tpu.memory_space<hbm>> -> memref<1568xf32, #tpu.memory_space<hbm>>
      tpu.wait_dma2 semaphore(%arg26 : memref<!tpu.dma_semaphore, #tpu.memory_space<semaphore_mem>>) src(%dma_wait3A_94 : memref<1568xf32, #tpu.memory_space<hbm>>) dst(%arg14 : memref<1568xf32, #tpu.memory_space<vmem>>)
      %dma_wait3A_95 = arith.constant 0 : i32
      %dma_wait3A_96 = tpu.memref_slice %arg6[%dma_wait3A_95] : memref<200704xf32, #tpu.memory_space<hbm>> -> memref<1568xf32, #tpu.memory_space<hbm>>
      %dma_wait3A_97 = arith.constant 0 : i32
      %dma_wait3A_98 = tpu.memref_slice %arg6[%dma_wait3A_97] : memref<200704xf32, #tpu.memory_space<hbm>> -> memref<1568xf32, #tpu.memory_space<hbm>>
      tpu.wait_dma2 semaphore(%arg26 : memref<!tpu.dma_semaphore, #tpu.memory_space<semaphore_mem>>) src(%dma_wait3A_98 : memref<1568xf32, #tpu.memory_space<hbm>>) dst(%arg15 : memref<1568xf32, #tpu.memory_space<vmem>>)
      %dma_wait3A_99 = arith.constant 0 : i32
      %dma_wait3A_100 = tpu.memref_slice %arg7[%dma_wait3A_99] : memref<200704xf32, #tpu.memory_space<hbm>> -> memref<1568xf32, #tpu.memory_space<hbm>>
      %dma_wait3A_101 = arith.constant 0 : i32
      %dma_wait3A_102 = tpu.memref_slice %arg7[%dma_wait3A_101] : memref<200704xf32, #tpu.memory_space<hbm>> -> memref<1568xf32, #tpu.memory_space<hbm>>
      tpu.wait_dma2 semaphore(%arg26 : memref<!tpu.dma_semaphore, #tpu.memory_space<semaphore_mem>>) src(%dma_wait3A_102 : memref<1568xf32, #tpu.memory_space<hbm>>) dst(%arg16 : memref<1568xf32, #tpu.memory_space<vmem>>)
      %parallel_loop3A = arith.constant 0 : i32
      %parallel_loop3A_103 = arith.constant 1568 : i32
      %parallel_loop3A_104 = arith.constant 16 : i32
      scf.for %parallel_loop3A_241 = %parallel_loop3A to %parallel_loop3A_103 step %parallel_loop3A_104  : i32 {
        %parallel_loop3A_242 = arith.index_cast %parallel_loop3A_241 : i32 to index
        %parallel_loop3A_243 = tpu.vector_load %arg11[%parallel_loop3A_242] {strides = array<i32>} : memref<1568xi32, #tpu.memory_space<vmem>>, vector<16xi32>,
        %parallel_loop3A_244 = arith.constant 1 : i32
        %parallel_loop3A_245 = vector.broadcast %parallel_loop3A_244 : i32 to vector<16xi32>
        %parallel_loop3A_246 = arith.addi %parallel_loop3A_243, %parallel_loop3A_245 : vector<16xi32>
        %parallel_loop3A_247 = arith.constant 224 : i32
        %parallel_loop3A_248 = vector.broadcast %parallel_loop3A_247 : i32 to vector<16xi32>
        %parallel_loop3A_249 = arith.addi %parallel_loop3A_243, %parallel_loop3A_248 : vector<16xi32>
        %parallel_loop3A_250 = arith.constant 225 : i32
        %parallel_loop3A_251 = vector.broadcast %parallel_loop3A_250 : i32 to vector<16xi32>
        %parallel_loop3A_252 = arith.addi %parallel_loop3A_243, %parallel_loop3A_251 : vector<16xi32>
        %parallel_loop3A_253 = arith.index_cast %parallel_loop3A_241 : i32 to index
        %parallel_loop3A_254 = tpu.vector_load %arg13[%parallel_loop3A_253] {strides = array<i32>} : memref<1568xf32, #tpu.memory_space<vmem>>, vector<16xf32>,
        %parallel_loop3A_255 = arith.index_cast %parallel_loop3A_241 : i32 to index
        %parallel_loop3A_256 = tpu.vector_load %arg14[%parallel_loop3A_255] {strides = array<i32>} : memref<1568xf32, #tpu.memory_space<vmem>>, vector<16xf32>,
        %parallel_loop3A_257 = arith.index_cast %parallel_loop3A_241 : i32 to index
        %parallel_loop3A_258 = tpu.vector_load %arg15[%parallel_loop3A_257] {strides = array<i32>} : memref<1568xf32, #tpu.memory_space<vmem>>, vector<16xf32>,
        %parallel_loop3A_259 = arith.index_cast %parallel_loop3A_241 : i32 to index
        %parallel_loop3A_260 = tpu.vector_load %arg16[%parallel_loop3A_259] {strides = array<i32>} : memref<1568xf32, #tpu.memory_space<vmem>>, vector<16xf32>,
        %parallel_loop3A_261 = tpu.vector_load_idx %arg9[%parallel_loop3A_243] : memref<50176xf32, #tpu.memory_space<vmem>>[vector<16xi32>], vector<16xf32>,
        %parallel_loop3A_262 = tpu.vector_load_idx %arg9[%parallel_loop3A_246] : memref<50176xf32, #tpu.memory_space<vmem>>[vector<16xi32>], vector<16xf32>,
        %parallel_loop3A_263 = tpu.vector_load_idx %arg9[%parallel_loop3A_249] : memref<50176xf32, #tpu.memory_space<vmem>>[vector<16xi32>], vector<16xf32>,
        %parallel_loop3A_264 = tpu.vector_load_idx %arg9[%parallel_loop3A_252] : memref<50176xf32, #tpu.memory_space<vmem>>[vector<16xi32>], vector<16xf32>,
        %parallel_loop3A_265 = arith.mulf %parallel_loop3A_254, %parallel_loop3A_261 : vector<16xf32>
        %parallel_loop3A_266 = arith.mulf %parallel_loop3A_256, %parallel_loop3A_262 : vector<16xf32>
        %parallel_loop3A_267 = arith.addf %parallel_loop3A_265, %parallel_loop3A_266 : vector<16xf32>
        %parallel_loop3A_268 = arith.mulf %parallel_loop3A_258, %parallel_loop3A_263 : vector<16xf32>
        %parallel_loop3A_269 = arith.mulf %parallel_loop3A_260, %parallel_loop3A_264 : vector<16xf32>
        %parallel_loop3A_270 = arith.addf %parallel_loop3A_268, %parallel_loop3A_269 : vector<16xf32>
        %parallel_loop3A_271 = arith.addf %parallel_loop3A_267, %parallel_loop3A_270 : vector<16xf32>
        %parallel_loop3A_272 = arith.index_cast %parallel_loop3A_241 : i32 to index
        %parallel_loop3A_273 = tpu.vector_load %arg21[%parallel_loop3A_272] {strides = array<i32>} : memref<1568xf32, #tpu.memory_space<vmem>>, vector<16xf32>,
        tpu.vector_store %arg21[%parallel_loop3A_272], %parallel_loop3A_271 {strides = array<i32>} : memref<1568xf32, #tpu.memory_space<vmem>>, vector<16xf32>,
        %parallel_loop3A_274 = tpu.vector_load_idx %arg10[%parallel_loop3A_243] : memref<50176xf32, #tpu.memory_space<vmem>>[vector<16xi32>], vector<16xf32>,
        %parallel_loop3A_275 = tpu.vector_load_idx %arg10[%parallel_loop3A_246] : memref<50176xf32, #tpu.memory_space<vmem>>[vector<16xi32>], vector<16xf32>,
        %parallel_loop3A_276 = tpu.vector_load_idx %arg10[%parallel_loop3A_249] : memref<50176xf32, #tpu.memory_space<vmem>>[vector<16xi32>], vector<16xf32>,
        %parallel_loop3A_277 = tpu.vector_load_idx %arg10[%parallel_loop3A_252] : memref<50176xf32, #tpu.memory_space<vmem>>[vector<16xi32>], vector<16xf32>,
        %parallel_loop3A_278 = arith.mulf %parallel_loop3A_254, %parallel_loop3A_274 : vector<16xf32>
        %parallel_loop3A_279 = arith.mulf %parallel_loop3A_256, %parallel_loop3A_275 : vector<16xf32>
        %parallel_loop3A_280 = arith.addf %parallel_loop3A_278, %parallel_loop3A_279 : vector<16xf32>
        %parallel_loop3A_281 = arith.mulf %parallel_loop3A_258, %parallel_loop3A_276 : vector<16xf32>
        %parallel_loop3A_282 = arith.mulf %parallel_loop3A_260, %parallel_loop3A_277 : vector<16xf32>
        %parallel_loop3A_283 = arith.addf %parallel_loop3A_281, %parallel_loop3A_282 : vector<16xf32>
        %parallel_loop3A_284 = arith.addf %parallel_loop3A_280, %parallel_loop3A_283 : vector<16xf32>
        %parallel_loop3A_285 = arith.index_cast %parallel_loop3A_241 : i32 to index
        %parallel_loop3A_286 = tpu.vector_load %arg22[%parallel_loop3A_285] {strides = array<i32>} : memref<1568xf32, #tpu.memory_space<vmem>>, vector<16xf32>,
        tpu.vector_store %arg22[%parallel_loop3A_285], %parallel_loop3A_284 {strides = array<i32>} : memref<1568xf32, #tpu.memory_space<vmem>>, vector<16xf32>,
      } {sc.loop_unroll_factor = 4 : i64, sc.parallel_access}
      %add3A_105 = arith.constant 0 : i32
      %add3A_106 = arith.addi %mul3A_46, %add3A_105 : i32
      %dma_start3A_107 = tpu.memref_slice %arg8[%add3A_106] : memref<19267584xf32, #tpu.memory_space<hbm>> -> memref<1568xf32, #tpu.memory_space<hbm>>
      %dma_start3A_108 = tpu.memref_slice %arg8[%add3A_106] : memref<19267584xf32, #tpu.memory_space<hbm>> -> memref<1568xf32, #tpu.memory_space<hbm>>
      tpu.enqueue_dma source(%arg21 : memref<1568xf32, #tpu.memory_space<vmem>>) target(%dma_start3A_108 : memref<1568xf32, #tpu.memory_space<hbm>>) target_semaphore(%arg28 : memref<!tpu.dma_semaphore, #tpu.memory_space<semaphore_mem>>)
      %add3A_109 = arith.constant 50176 : i32
      %add3A_110 = arith.addi %add3A_106, %add3A_109 : i32
      %dma_start3A_111 = tpu.memref_slice %arg8[%add3A_110] : memref<19267584xf32, #tpu.memory_space<hbm>> -> memref<1568xf32, #tpu.memory_space<hbm>>
      %dma_start3A_112 = tpu.memref_slice %arg8[%add3A_110] : memref<19267584xf32, #tpu.memory_space<hbm>> -> memref<1568xf32, #tpu.memory_space<hbm>>
      tpu.enqueue_dma source(%arg22 : memref<1568xf32, #tpu.memory_space<vmem>>) target(%dma_start3A_112 : memref<1568xf32, #tpu.memory_space<hbm>>) target_semaphore(%arg28 : memref<!tpu.dma_semaphore, #tpu.memory_space<semaphore_mem>>)
      %min3A = arith.constant 2 : i32
      %min3A_113 = arith.constant 31 : i32
      %min3A_114 = arith.minsi %min3A, %min3A_113 : i32
      %mul3A_115 = arith.constant 50176 : i32
      %mul3A_116 = arith.muli %select_n3A, %mul3A_115 : i32
      %mul3A_117 = arith.constant 1568 : i32
      %mul3A_118 = arith.muli %min3A_114, %mul3A_117 : i32
      %add3A_119 = arith.addi %mul3A_116, %mul3A_118 : i32
      %dma_start3A_120 = tpu.memref_slice %arg3[%add3A_119] : memref<200704xi32, #tpu.memory_space<hbm>> -> memref<1568xi32, #tpu.memory_space<hbm>>
      %dma_start3A_121 = tpu.memref_slice %arg3[%add3A_119] : memref<200704xi32, #tpu.memory_space<hbm>> -> memref<1568xi32, #tpu.memory_space<hbm>>
      tpu.enqueue_dma source(%dma_start3A_121 : memref<1568xi32, #tpu.memory_space<hbm>>) target(%arg11 : memref<1568xi32, #tpu.memory_space<vmem>>) target_semaphore(%arg26 : memref<!tpu.dma_semaphore, #tpu.memory_space<semaphore_mem>>)
      %dma_start3A_122 = tpu.memref_slice %arg4[%add3A_119] : memref<200704xf32, #tpu.memory_space<hbm>> -> memref<1568xf32, #tpu.memory_space<hbm>>
      %dma_start3A_123 = tpu.memref_slice %arg4[%add3A_119] : memref<200704xf32, #tpu.memory_space<hbm>> -> memref<1568xf32, #tpu.memory_space<hbm>>
      tpu.enqueue_dma source(%dma_start3A_123 : memref<1568xf32, #tpu.memory_space<hbm>>) target(%arg13 : memref<1568xf32, #tpu.memory_space<vmem>>) target_semaphore(%arg26 : memref<!tpu.dma_semaphore, #tpu.memory_space<semaphore_mem>>)
      %dma_start3A_124 = tpu.memref_slice %arg5[%add3A_119] : memref<200704xf32, #tpu.memory_space<hbm>> -> memref<1568xf32, #tpu.memory_space<hbm>>
      %dma_start3A_125 = tpu.memref_slice %arg5[%add3A_119] : memref<200704xf32, #tpu.memory_space<hbm>> -> memref<1568xf32, #tpu.memory_space<hbm>>
      tpu.enqueue_dma source(%dma_start3A_125 : memref<1568xf32, #tpu.memory_space<hbm>>) target(%arg14 : memref<1568xf32, #tpu.memory_space<vmem>>) target_semaphore(%arg26 : memref<!tpu.dma_semaphore, #tpu.memory_space<semaphore_mem>>)
      %dma_start3A_126 = tpu.memref_slice %arg6[%add3A_119] : memref<200704xf32, #tpu.memory_space<hbm>> -> memref<1568xf32, #tpu.memory_space<hbm>>
      %dma_start3A_127 = tpu.memref_slice %arg6[%add3A_119] : memref<200704xf32, #tpu.memory_space<hbm>> -> memref<1568xf32, #tpu.memory_space<hbm>>
      tpu.enqueue_dma source(%dma_start3A_127 : memref<1568xf32, #tpu.memory_space<hbm>>) target(%arg15 : memref<1568xf32, #tpu.memory_space<vmem>>) target_semaphore(%arg26 : memref<!tpu.dma_semaphore, #tpu.memory_space<semaphore_mem>>)
      %dma_start3A_128 = tpu.memref_slice %arg7[%add3A_119] : memref<200704xf32, #tpu.memory_space<hbm>> -> memref<1568xf32, #tpu.memory_space<hbm>>
      %dma_start3A_129 = tpu.memref_slice %arg7[%add3A_119] : memref<200704xf32, #tpu.memory_space<hbm>> -> memref<1568xf32, #tpu.memory_space<hbm>>
      tpu.enqueue_dma source(%dma_start3A_129 : memref<1568xf32, #tpu.memory_space<hbm>>) target(%arg16 : memref<1568xf32, #tpu.memory_space<vmem>>) target_semaphore(%arg26 : memref<!tpu.dma_semaphore, #tpu.memory_space<semaphore_mem>>)
      %dma_wait3A_130 = arith.constant 0 : i32
      %dma_wait3A_131 = tpu.memref_slice %arg3[%dma_wait3A_130] : memref<200704xi32, #tpu.memory_space<hbm>> -> memref<1568xi32, #tpu.memory_space<hbm>>
      %dma_wait3A_132 = arith.constant 0 : i32
      %dma_wait3A_133 = tpu.memref_slice %arg3[%dma_wait3A_132] : memref<200704xi32, #tpu.memory_space<hbm>> -> memref<1568xi32, #tpu.memory_space<hbm>>
      tpu.wait_dma2 semaphore(%arg27 : memref<!tpu.dma_semaphore, #tpu.memory_space<semaphore_mem>>) src(%dma_wait3A_133 : memref<1568xi32, #tpu.memory_space<hbm>>) dst(%arg12 : memref<1568xi32, #tpu.memory_space<vmem>>)
      %dma_wait3A_134 = arith.constant 0 : i32
      %dma_wait3A_135 = tpu.memref_slice %arg4[%dma_wait3A_134] : memref<200704xf32, #tpu.memory_space<hbm>> -> memref<1568xf32, #tpu.memory_space<hbm>>
      %dma_wait3A_136 = arith.constant 0 : i32
      %dma_wait3A_137 = tpu.memref_slice %arg4[%dma_wait3A_136] : memref<200704xf32, #tpu.memory_space<hbm>> -> memref<1568xf32, #tpu.memory_space<hbm>>
      tpu.wait_dma2 semaphore(%arg27 : memref<!tpu.dma_semaphore, #tpu.memory_space<semaphore_mem>>) src(%dma_wait3A_137 : memref<1568xf32, #tpu.memory_space<hbm>>) dst(%arg17 : memref<1568xf32, #tpu.memory_space<vmem>>)
      %dma_wait3A_138 = arith.constant 0 : i32
      %dma_wait3A_139 = tpu.memref_slice %arg5[%dma_wait3A_138] : memref<200704xf32, #tpu.memory_space<hbm>> -> memref<1568xf32, #tpu.memory_space<hbm>>
      %dma_wait3A_140 = arith.constant 0 : i32
      %dma_wait3A_141 = tpu.memref_slice %arg5[%dma_wait3A_140] : memref<200704xf32, #tpu.memory_space<hbm>> -> memref<1568xf32, #tpu.memory_space<hbm>>
      tpu.wait_dma2 semaphore(%arg27 : memref<!tpu.dma_semaphore, #tpu.memory_space<semaphore_mem>>) src(%dma_wait3A_141 : memref<1568xf32, #tpu.memory_space<hbm>>) dst(%arg18 : memref<1568xf32, #tpu.memory_space<vmem>>)
      %dma_wait3A_142 = arith.constant 0 : i32
      %dma_wait3A_143 = tpu.memref_slice %arg6[%dma_wait3A_142] : memref<200704xf32, #tpu.memory_space<hbm>> -> memref<1568xf32, #tpu.memory_space<hbm>>
      %dma_wait3A_144 = arith.constant 0 : i32
      %dma_wait3A_145 = tpu.memref_slice %arg6[%dma_wait3A_144] : memref<200704xf32, #tpu.memory_space<hbm>> -> memref<1568xf32, #tpu.memory_space<hbm>>
      tpu.wait_dma2 semaphore(%arg27 : memref<!tpu.dma_semaphore, #tpu.memory_space<semaphore_mem>>) src(%dma_wait3A_145 : memref<1568xf32, #tpu.memory_space<hbm>>) dst(%arg19 : memref<1568xf32, #tpu.memory_space<vmem>>)
      %dma_wait3A_146 = arith.constant 0 : i32
      %dma_wait3A_147 = tpu.memref_slice %arg7[%dma_wait3A_146] : memref<200704xf32, #tpu.memory_space<hbm>> -> memref<1568xf32, #tpu.memory_space<hbm>>
      %dma_wait3A_148 = arith.constant 0 : i32
      %dma_wait3A_149 = tpu.memref_slice %arg7[%dma_wait3A_148] : memref<200704xf32, #tpu.memory_space<hbm>> -> memref<1568xf32, #tpu.memory_space<hbm>>
      tpu.wait_dma2 semaphore(%arg27 : memref<!tpu.dma_semaphore, #tpu.memory_space<semaphore_mem>>) src(%dma_wait3A_149 : memref<1568xf32, #tpu.memory_space<hbm>>) dst(%arg20 : memref<1568xf32, #tpu.memory_space<vmem>>)
      %parallel_loop3A_150 = arith.constant 0 : i32
      %parallel_loop3A_151 = arith.constant 1568 : i32
      %parallel_loop3A_152 = arith.constant 16 : i32
      scf.for %parallel_loop3A_241 = %parallel_loop3A_150 to %parallel_loop3A_151 step %parallel_loop3A_152  : i32 {
        %parallel_loop3A_242 = arith.index_cast %parallel_loop3A_241 : i32 to index
        %parallel_loop3A_243 = tpu.vector_load %arg12[%parallel_loop3A_242] {strides = array<i32>} : memref<1568xi32, #tpu.memory_space<vmem>>, vector<16xi32>,
        %parallel_loop3A_244 = arith.constant 1 : i32
        %parallel_loop3A_245 = vector.broadcast %parallel_loop3A_244 : i32 to vector<16xi32>
        %parallel_loop3A_246 = arith.addi %parallel_loop3A_243, %parallel_loop3A_245 : vector<16xi32>
        %parallel_loop3A_247 = arith.constant 224 : i32
        %parallel_loop3A_248 = vector.broadcast %parallel_loop3A_247 : i32 to vector<16xi32>
        %parallel_loop3A_249 = arith.addi %parallel_loop3A_243, %parallel_loop3A_248 : vector<16xi32>
        %parallel_loop3A_250 = arith.constant 225 : i32
        %parallel_loop3A_251 = vector.broadcast %parallel_loop3A_250 : i32 to vector<16xi32>
        %parallel_loop3A_252 = arith.addi %parallel_loop3A_243, %parallel_loop3A_251 : vector<16xi32>
        %parallel_loop3A_253 = arith.index_cast %parallel_loop3A_241 : i32 to index
        %parallel_loop3A_254 = tpu.vector_load %arg17[%parallel_loop3A_253] {strides = array<i32>} : memref<1568xf32, #tpu.memory_space<vmem>>, vector<16xf32>,
        %parallel_loop3A_255 = arith.index_cast %parallel_loop3A_241 : i32 to index
        %parallel_loop3A_256 = tpu.vector_load %arg18[%parallel_loop3A_255] {strides = array<i32>} : memref<1568xf32, #tpu.memory_space<vmem>>, vector<16xf32>,
        %parallel_loop3A_257 = arith.index_cast %parallel_loop3A_241 : i32 to index
        %parallel_loop3A_258 = tpu.vector_load %arg19[%parallel_loop3A_257] {strides = array<i32>} : memref<1568xf32, #tpu.memory_space<vmem>>, vector<16xf32>,
        %parallel_loop3A_259 = arith.index_cast %parallel_loop3A_241 : i32 to index
        %parallel_loop3A_260 = tpu.vector_load %arg20[%parallel_loop3A_259] {strides = array<i32>} : memref<1568xf32, #tpu.memory_space<vmem>>, vector<16xf32>,
        %parallel_loop3A_261 = tpu.vector_load_idx %arg9[%parallel_loop3A_243] : memref<50176xf32, #tpu.memory_space<vmem>>[vector<16xi32>], vector<16xf32>,
        %parallel_loop3A_262 = tpu.vector_load_idx %arg9[%parallel_loop3A_246] : memref<50176xf32, #tpu.memory_space<vmem>>[vector<16xi32>], vector<16xf32>,
        %parallel_loop3A_263 = tpu.vector_load_idx %arg9[%parallel_loop3A_249] : memref<50176xf32, #tpu.memory_space<vmem>>[vector<16xi32>], vector<16xf32>,
        %parallel_loop3A_264 = tpu.vector_load_idx %arg9[%parallel_loop3A_252] : memref<50176xf32, #tpu.memory_space<vmem>>[vector<16xi32>], vector<16xf32>,
        %parallel_loop3A_265 = arith.mulf %parallel_loop3A_254, %parallel_loop3A_261 : vector<16xf32>
        %parallel_loop3A_266 = arith.mulf %parallel_loop3A_256, %parallel_loop3A_262 : vector<16xf32>
        %parallel_loop3A_267 = arith.addf %parallel_loop3A_265, %parallel_loop3A_266 : vector<16xf32>
        %parallel_loop3A_268 = arith.mulf %parallel_loop3A_258, %parallel_loop3A_263 : vector<16xf32>
        %parallel_loop3A_269 = arith.mulf %parallel_loop3A_260, %parallel_loop3A_264 : vector<16xf32>
        %parallel_loop3A_270 = arith.addf %parallel_loop3A_268, %parallel_loop3A_269 : vector<16xf32>
        %parallel_loop3A_271 = arith.addf %parallel_loop3A_267, %parallel_loop3A_270 : vector<16xf32>
        %parallel_loop3A_272 = arith.index_cast %parallel_loop3A_241 : i32 to index
        %parallel_loop3A_273 = tpu.vector_load %arg23[%parallel_loop3A_272] {strides = array<i32>} : memref<1568xf32, #tpu.memory_space<vmem>>, vector<16xf32>,
        tpu.vector_store %arg23[%parallel_loop3A_272], %parallel_loop3A_271 {strides = array<i32>} : memref<1568xf32, #tpu.memory_space<vmem>>, vector<16xf32>,
        %parallel_loop3A_274 = tpu.vector_load_idx %arg10[%parallel_loop3A_243] : memref<50176xf32, #tpu.memory_space<vmem>>[vector<16xi32>], vector<16xf32>,
        %parallel_loop3A_275 = tpu.vector_load_idx %arg10[%parallel_loop3A_246] : memref<50176xf32, #tpu.memory_space<vmem>>[vector<16xi32>], vector<16xf32>,
        %parallel_loop3A_276 = tpu.vector_load_idx %arg10[%parallel_loop3A_249] : memref<50176xf32, #tpu.memory_space<vmem>>[vector<16xi32>], vector<16xf32>,
        %parallel_loop3A_277 = tpu.vector_load_idx %arg10[%parallel_loop3A_252] : memref<50176xf32, #tpu.memory_space<vmem>>[vector<16xi32>], vector<16xf32>,
        %parallel_loop3A_278 = arith.mulf %parallel_loop3A_254, %parallel_loop3A_274 : vector<16xf32>
        %parallel_loop3A_279 = arith.mulf %parallel_loop3A_256, %parallel_loop3A_275 : vector<16xf32>
        %parallel_loop3A_280 = arith.addf %parallel_loop3A_278, %parallel_loop3A_279 : vector<16xf32>
        %parallel_loop3A_281 = arith.mulf %parallel_loop3A_258, %parallel_loop3A_276 : vector<16xf32>
        %parallel_loop3A_282 = arith.mulf %parallel_loop3A_260, %parallel_loop3A_277 : vector<16xf32>
        %parallel_loop3A_283 = arith.addf %parallel_loop3A_281, %parallel_loop3A_282 : vector<16xf32>
        %parallel_loop3A_284 = arith.addf %parallel_loop3A_280, %parallel_loop3A_283 : vector<16xf32>
        %parallel_loop3A_285 = arith.index_cast %parallel_loop3A_241 : i32 to index
        %parallel_loop3A_286 = tpu.vector_load %arg24[%parallel_loop3A_285] {strides = array<i32>} : memref<1568xf32, #tpu.memory_space<vmem>>, vector<16xf32>,
        tpu.vector_store %arg24[%parallel_loop3A_285], %parallel_loop3A_284 {strides = array<i32>} : memref<1568xf32, #tpu.memory_space<vmem>>, vector<16xf32>,
      } {sc.loop_unroll_factor = 4 : i64, sc.parallel_access}
      %add3A_153 = arith.constant 1568 : i32
      %add3A_154 = arith.addi %mul3A_46, %add3A_153 : i32
      %dma_start3A_155 = tpu.memref_slice %arg8[%add3A_154] : memref<19267584xf32, #tpu.memory_space<hbm>> -> memref<1568xf32, #tpu.memory_space<hbm>>
      %dma_start3A_156 = tpu.memref_slice %arg8[%add3A_154] : memref<19267584xf32, #tpu.memory_space<hbm>> -> memref<1568xf32, #tpu.memory_space<hbm>>
      tpu.enqueue_dma source(%arg23 : memref<1568xf32, #tpu.memory_space<vmem>>) target(%dma_start3A_156 : memref<1568xf32, #tpu.memory_space<hbm>>) target_semaphore(%arg29 : memref<!tpu.dma_semaphore, #tpu.memory_space<semaphore_mem>>)
      %add3A_157 = arith.constant 50176 : i32
      %add3A_158 = arith.addi %add3A_154, %add3A_157 : i32
      %dma_start3A_159 = tpu.memref_slice %arg8[%add3A_158] : memref<19267584xf32, #tpu.memory_space<hbm>> -> memref<1568xf32, #tpu.memory_space<hbm>>
      %dma_start3A_160 = tpu.memref_slice %arg8[%add3A_158] : memref<19267584xf32, #tpu.memory_space<hbm>> -> memref<1568xf32, #tpu.memory_space<hbm>>
      tpu.enqueue_dma source(%arg24 : memref<1568xf32, #tpu.memory_space<vmem>>) target(%dma_start3A_160 : memref<1568xf32, #tpu.memory_space<hbm>>) target_semaphore(%arg29 : memref<!tpu.dma_semaphore, #tpu.memory_space<semaphore_mem>>)
      %min3A_161 = arith.constant 3 : i32
      %min3A_162 = arith.constant 31 : i32
      %min3A_163 = arith.minsi %min3A_161, %min3A_162 : i32
      %mul3A_164 = arith.constant 50176 : i32
      %mul3A_165 = arith.muli %select_n3A, %mul3A_164 : i32
      %mul3A_166 = arith.constant 1568 : i32
      %mul3A_167 = arith.muli %min3A_163, %mul3A_166 : i32
      %add3A_168 = arith.addi %mul3A_165, %mul3A_167 : i32
      %dma_start3A_169 = tpu.memref_slice %arg3[%add3A_168] : memref<200704xi32, #tpu.memory_space<hbm>> -> memref<1568xi32, #tpu.memory_space<hbm>>
      %dma_start3A_170 = tpu.memref_slice %arg3[%add3A_168] : memref<200704xi32, #tpu.memory_space<hbm>> -> memref<1568xi32, #tpu.memory_space<hbm>>
      tpu.enqueue_dma source(%dma_start3A_170 : memref<1568xi32, #tpu.memory_space<hbm>>) target(%arg12 : memref<1568xi32, #tpu.memory_space<vmem>>) target_semaphore(%arg27 : memref<!tpu.dma_semaphore, #tpu.memory_space<semaphore_mem>>)
      %dma_start3A_171 = tpu.memref_slice %arg4[%add3A_168] : memref<200704xf32, #tpu.memory_space<hbm>> -> memref<1568xf32, #tpu.memory_space<hbm>>
      %dma_start3A_172 = tpu.memref_slice %arg4[%add3A_168] : memref<200704xf32, #tpu.memory_space<hbm>> -> memref<1568xf32, #tpu.memory_space<hbm>>
      tpu.enqueue_dma source(%dma_start3A_172 : memref<1568xf32, #tpu.memory_space<hbm>>) target(%arg17 : memref<1568xf32, #tpu.memory_space<vmem>>) target_semaphore(%arg27 : memref<!tpu.dma_semaphore, #tpu.memory_space<semaphore_mem>>)
      %dma_start3A_173 = tpu.memref_slice %arg5[%add3A_168] : memref<200704xf32, #tpu.memory_space<hbm>> -> memref<1568xf32, #tpu.memory_space<hbm>>
      %dma_start3A_174 = tpu.memref_slice %arg5[%add3A_168] : memref<200704xf32, #tpu.memory_space<hbm>> -> memref<1568xf32, #tpu.memory_space<hbm>>
      tpu.enqueue_dma source(%dma_start3A_174 : memref<1568xf32, #tpu.memory_space<hbm>>) target(%arg18 : memref<1568xf32, #tpu.memory_space<vmem>>) target_semaphore(%arg27 : memref<!tpu.dma_semaphore, #tpu.memory_space<semaphore_mem>>)
      %dma_start3A_175 = tpu.memref_slice %arg6[%add3A_168] : memref<200704xf32, #tpu.memory_space<hbm>> -> memref<1568xf32, #tpu.memory_space<hbm>>
      %dma_start3A_176 = tpu.memref_slice %arg6[%add3A_168] : memref<200704xf32, #tpu.memory_space<hbm>> -> memref<1568xf32, #tpu.memory_space<hbm>>
      tpu.enqueue_dma source(%dma_start3A_176 : memref<1568xf32, #tpu.memory_space<hbm>>) target(%arg19 : memref<1568xf32, #tpu.memory_space<vmem>>) target_semaphore(%arg27 : memref<!tpu.dma_semaphore, #tpu.memory_space<semaphore_mem>>)
      %dma_start3A_177 = tpu.memref_slice %arg7[%add3A_168] : memref<200704xf32, #tpu.memory_space<hbm>> -> memref<1568xf32, #tpu.memory_space<hbm>>
      %dma_start3A_178 = tpu.memref_slice %arg7[%add3A_168] : memref<200704xf32, #tpu.memory_space<hbm>> -> memref<1568xf32, #tpu.memory_space<hbm>>
      tpu.enqueue_dma source(%dma_start3A_178 : memref<1568xf32, #tpu.memory_space<hbm>>) target(%arg20 : memref<1568xf32, #tpu.memory_space<vmem>>) target_semaphore(%arg27 : memref<!tpu.dma_semaphore, #tpu.memory_space<semaphore_mem>>)
      %scan3A_179 = arith.constant 0 : i32
      %scan3A_180 = arith.constant 1 : i32
      %scan3A_181 = arith.constant 15 : i32
      %scan3A_182 = arith.addi %scan3A_180, %scan3A_181 : i32
      %scan3A_183 = arith.constant 1 : i32
      scf.for %scan3A_241 = %scan3A_180 to %scan3A_182 step %scan3A_183  : i32 {
        %mul3A_242 = arith.constant 2 : i32
        %mul3A_243 = arith.muli %mul3A_242, %scan3A_241 : i32
        %dma_wait3A_244 = arith.constant 0 : i32
        %dma_wait3A_245 = tpu.memref_slice %arg3[%dma_wait3A_244] : memref<200704xi32, #tpu.memory_space<hbm>> -> memref<1568xi32, #tpu.memory_space<hbm>>
        %dma_wait3A_246 = arith.constant 0 : i32
        %dma_wait3A_247 = tpu.memref_slice %arg3[%dma_wait3A_246] : memref<200704xi32, #tpu.memory_space<hbm>> -> memref<1568xi32, #tpu.memory_space<hbm>>
        tpu.wait_dma2 semaphore(%arg26 : memref<!tpu.dma_semaphore, #tpu.memory_space<semaphore_mem>>) src(%dma_wait3A_247 : memref<1568xi32, #tpu.memory_space<hbm>>) dst(%arg11 : memref<1568xi32, #tpu.memory_space<vmem>>)
        %dma_wait3A_248 = arith.constant 0 : i32
        %dma_wait3A_249 = tpu.memref_slice %arg4[%dma_wait3A_248] : memref<200704xf32, #tpu.memory_space<hbm>> -> memref<1568xf32, #tpu.memory_space<hbm>>
        %dma_wait3A_250 = arith.constant 0 : i32
        %dma_wait3A_251 = tpu.memref_slice %arg4[%dma_wait3A_250] : memref<200704xf32, #tpu.memory_space<hbm>> -> memref<1568xf32, #tpu.memory_space<hbm>>
        tpu.wait_dma2 semaphore(%arg26 : memref<!tpu.dma_semaphore, #tpu.memory_space<semaphore_mem>>) src(%dma_wait3A_251 : memref<1568xf32, #tpu.memory_space<hbm>>) dst(%arg13 : memref<1568xf32, #tpu.memory_space<vmem>>)
        %dma_wait3A_252 = arith.constant 0 : i32
        %dma_wait3A_253 = tpu.memref_slice %arg5[%dma_wait3A_252] : memref<200704xf32, #tpu.memory_space<hbm>> -> memref<1568xf32, #tpu.memory_space<hbm>>
        %dma_wait3A_254 = arith.constant 0 : i32
        %dma_wait3A_255 = tpu.memref_slice %arg5[%dma_wait3A_254] : memref<200704xf32, #tpu.memory_space<hbm>> -> memref<1568xf32, #tpu.memory_space<hbm>>
        tpu.wait_dma2 semaphore(%arg26 : memref<!tpu.dma_semaphore, #tpu.memory_space<semaphore_mem>>) src(%dma_wait3A_255 : memref<1568xf32, #tpu.memory_space<hbm>>) dst(%arg14 : memref<1568xf32, #tpu.memory_space<vmem>>)
        %dma_wait3A_256 = arith.constant 0 : i32
        %dma_wait3A_257 = tpu.memref_slice %arg6[%dma_wait3A_256] : memref<200704xf32, #tpu.memory_space<hbm>> -> memref<1568xf32, #tpu.memory_space<hbm>>
        %dma_wait3A_258 = arith.constant 0 : i32
        %dma_wait3A_259 = tpu.memref_slice %arg6[%dma_wait3A_258] : memref<200704xf32, #tpu.memory_space<hbm>> -> memref<1568xf32, #tpu.memory_space<hbm>>
        tpu.wait_dma2 semaphore(%arg26 : memref<!tpu.dma_semaphore, #tpu.memory_space<semaphore_mem>>) src(%dma_wait3A_259 : memref<1568xf32, #tpu.memory_space<hbm>>) dst(%arg15 : memref<1568xf32, #tpu.memory_space<vmem>>)
        %dma_wait3A_260 = arith.constant 0 : i32
        %dma_wait3A_261 = tpu.memref_slice %arg7[%dma_wait3A_260] : memref<200704xf32, #tpu.memory_space<hbm>> -> memref<1568xf32, #tpu.memory_space<hbm>>
        %dma_wait3A_262 = arith.constant 0 : i32
        %dma_wait3A_263 = tpu.memref_slice %arg7[%dma_wait3A_262] : memref<200704xf32, #tpu.memory_space<hbm>> -> memref<1568xf32, #tpu.memory_space<hbm>>
        tpu.wait_dma2 semaphore(%arg26 : memref<!tpu.dma_semaphore, #tpu.memory_space<semaphore_mem>>) src(%dma_wait3A_263 : memref<1568xf32, #tpu.memory_space<hbm>>) dst(%arg16 : memref<1568xf32, #tpu.memory_space<vmem>>)
        %dma_wait3A_264 = arith.constant 0 : i32
        %dma_wait3A_265 = tpu.memref_slice %arg8[%dma_wait3A_264] : memref<19267584xf32, #tpu.memory_space<hbm>> -> memref<1568xf32, #tpu.memory_space<hbm>>
        %dma_wait3A_266 = arith.constant 0 : i32
        %dma_wait3A_267 = tpu.memref_slice %arg8[%dma_wait3A_266] : memref<19267584xf32, #tpu.memory_space<hbm>> -> memref<1568xf32, #tpu.memory_space<hbm>>
        tpu.wait_dma2 semaphore(%arg28 : memref<!tpu.dma_semaphore, #tpu.memory_space<semaphore_mem>>) src(%arg21 : memref<1568xf32, #tpu.memory_space<vmem>>) dst(%dma_wait3A_267 : memref<1568xf32, #tpu.memory_space<hbm>>)
        %dma_wait3A_268 = arith.constant 0 : i32
        %dma_wait3A_269 = tpu.memref_slice %arg8[%dma_wait3A_268] : memref<19267584xf32, #tpu.memory_space<hbm>> -> memref<1568xf32, #tpu.memory_space<hbm>>
        %dma_wait3A_270 = arith.constant 0 : i32
        %dma_wait3A_271 = tpu.memref_slice %arg8[%dma_wait3A_270] : memref<19267584xf32, #tpu.memory_space<hbm>> -> memref<1568xf32, #tpu.memory_space<hbm>>
        tpu.wait_dma2 semaphore(%arg28 : memref<!tpu.dma_semaphore, #tpu.memory_space<semaphore_mem>>) src(%arg22 : memref<1568xf32, #tpu.memory_space<vmem>>) dst(%dma_wait3A_271 : memref<1568xf32, #tpu.memory_space<hbm>>)
        %parallel_loop3A_272 = arith.constant 0 : i32
        %parallel_loop3A_273 = arith.constant 1568 : i32
        %parallel_loop3A_274 = arith.constant 16 : i32
        scf.for %parallel_loop3A_366 = %parallel_loop3A_272 to %parallel_loop3A_273 step %parallel_loop3A_274  : i32 {
          %parallel_loop3A_367 = arith.index_cast %parallel_loop3A_366 : i32 to index
          %parallel_loop3A_368 = tpu.vector_load %arg11[%parallel_loop3A_367] {strides = array<i32>} : memref<1568xi32, #tpu.memory_space<vmem>>, vector<16xi32>,
          %parallel_loop3A_369 = arith.constant 1 : i32
          %parallel_loop3A_370 = vector.broadcast %parallel_loop3A_369 : i32 to vector<16xi32>
          %parallel_loop3A_371 = arith.addi %parallel_loop3A_368, %parallel_loop3A_370 : vector<16xi32>
          %parallel_loop3A_372 = arith.constant 224 : i32
          %parallel_loop3A_373 = vector.broadcast %parallel_loop3A_372 : i32 to vector<16xi32>
          %parallel_loop3A_374 = arith.addi %parallel_loop3A_368, %parallel_loop3A_373 : vector<16xi32>
          %parallel_loop3A_375 = arith.constant 225 : i32
          %parallel_loop3A_376 = vector.broadcast %parallel_loop3A_375 : i32 to vector<16xi32>
          %parallel_loop3A_377 = arith.addi %parallel_loop3A_368, %parallel_loop3A_376 : vector<16xi32>
          %parallel_loop3A_378 = arith.index_cast %parallel_loop3A_366 : i32 to index
          %parallel_loop3A_379 = tpu.vector_load %arg13[%parallel_loop3A_378] {strides = array<i32>} : memref<1568xf32, #tpu.memory_space<vmem>>, vector<16xf32>,
          %parallel_loop3A_380 = arith.index_cast %parallel_loop3A_366 : i32 to index
          %parallel_loop3A_381 = tpu.vector_load %arg14[%parallel_loop3A_380] {strides = array<i32>} : memref<1568xf32, #tpu.memory_space<vmem>>, vector<16xf32>,
          %parallel_loop3A_382 = arith.index_cast %parallel_loop3A_366 : i32 to index
          %parallel_loop3A_383 = tpu.vector_load %arg15[%parallel_loop3A_382] {strides = array<i32>} : memref<1568xf32, #tpu.memory_space<vmem>>, vector<16xf32>,
          %parallel_loop3A_384 = arith.index_cast %parallel_loop3A_366 : i32 to index
          %parallel_loop3A_385 = tpu.vector_load %arg16[%parallel_loop3A_384] {strides = array<i32>} : memref<1568xf32, #tpu.memory_space<vmem>>, vector<16xf32>,
          %parallel_loop3A_386 = tpu.vector_load_idx %arg9[%parallel_loop3A_368] : memref<50176xf32, #tpu.memory_space<vmem>>[vector<16xi32>], vector<16xf32>,
          %parallel_loop3A_387 = tpu.vector_load_idx %arg9[%parallel_loop3A_371] : memref<50176xf32, #tpu.memory_space<vmem>>[vector<16xi32>], vector<16xf32>,
          %parallel_loop3A_388 = tpu.vector_load_idx %arg9[%parallel_loop3A_374] : memref<50176xf32, #tpu.memory_space<vmem>>[vector<16xi32>], vector<16xf32>,
          %parallel_loop3A_389 = tpu.vector_load_idx %arg9[%parallel_loop3A_377] : memref<50176xf32, #tpu.memory_space<vmem>>[vector<16xi32>], vector<16xf32>,
          %parallel_loop3A_390 = arith.mulf %parallel_loop3A_379, %parallel_loop3A_386 : vector<16xf32>
          %parallel_loop3A_391 = arith.mulf %parallel_loop3A_381, %parallel_loop3A_387 : vector<16xf32>
          %parallel_loop3A_392 = arith.addf %parallel_loop3A_390, %parallel_loop3A_391 : vector<16xf32>
          %parallel_loop3A_393 = arith.mulf %parallel_loop3A_383, %parallel_loop3A_388 : vector<16xf32>
          %parallel_loop3A_394 = arith.mulf %parallel_loop3A_385, %parallel_loop3A_389 : vector<16xf32>
          %parallel_loop3A_395 = arith.addf %parallel_loop3A_393, %parallel_loop3A_394 : vector<16xf32>
          %parallel_loop3A_396 = arith.addf %parallel_loop3A_392, %parallel_loop3A_395 : vector<16xf32>
          %parallel_loop3A_397 = arith.index_cast %parallel_loop3A_366 : i32 to index
          %parallel_loop3A_398 = tpu.vector_load %arg21[%parallel_loop3A_397] {strides = array<i32>} : memref<1568xf32, #tpu.memory_space<vmem>>, vector<16xf32>,
          tpu.vector_store %arg21[%parallel_loop3A_397], %parallel_loop3A_396 {strides = array<i32>} : memref<1568xf32, #tpu.memory_space<vmem>>, vector<16xf32>,
          %parallel_loop3A_399 = tpu.vector_load_idx %arg10[%parallel_loop3A_368] : memref<50176xf32, #tpu.memory_space<vmem>>[vector<16xi32>], vector<16xf32>,
          %parallel_loop3A_400 = tpu.vector_load_idx %arg10[%parallel_loop3A_371] : memref<50176xf32, #tpu.memory_space<vmem>>[vector<16xi32>], vector<16xf32>,
          %parallel_loop3A_401 = tpu.vector_load_idx %arg10[%parallel_loop3A_374] : memref<50176xf32, #tpu.memory_space<vmem>>[vector<16xi32>], vector<16xf32>,
          %parallel_loop3A_402 = tpu.vector_load_idx %arg10[%parallel_loop3A_377] : memref<50176xf32, #tpu.memory_space<vmem>>[vector<16xi32>], vector<16xf32>,
          %parallel_loop3A_403 = arith.mulf %parallel_loop3A_379, %parallel_loop3A_399 : vector<16xf32>
          %parallel_loop3A_404 = arith.mulf %parallel_loop3A_381, %parallel_loop3A_400 : vector<16xf32>
          %parallel_loop3A_405 = arith.addf %parallel_loop3A_403, %parallel_loop3A_404 : vector<16xf32>
          %parallel_loop3A_406 = arith.mulf %parallel_loop3A_383, %parallel_loop3A_401 : vector<16xf32>
          %parallel_loop3A_407 = arith.mulf %parallel_loop3A_385, %parallel_loop3A_402 : vector<16xf32>
          %parallel_loop3A_408 = arith.addf %parallel_loop3A_406, %parallel_loop3A_407 : vector<16xf32>
          %parallel_loop3A_409 = arith.addf %parallel_loop3A_405, %parallel_loop3A_408 : vector<16xf32>
          %parallel_loop3A_410 = arith.index_cast %parallel_loop3A_366 : i32 to index
          %parallel_loop3A_411 = tpu.vector_load %arg22[%parallel_loop3A_410] {strides = array<i32>} : memref<1568xf32, #tpu.memory_space<vmem>>, vector<16xf32>,
          tpu.vector_store %arg22[%parallel_loop3A_410], %parallel_loop3A_409 {strides = array<i32>} : memref<1568xf32, #tpu.memory_space<vmem>>, vector<16xf32>,
        } {sc.loop_unroll_factor = 4 : i64, sc.parallel_access}
        %mul3A_275 = arith.constant 1568 : i32
        %mul3A_276 = arith.muli %mul3A_243, %mul3A_275 : i32
        %add3A_277 = arith.addi %mul3A_46, %mul3A_276 : i32
        %dma_start3A_278 = tpu.memref_slice %arg8[%add3A_277] : memref<19267584xf32, #tpu.memory_space<hbm>> -> memref<1568xf32, #tpu.memory_space<hbm>>
        %dma_start3A_279 = tpu.memref_slice %arg8[%add3A_277] : memref<19267584xf32, #tpu.memory_space<hbm>> -> memref<1568xf32, #tpu.memory_space<hbm>>
        tpu.enqueue_dma source(%arg21 : memref<1568xf32, #tpu.memory_space<vmem>>) target(%dma_start3A_279 : memref<1568xf32, #tpu.memory_space<hbm>>) target_semaphore(%arg28 : memref<!tpu.dma_semaphore, #tpu.memory_space<semaphore_mem>>)
        %add3A_280 = arith.constant 50176 : i32
        %add3A_281 = arith.addi %add3A_277, %add3A_280 : i32
        %dma_start3A_282 = tpu.memref_slice %arg8[%add3A_281] : memref<19267584xf32, #tpu.memory_space<hbm>> -> memref<1568xf32, #tpu.memory_space<hbm>>
        %dma_start3A_283 = tpu.memref_slice %arg8[%add3A_281] : memref<19267584xf32, #tpu.memory_space<hbm>> -> memref<1568xf32, #tpu.memory_space<hbm>>
        tpu.enqueue_dma source(%arg22 : memref<1568xf32, #tpu.memory_space<vmem>>) target(%dma_start3A_283 : memref<1568xf32, #tpu.memory_space<hbm>>) target_semaphore(%arg28 : memref<!tpu.dma_semaphore, #tpu.memory_space<semaphore_mem>>)
        %add3A_284 = arith.constant 2 : i32
        %add3A_285 = arith.addi %mul3A_243, %add3A_284 : i32
        %min3A_286 = arith.constant 31 : i32
        %min3A_287 = arith.minsi %add3A_285, %min3A_286 : i32
        %mul3A_288 = arith.constant 50176 : i32
        %mul3A_289 = arith.muli %select_n3A, %mul3A_288 : i32
        %mul3A_290 = arith.constant 1568 : i32
        %mul3A_291 = arith.muli %min3A_287, %mul3A_290 : i32
        %add3A_292 = arith.addi %mul3A_289, %mul3A_291 : i32
        %dma_start3A_293 = tpu.memref_slice %arg3[%add3A_292] : memref<200704xi32, #tpu.memory_space<hbm>> -> memref<1568xi32, #tpu.memory_space<hbm>>
        %dma_start3A_294 = tpu.memref_slice %arg3[%add3A_292] : memref<200704xi32, #tpu.memory_space<hbm>> -> memref<1568xi32, #tpu.memory_space<hbm>>
        tpu.enqueue_dma source(%dma_start3A_294 : memref<1568xi32, #tpu.memory_space<hbm>>) target(%arg11 : memref<1568xi32, #tpu.memory_space<vmem>>) target_semaphore(%arg26 : memref<!tpu.dma_semaphore, #tpu.memory_space<semaphore_mem>>)
        %dma_start3A_295 = tpu.memref_slice %arg4[%add3A_292] : memref<200704xf32, #tpu.memory_space<hbm>> -> memref<1568xf32, #tpu.memory_space<hbm>>
        %dma_start3A_296 = tpu.memref_slice %arg4[%add3A_292] : memref<200704xf32, #tpu.memory_space<hbm>> -> memref<1568xf32, #tpu.memory_space<hbm>>
        tpu.enqueue_dma source(%dma_start3A_296 : memref<1568xf32, #tpu.memory_space<hbm>>) target(%arg13 : memref<1568xf32, #tpu.memory_space<vmem>>) target_semaphore(%arg26 : memref<!tpu.dma_semaphore, #tpu.memory_space<semaphore_mem>>)
        %dma_start3A_297 = tpu.memref_slice %arg5[%add3A_292] : memref<200704xf32, #tpu.memory_space<hbm>> -> memref<1568xf32, #tpu.memory_space<hbm>>
        %dma_start3A_298 = tpu.memref_slice %arg5[%add3A_292] : memref<200704xf32, #tpu.memory_space<hbm>> -> memref<1568xf32, #tpu.memory_space<hbm>>
        tpu.enqueue_dma source(%dma_start3A_298 : memref<1568xf32, #tpu.memory_space<hbm>>) target(%arg14 : memref<1568xf32, #tpu.memory_space<vmem>>) target_semaphore(%arg26 : memref<!tpu.dma_semaphore, #tpu.memory_space<semaphore_mem>>)
        %dma_start3A_299 = tpu.memref_slice %arg6[%add3A_292] : memref<200704xf32, #tpu.memory_space<hbm>> -> memref<1568xf32, #tpu.memory_space<hbm>>
        %dma_start3A_300 = tpu.memref_slice %arg6[%add3A_292] : memref<200704xf32, #tpu.memory_space<hbm>> -> memref<1568xf32, #tpu.memory_space<hbm>>
        tpu.enqueue_dma source(%dma_start3A_300 : memref<1568xf32, #tpu.memory_space<hbm>>) target(%arg15 : memref<1568xf32, #tpu.memory_space<vmem>>) target_semaphore(%arg26 : memref<!tpu.dma_semaphore, #tpu.memory_space<semaphore_mem>>)
        %dma_start3A_301 = tpu.memref_slice %arg7[%add3A_292] : memref<200704xf32, #tpu.memory_space<hbm>> -> memref<1568xf32, #tpu.memory_space<hbm>>
        %dma_start3A_302 = tpu.memref_slice %arg7[%add3A_292] : memref<200704xf32, #tpu.memory_space<hbm>> -> memref<1568xf32, #tpu.memory_space<hbm>>
        tpu.enqueue_dma source(%dma_start3A_302 : memref<1568xf32, #tpu.memory_space<hbm>>) target(%arg16 : memref<1568xf32, #tpu.memory_space<vmem>>) target_semaphore(%arg26 : memref<!tpu.dma_semaphore, #tpu.memory_space<semaphore_mem>>)
        %mul3A_303 = arith.constant 2 : i32
        %mul3A_304 = arith.muli %mul3A_303, %scan3A_241 : i32
        %add3A_305 = arith.constant 1 : i32
        %add3A_306 = arith.addi %mul3A_304, %add3A_305 : i32
        %dma_wait3A_307 = arith.constant 0 : i32
        %dma_wait3A_308 = tpu.memref_slice %arg3[%dma_wait3A_307] : memref<200704xi32, #tpu.memory_space<hbm>> -> memref<1568xi32, #tpu.memory_space<hbm>>
        %dma_wait3A_309 = arith.constant 0 : i32
        %dma_wait3A_310 = tpu.memref_slice %arg3[%dma_wait3A_309] : memref<200704xi32, #tpu.memory_space<hbm>> -> memref<1568xi32, #tpu.memory_space<hbm>>
        tpu.wait_dma2 semaphore(%arg27 : memref<!tpu.dma_semaphore, #tpu.memory_space<semaphore_mem>>) src(%dma_wait3A_310 : memref<1568xi32, #tpu.memory_space<hbm>>) dst(%arg12 : memref<1568xi32, #tpu.memory_space<vmem>>)
        %dma_wait3A_311 = arith.constant 0 : i32
        %dma_wait3A_312 = tpu.memref_slice %arg4[%dma_wait3A_311] : memref<200704xf32, #tpu.memory_space<hbm>> -> memref<1568xf32, #tpu.memory_space<hbm>>
        %dma_wait3A_313 = arith.constant 0 : i32
        %dma_wait3A_314 = tpu.memref_slice %arg4[%dma_wait3A_313] : memref<200704xf32, #tpu.memory_space<hbm>> -> memref<1568xf32, #tpu.memory_space<hbm>>
        tpu.wait_dma2 semaphore(%arg27 : memref<!tpu.dma_semaphore, #tpu.memory_space<semaphore_mem>>) src(%dma_wait3A_314 : memref<1568xf32, #tpu.memory_space<hbm>>) dst(%arg17 : memref<1568xf32, #tpu.memory_space<vmem>>)
        %dma_wait3A_315 = arith.constant 0 : i32
        %dma_wait3A_316 = tpu.memref_slice %arg5[%dma_wait3A_315] : memref<200704xf32, #tpu.memory_space<hbm>> -> memref<1568xf32, #tpu.memory_space<hbm>>
        %dma_wait3A_317 = arith.constant 0 : i32
        %dma_wait3A_318 = tpu.memref_slice %arg5[%dma_wait3A_317] : memref<200704xf32, #tpu.memory_space<hbm>> -> memref<1568xf32, #tpu.memory_space<hbm>>
        tpu.wait_dma2 semaphore(%arg27 : memref<!tpu.dma_semaphore, #tpu.memory_space<semaphore_mem>>) src(%dma_wait3A_318 : memref<1568xf32, #tpu.memory_space<hbm>>) dst(%arg18 : memref<1568xf32, #tpu.memory_space<vmem>>)
        %dma_wait3A_319 = arith.constant 0 : i32
        %dma_wait3A_320 = tpu.memref_slice %arg6[%dma_wait3A_319] : memref<200704xf32, #tpu.memory_space<hbm>> -> memref<1568xf32, #tpu.memory_space<hbm>>
        %dma_wait3A_321 = arith.constant 0 : i32
        %dma_wait3A_322 = tpu.memref_slice %arg6[%dma_wait3A_321] : memref<200704xf32, #tpu.memory_space<hbm>> -> memref<1568xf32, #tpu.memory_space<hbm>>
        tpu.wait_dma2 semaphore(%arg27 : memref<!tpu.dma_semaphore, #tpu.memory_space<semaphore_mem>>) src(%dma_wait3A_322 : memref<1568xf32, #tpu.memory_space<hbm>>) dst(%arg19 : memref<1568xf32, #tpu.memory_space<vmem>>)
        %dma_wait3A_323 = arith.constant 0 : i32
        %dma_wait3A_324 = tpu.memref_slice %arg7[%dma_wait3A_323] : memref<200704xf32, #tpu.memory_space<hbm>> -> memref<1568xf32, #tpu.memory_space<hbm>>
        %dma_wait3A_325 = arith.constant 0 : i32
        %dma_wait3A_326 = tpu.memref_slice %arg7[%dma_wait3A_325] : memref<200704xf32, #tpu.memory_space<hbm>> -> memref<1568xf32, #tpu.memory_space<hbm>>
        tpu.wait_dma2 semaphore(%arg27 : memref<!tpu.dma_semaphore, #tpu.memory_space<semaphore_mem>>) src(%dma_wait3A_326 : memref<1568xf32, #tpu.memory_space<hbm>>) dst(%arg20 : memref<1568xf32, #tpu.memory_space<vmem>>)
        %dma_wait3A_327 = arith.constant 0 : i32
        %dma_wait3A_328 = tpu.memref_slice %arg8[%dma_wait3A_327] : memref<19267584xf32, #tpu.memory_space<hbm>> -> memref<1568xf32, #tpu.memory_space<hbm>>
        %dma_wait3A_329 = arith.constant 0 : i32
        %dma_wait3A_330 = tpu.memref_slice %arg8[%dma_wait3A_329] : memref<19267584xf32, #tpu.memory_space<hbm>> -> memref<1568xf32, #tpu.memory_space<hbm>>
        tpu.wait_dma2 semaphore(%arg29 : memref<!tpu.dma_semaphore, #tpu.memory_space<semaphore_mem>>) src(%arg23 : memref<1568xf32, #tpu.memory_space<vmem>>) dst(%dma_wait3A_330 : memref<1568xf32, #tpu.memory_space<hbm>>)
        %dma_wait3A_331 = arith.constant 0 : i32
        %dma_wait3A_332 = tpu.memref_slice %arg8[%dma_wait3A_331] : memref<19267584xf32, #tpu.memory_space<hbm>> -> memref<1568xf32, #tpu.memory_space<hbm>>
        %dma_wait3A_333 = arith.constant 0 : i32
        %dma_wait3A_334 = tpu.memref_slice %arg8[%dma_wait3A_333] : memref<19267584xf32, #tpu.memory_space<hbm>> -> memref<1568xf32, #tpu.memory_space<hbm>>
        tpu.wait_dma2 semaphore(%arg29 : memref<!tpu.dma_semaphore, #tpu.memory_space<semaphore_mem>>) src(%arg24 : memref<1568xf32, #tpu.memory_space<vmem>>) dst(%dma_wait3A_334 : memref<1568xf32, #tpu.memory_space<hbm>>)
        %parallel_loop3A_335 = arith.constant 0 : i32
        %parallel_loop3A_336 = arith.constant 1568 : i32
        %parallel_loop3A_337 = arith.constant 16 : i32
        scf.for %parallel_loop3A_366 = %parallel_loop3A_335 to %parallel_loop3A_336 step %parallel_loop3A_337  : i32 {
          %parallel_loop3A_367 = arith.index_cast %parallel_loop3A_366 : i32 to index
          %parallel_loop3A_368 = tpu.vector_load %arg12[%parallel_loop3A_367] {strides = array<i32>} : memref<1568xi32, #tpu.memory_space<vmem>>, vector<16xi32>,
          %parallel_loop3A_369 = arith.constant 1 : i32
          %parallel_loop3A_370 = vector.broadcast %parallel_loop3A_369 : i32 to vector<16xi32>
          %parallel_loop3A_371 = arith.addi %parallel_loop3A_368, %parallel_loop3A_370 : vector<16xi32>
          %parallel_loop3A_372 = arith.constant 224 : i32
          %parallel_loop3A_373 = vector.broadcast %parallel_loop3A_372 : i32 to vector<16xi32>
          %parallel_loop3A_374 = arith.addi %parallel_loop3A_368, %parallel_loop3A_373 : vector<16xi32>
          %parallel_loop3A_375 = arith.constant 225 : i32
          %parallel_loop3A_376 = vector.broadcast %parallel_loop3A_375 : i32 to vector<16xi32>
          %parallel_loop3A_377 = arith.addi %parallel_loop3A_368, %parallel_loop3A_376 : vector<16xi32>
          %parallel_loop3A_378 = arith.index_cast %parallel_loop3A_366 : i32 to index
          %parallel_loop3A_379 = tpu.vector_load %arg17[%parallel_loop3A_378] {strides = array<i32>} : memref<1568xf32, #tpu.memory_space<vmem>>, vector<16xf32>,
          %parallel_loop3A_380 = arith.index_cast %parallel_loop3A_366 : i32 to index
          %parallel_loop3A_381 = tpu.vector_load %arg18[%parallel_loop3A_380] {strides = array<i32>} : memref<1568xf32, #tpu.memory_space<vmem>>, vector<16xf32>,
          %parallel_loop3A_382 = arith.index_cast %parallel_loop3A_366 : i32 to index
          %parallel_loop3A_383 = tpu.vector_load %arg19[%parallel_loop3A_382] {strides = array<i32>} : memref<1568xf32, #tpu.memory_space<vmem>>, vector<16xf32>,
          %parallel_loop3A_384 = arith.index_cast %parallel_loop3A_366 : i32 to index
          %parallel_loop3A_385 = tpu.vector_load %arg20[%parallel_loop3A_384] {strides = array<i32>} : memref<1568xf32, #tpu.memory_space<vmem>>, vector<16xf32>,
          %parallel_loop3A_386 = tpu.vector_load_idx %arg9[%parallel_loop3A_368] : memref<50176xf32, #tpu.memory_space<vmem>>[vector<16xi32>], vector<16xf32>,
          %parallel_loop3A_387 = tpu.vector_load_idx %arg9[%parallel_loop3A_371] : memref<50176xf32, #tpu.memory_space<vmem>>[vector<16xi32>], vector<16xf32>,
          %parallel_loop3A_388 = tpu.vector_load_idx %arg9[%parallel_loop3A_374] : memref<50176xf32, #tpu.memory_space<vmem>>[vector<16xi32>], vector<16xf32>,
          %parallel_loop3A_389 = tpu.vector_load_idx %arg9[%parallel_loop3A_377] : memref<50176xf32, #tpu.memory_space<vmem>>[vector<16xi32>], vector<16xf32>,
          %parallel_loop3A_390 = arith.mulf %parallel_loop3A_379, %parallel_loop3A_386 : vector<16xf32>
          %parallel_loop3A_391 = arith.mulf %parallel_loop3A_381, %parallel_loop3A_387 : vector<16xf32>
          %parallel_loop3A_392 = arith.addf %parallel_loop3A_390, %parallel_loop3A_391 : vector<16xf32>
          %parallel_loop3A_393 = arith.mulf %parallel_loop3A_383, %parallel_loop3A_388 : vector<16xf32>
          %parallel_loop3A_394 = arith.mulf %parallel_loop3A_385, %parallel_loop3A_389 : vector<16xf32>
          %parallel_loop3A_395 = arith.addf %parallel_loop3A_393, %parallel_loop3A_394 : vector<16xf32>
          %parallel_loop3A_396 = arith.addf %parallel_loop3A_392, %parallel_loop3A_395 : vector<16xf32>
          %parallel_loop3A_397 = arith.index_cast %parallel_loop3A_366 : i32 to index
          %parallel_loop3A_398 = tpu.vector_load %arg23[%parallel_loop3A_397] {strides = array<i32>} : memref<1568xf32, #tpu.memory_space<vmem>>, vector<16xf32>,
          tpu.vector_store %arg23[%parallel_loop3A_397], %parallel_loop3A_396 {strides = array<i32>} : memref<1568xf32, #tpu.memory_space<vmem>>, vector<16xf32>,
          %parallel_loop3A_399 = tpu.vector_load_idx %arg10[%parallel_loop3A_368] : memref<50176xf32, #tpu.memory_space<vmem>>[vector<16xi32>], vector<16xf32>,
          %parallel_loop3A_400 = tpu.vector_load_idx %arg10[%parallel_loop3A_371] : memref<50176xf32, #tpu.memory_space<vmem>>[vector<16xi32>], vector<16xf32>,
          %parallel_loop3A_401 = tpu.vector_load_idx %arg10[%parallel_loop3A_374] : memref<50176xf32, #tpu.memory_space<vmem>>[vector<16xi32>], vector<16xf32>,
          %parallel_loop3A_402 = tpu.vector_load_idx %arg10[%parallel_loop3A_377] : memref<50176xf32, #tpu.memory_space<vmem>>[vector<16xi32>], vector<16xf32>,
          %parallel_loop3A_403 = arith.mulf %parallel_loop3A_379, %parallel_loop3A_399 : vector<16xf32>
          %parallel_loop3A_404 = arith.mulf %parallel_loop3A_381, %parallel_loop3A_400 : vector<16xf32>
          %parallel_loop3A_405 = arith.addf %parallel_loop3A_403, %parallel_loop3A_404 : vector<16xf32>
          %parallel_loop3A_406 = arith.mulf %parallel_loop3A_383, %parallel_loop3A_401 : vector<16xf32>
          %parallel_loop3A_407 = arith.mulf %parallel_loop3A_385, %parallel_loop3A_402 : vector<16xf32>
          %parallel_loop3A_408 = arith.addf %parallel_loop3A_406, %parallel_loop3A_407 : vector<16xf32>
          %parallel_loop3A_409 = arith.addf %parallel_loop3A_405, %parallel_loop3A_408 : vector<16xf32>
          %parallel_loop3A_410 = arith.index_cast %parallel_loop3A_366 : i32 to index
          %parallel_loop3A_411 = tpu.vector_load %arg24[%parallel_loop3A_410] {strides = array<i32>} : memref<1568xf32, #tpu.memory_space<vmem>>, vector<16xf32>,
          tpu.vector_store %arg24[%parallel_loop3A_410], %parallel_loop3A_409 {strides = array<i32>} : memref<1568xf32, #tpu.memory_space<vmem>>, vector<16xf32>,
        } {sc.loop_unroll_factor = 4 : i64, sc.parallel_access}
        %mul3A_338 = arith.constant 1568 : i32
        %mul3A_339 = arith.muli %add3A_306, %mul3A_338 : i32
        %add3A_340 = arith.addi %mul3A_46, %mul3A_339 : i32
        %dma_start3A_341 = tpu.memref_slice %arg8[%add3A_340] : memref<19267584xf32, #tpu.memory_space<hbm>> -> memref<1568xf32, #tpu.memory_space<hbm>>
        %dma_start3A_342 = tpu.memref_slice %arg8[%add3A_340] : memref<19267584xf32, #tpu.memory_space<hbm>> -> memref<1568xf32, #tpu.memory_space<hbm>>
        tpu.enqueue_dma source(%arg23 : memref<1568xf32, #tpu.memory_space<vmem>>) target(%dma_start3A_342 : memref<1568xf32, #tpu.memory_space<hbm>>) target_semaphore(%arg29 : memref<!tpu.dma_semaphore, #tpu.memory_space<semaphore_mem>>)
        %add3A_343 = arith.constant 50176 : i32
        %add3A_344 = arith.addi %add3A_340, %add3A_343 : i32
        %dma_start3A_345 = tpu.memref_slice %arg8[%add3A_344] : memref<19267584xf32, #tpu.memory_space<hbm>> -> memref<1568xf32, #tpu.memory_space<hbm>>
        %dma_start3A_346 = tpu.memref_slice %arg8[%add3A_344] : memref<19267584xf32, #tpu.memory_space<hbm>> -> memref<1568xf32, #tpu.memory_space<hbm>>
        tpu.enqueue_dma source(%arg24 : memref<1568xf32, #tpu.memory_space<vmem>>) target(%dma_start3A_346 : memref<1568xf32, #tpu.memory_space<hbm>>) target_semaphore(%arg29 : memref<!tpu.dma_semaphore, #tpu.memory_space<semaphore_mem>>)
        %add3A_347 = arith.constant 2 : i32
        %add3A_348 = arith.addi %add3A_306, %add3A_347 : i32
        %min3A_349 = arith.constant 31 : i32
        %min3A_350 = arith.minsi %add3A_348, %min3A_349 : i32
        %mul3A_351 = arith.constant 50176 : i32
        %mul3A_352 = arith.muli %select_n3A, %mul3A_351 : i32
        %mul3A_353 = arith.constant 1568 : i32
        %mul3A_354 = arith.muli %min3A_350, %mul3A_353 : i32
        %add3A_355 = arith.addi %mul3A_352, %mul3A_354 : i32
        %dma_start3A_356 = tpu.memref_slice %arg3[%add3A_355] : memref<200704xi32, #tpu.memory_space<hbm>> -> memref<1568xi32, #tpu.memory_space<hbm>>
        %dma_start3A_357 = tpu.memref_slice %arg3[%add3A_355] : memref<200704xi32, #tpu.memory_space<hbm>> -> memref<1568xi32, #tpu.memory_space<hbm>>
        tpu.enqueue_dma source(%dma_start3A_357 : memref<1568xi32, #tpu.memory_space<hbm>>) target(%arg12 : memref<1568xi32, #tpu.memory_space<vmem>>) target_semaphore(%arg27 : memref<!tpu.dma_semaphore, #tpu.memory_space<semaphore_mem>>)
        %dma_start3A_358 = tpu.memref_slice %arg4[%add3A_355] : memref<200704xf32, #tpu.memory_space<hbm>> -> memref<1568xf32, #tpu.memory_space<hbm>>
        %dma_start3A_359 = tpu.memref_slice %arg4[%add3A_355] : memref<200704xf32, #tpu.memory_space<hbm>> -> memref<1568xf32, #tpu.memory_space<hbm>>
        tpu.enqueue_dma source(%dma_start3A_359 : memref<1568xf32, #tpu.memory_space<hbm>>) target(%arg17 : memref<1568xf32, #tpu.memory_space<vmem>>) target_semaphore(%arg27 : memref<!tpu.dma_semaphore, #tpu.memory_space<semaphore_mem>>)
        %dma_start3A_360 = tpu.memref_slice %arg5[%add3A_355] : memref<200704xf32, #tpu.memory_space<hbm>> -> memref<1568xf32, #tpu.memory_space<hbm>>
        %dma_start3A_361 = tpu.memref_slice %arg5[%add3A_355] : memref<200704xf32, #tpu.memory_space<hbm>> -> memref<1568xf32, #tpu.memory_space<hbm>>
        tpu.enqueue_dma source(%dma_start3A_361 : memref<1568xf32, #tpu.memory_space<hbm>>) target(%arg18 : memref<1568xf32, #tpu.memory_space<vmem>>) target_semaphore(%arg27 : memref<!tpu.dma_semaphore, #tpu.memory_space<semaphore_mem>>)
        %dma_start3A_362 = tpu.memref_slice %arg6[%add3A_355] : memref<200704xf32, #tpu.memory_space<hbm>> -> memref<1568xf32, #tpu.memory_space<hbm>>
        %dma_start3A_363 = tpu.memref_slice %arg6[%add3A_355] : memref<200704xf32, #tpu.memory_space<hbm>> -> memref<1568xf32, #tpu.memory_space<hbm>>
        tpu.enqueue_dma source(%dma_start3A_363 : memref<1568xf32, #tpu.memory_space<hbm>>) target(%arg19 : memref<1568xf32, #tpu.memory_space<vmem>>) target_semaphore(%arg27 : memref<!tpu.dma_semaphore, #tpu.memory_space<semaphore_mem>>)
        %dma_start3A_364 = tpu.memref_slice %arg7[%add3A_355] : memref<200704xf32, #tpu.memory_space<hbm>> -> memref<1568xf32, #tpu.memory_space<hbm>>
        %dma_start3A_365 = tpu.memref_slice %arg7[%add3A_355] : memref<200704xf32, #tpu.memory_space<hbm>> -> memref<1568xf32, #tpu.memory_space<hbm>>
        tpu.enqueue_dma source(%dma_start3A_365 : memref<1568xf32, #tpu.memory_space<hbm>>) target(%arg20 : memref<1568xf32, #tpu.memory_space<vmem>>) target_semaphore(%arg27 : memref<!tpu.dma_semaphore, #tpu.memory_space<semaphore_mem>>)
      }
      %scan3A_184 = arith.constant 15 : i32
      %dma_wait3A_185 = arith.constant 0 : i32
      %dma_wait3A_186 = tpu.memref_slice %arg3[%dma_wait3A_185] : memref<200704xi32, #tpu.memory_space<hbm>> -> memref<1568xi32, #tpu.memory_space<hbm>>
      %dma_wait3A_187 = arith.constant 0 : i32
      %dma_wait3A_188 = tpu.memref_slice %arg3[%dma_wait3A_187] : memref<200704xi32, #tpu.memory_space<hbm>> -> memref<1568xi32, #tpu.memory_space<hbm>>
      tpu.wait_dma2 semaphore(%arg26 : memref<!tpu.dma_semaphore, #tpu.memory_space<semaphore_mem>>) src(%dma_wait3A_188 : memref<1568xi32, #tpu.memory_space<hbm>>) dst(%arg11 : memref<1568xi32, #tpu.memory_space<vmem>>)
      %dma_wait3A_189 = arith.constant 0 : i32
      %dma_wait3A_190 = tpu.memref_slice %arg4[%dma_wait3A_189] : memref<200704xf32, #tpu.memory_space<hbm>> -> memref<1568xf32, #tpu.memory_space<hbm>>
      %dma_wait3A_191 = arith.constant 0 : i32
      %dma_wait3A_192 = tpu.memref_slice %arg4[%dma_wait3A_191] : memref<200704xf32, #tpu.memory_space<hbm>> -> memref<1568xf32, #tpu.memory_space<hbm>>
      tpu.wait_dma2 semaphore(%arg26 : memref<!tpu.dma_semaphore, #tpu.memory_space<semaphore_mem>>) src(%dma_wait3A_192 : memref<1568xf32, #tpu.memory_space<hbm>>) dst(%arg13 : memref<1568xf32, #tpu.memory_space<vmem>>)
      %dma_wait3A_193 = arith.constant 0 : i32
      %dma_wait3A_194 = tpu.memref_slice %arg5[%dma_wait3A_193] : memref<200704xf32, #tpu.memory_space<hbm>> -> memref<1568xf32, #tpu.memory_space<hbm>>
      %dma_wait3A_195 = arith.constant 0 : i32
      %dma_wait3A_196 = tpu.memref_slice %arg5[%dma_wait3A_195] : memref<200704xf32, #tpu.memory_space<hbm>> -> memref<1568xf32, #tpu.memory_space<hbm>>
      tpu.wait_dma2 semaphore(%arg26 : memref<!tpu.dma_semaphore, #tpu.memory_space<semaphore_mem>>) src(%dma_wait3A_196 : memref<1568xf32, #tpu.memory_space<hbm>>) dst(%arg14 : memref<1568xf32, #tpu.memory_space<vmem>>)
      %dma_wait3A_197 = arith.constant 0 : i32
      %dma_wait3A_198 = tpu.memref_slice %arg6[%dma_wait3A_197] : memref<200704xf32, #tpu.memory_space<hbm>> -> memref<1568xf32, #tpu.memory_space<hbm>>
      %dma_wait3A_199 = arith.constant 0 : i32
      %dma_wait3A_200 = tpu.memref_slice %arg6[%dma_wait3A_199] : memref<200704xf32, #tpu.memory_space<hbm>> -> memref<1568xf32, #tpu.memory_space<hbm>>
      tpu.wait_dma2 semaphore(%arg26 : memref<!tpu.dma_semaphore, #tpu.memory_space<semaphore_mem>>) src(%dma_wait3A_200 : memref<1568xf32, #tpu.memory_space<hbm>>) dst(%arg15 : memref<1568xf32, #tpu.memory_space<vmem>>)
      %dma_wait3A_201 = arith.constant 0 : i32
      %dma_wait3A_202 = tpu.memref_slice %arg7[%dma_wait3A_201] : memref<200704xf32, #tpu.memory_space<hbm>> -> memref<1568xf32, #tpu.memory_space<hbm>>
      %dma_wait3A_203 = arith.constant 0 : i32
      %dma_wait3A_204 = tpu.memref_slice %arg7[%dma_wait3A_203] : memref<200704xf32, #tpu.memory_space<hbm>> -> memref<1568xf32, #tpu.memory_space<hbm>>
      tpu.wait_dma2 semaphore(%arg26 : memref<!tpu.dma_semaphore, #tpu.memory_space<semaphore_mem>>) src(%dma_wait3A_204 : memref<1568xf32, #tpu.memory_space<hbm>>) dst(%arg16 : memref<1568xf32, #tpu.memory_space<vmem>>)
      %dma_wait3A_205 = arith.constant 0 : i32
      %dma_wait3A_206 = tpu.memref_slice %arg3[%dma_wait3A_205] : memref<200704xi32, #tpu.memory_space<hbm>> -> memref<1568xi32, #tpu.memory_space<hbm>>
      %dma_wait3A_207 = arith.constant 0 : i32
      %dma_wait3A_208 = tpu.memref_slice %arg3[%dma_wait3A_207] : memref<200704xi32, #tpu.memory_space<hbm>> -> memref<1568xi32, #tpu.memory_space<hbm>>
      tpu.wait_dma2 semaphore(%arg27 : memref<!tpu.dma_semaphore, #tpu.memory_space<semaphore_mem>>) src(%dma_wait3A_208 : memref<1568xi32, #tpu.memory_space<hbm>>) dst(%arg12 : memref<1568xi32, #tpu.memory_space<vmem>>)
      %dma_wait3A_209 = arith.constant 0 : i32
      %dma_wait3A_210 = tpu.memref_slice %arg4[%dma_wait3A_209] : memref<200704xf32, #tpu.memory_space<hbm>> -> memref<1568xf32, #tpu.memory_space<hbm>>
      %dma_wait3A_211 = arith.constant 0 : i32
      %dma_wait3A_212 = tpu.memref_slice %arg4[%dma_wait3A_211] : memref<200704xf32, #tpu.memory_space<hbm>> -> memref<1568xf32, #tpu.memory_space<hbm>>
      tpu.wait_dma2 semaphore(%arg27 : memref<!tpu.dma_semaphore, #tpu.memory_space<semaphore_mem>>) src(%dma_wait3A_212 : memref<1568xf32, #tpu.memory_space<hbm>>) dst(%arg17 : memref<1568xf32, #tpu.memory_space<vmem>>)
      %dma_wait3A_213 = arith.constant 0 : i32
      %dma_wait3A_214 = tpu.memref_slice %arg5[%dma_wait3A_213] : memref<200704xf32, #tpu.memory_space<hbm>> -> memref<1568xf32, #tpu.memory_space<hbm>>
      %dma_wait3A_215 = arith.constant 0 : i32
      %dma_wait3A_216 = tpu.memref_slice %arg5[%dma_wait3A_215] : memref<200704xf32, #tpu.memory_space<hbm>> -> memref<1568xf32, #tpu.memory_space<hbm>>
      tpu.wait_dma2 semaphore(%arg27 : memref<!tpu.dma_semaphore, #tpu.memory_space<semaphore_mem>>) src(%dma_wait3A_216 : memref<1568xf32, #tpu.memory_space<hbm>>) dst(%arg18 : memref<1568xf32, #tpu.memory_space<vmem>>)
      %dma_wait3A_217 = arith.constant 0 : i32
      %dma_wait3A_218 = tpu.memref_slice %arg6[%dma_wait3A_217] : memref<200704xf32, #tpu.memory_space<hbm>> -> memref<1568xf32, #tpu.memory_space<hbm>>
      %dma_wait3A_219 = arith.constant 0 : i32
      %dma_wait3A_220 = tpu.memref_slice %arg6[%dma_wait3A_219] : memref<200704xf32, #tpu.memory_space<hbm>> -> memref<1568xf32, #tpu.memory_space<hbm>>
      tpu.wait_dma2 semaphore(%arg27 : memref<!tpu.dma_semaphore, #tpu.memory_space<semaphore_mem>>) src(%dma_wait3A_220 : memref<1568xf32, #tpu.memory_space<hbm>>) dst(%arg19 : memref<1568xf32, #tpu.memory_space<vmem>>)
      %dma_wait3A_221 = arith.constant 0 : i32
      %dma_wait3A_222 = tpu.memref_slice %arg7[%dma_wait3A_221] : memref<200704xf32, #tpu.memory_space<hbm>> -> memref<1568xf32, #tpu.memory_space<hbm>>
      %dma_wait3A_223 = arith.constant 0 : i32
      %dma_wait3A_224 = tpu.memref_slice %arg7[%dma_wait3A_223] : memref<200704xf32, #tpu.memory_space<hbm>> -> memref<1568xf32, #tpu.memory_space<hbm>>
      tpu.wait_dma2 semaphore(%arg27 : memref<!tpu.dma_semaphore, #tpu.memory_space<semaphore_mem>>) src(%dma_wait3A_224 : memref<1568xf32, #tpu.memory_space<hbm>>) dst(%arg20 : memref<1568xf32, #tpu.memory_space<vmem>>)
      %dma_wait3A_225 = arith.constant 0 : i32
      %dma_wait3A_226 = tpu.memref_slice %arg8[%dma_wait3A_225] : memref<19267584xf32, #tpu.memory_space<hbm>> -> memref<1568xf32, #tpu.memory_space<hbm>>
      %dma_wait3A_227 = arith.constant 0 : i32
      %dma_wait3A_228 = tpu.memref_slice %arg8[%dma_wait3A_227] : memref<19267584xf32, #tpu.memory_space<hbm>> -> memref<1568xf32, #tpu.memory_space<hbm>>
      tpu.wait_dma2 semaphore(%arg28 : memref<!tpu.dma_semaphore, #tpu.memory_space<semaphore_mem>>) src(%arg21 : memref<1568xf32, #tpu.memory_space<vmem>>) dst(%dma_wait3A_228 : memref<1568xf32, #tpu.memory_space<hbm>>)
      %dma_wait3A_229 = arith.constant 0 : i32
      %dma_wait3A_230 = tpu.memref_slice %arg8[%dma_wait3A_229] : memref<19267584xf32, #tpu.memory_space<hbm>> -> memref<1568xf32, #tpu.memory_space<hbm>>
      %dma_wait3A_231 = arith.constant 0 : i32
      %dma_wait3A_232 = tpu.memref_slice %arg8[%dma_wait3A_231] : memref<19267584xf32, #tpu.memory_space<hbm>> -> memref<1568xf32, #tpu.memory_space<hbm>>
      tpu.wait_dma2 semaphore(%arg28 : memref<!tpu.dma_semaphore, #tpu.memory_space<semaphore_mem>>) src(%arg22 : memref<1568xf32, #tpu.memory_space<vmem>>) dst(%dma_wait3A_232 : memref<1568xf32, #tpu.memory_space<hbm>>)
      %dma_wait3A_233 = arith.constant 0 : i32
      %dma_wait3A_234 = tpu.memref_slice %arg8[%dma_wait3A_233] : memref<19267584xf32, #tpu.memory_space<hbm>> -> memref<1568xf32, #tpu.memory_space<hbm>>
      %dma_wait3A_235 = arith.constant 0 : i32
      %dma_wait3A_236 = tpu.memref_slice %arg8[%dma_wait3A_235] : memref<19267584xf32, #tpu.memory_space<hbm>> -> memref<1568xf32, #tpu.memory_space<hbm>>
      tpu.wait_dma2 semaphore(%arg29 : memref<!tpu.dma_semaphore, #tpu.memory_space<semaphore_mem>>) src(%arg23 : memref<1568xf32, #tpu.memory_space<vmem>>) dst(%dma_wait3A_236 : memref<1568xf32, #tpu.memory_space<hbm>>)
      %dma_wait3A_237 = arith.constant 0 : i32
      %dma_wait3A_238 = tpu.memref_slice %arg8[%dma_wait3A_237] : memref<19267584xf32, #tpu.memory_space<hbm>> -> memref<1568xf32, #tpu.memory_space<hbm>>
      %dma_wait3A_239 = arith.constant 0 : i32
      %dma_wait3A_240 = tpu.memref_slice %arg8[%dma_wait3A_239] : memref<19267584xf32, #tpu.memory_space<hbm>> -> memref<1568xf32, #tpu.memory_space<hbm>>
      tpu.wait_dma2 semaphore(%arg29 : memref<!tpu.dma_semaphore, #tpu.memory_space<semaphore_mem>>) src(%arg24 : memref<1568xf32, #tpu.memory_space<vmem>>) dst(%dma_wait3A_240 : memref<1568xf32, #tpu.memory_space<hbm>>)
    }
    %scan3A_5 = arith.constant 6 : i32
    return
  }
}

</mosaic_0001>

<sc_bundles>
// kernel: kernel.4.cloned.1.call-start
scs
__scs_entry_jumppad:
0x0: {  	(pc) =	sbr.rel $0x88, $3  }
0x1: {  	(tag) =	ssettag $0x0;
	lr =	simm.s32 $0x1  }
0x2: {  	[smem:$0x3F9D] =	sst lr;
	_ =	strace $0xD0000000  }
0x3: {  	_ = 	snop  }
0x4: {  	_ = 	snop  }
0x5: {  	_ = 	snop  }
0x6: {  	_ = 	snop  }
0x7: {  	_ = 	snop  }
__scs_overlays_trampoline_lowered:
0x8: {  	[smem:$0x3FAC] =	sst s0  }
0x9: {  	[smem:$0x3FAD] =	sst s1  }
0xa: {  	[smem:$0x3FAE] =	sst s2  }
0xb: {  	[smem:$0x3FAF] =	sst s3  }
0xc: {  	[smem:$0x3FB0] =	sst s4  }
0xd: {  	[smem:$0x3FB1] =	sst s5  }
0xe: {  	[smem:$0x3FB2] =	sst s6  }
0xf: {  	[smem:$0x3FB3] =	sst s7  }
0x10: {  	[smem:$0x3FB4] =	sst s8  }
0x11: {  	[smem:$0x3FB5] =	sst s9;
	s0 =	simm.s32 @!p0 $0x0  }
0x12: {  	s1 =	sld [smem:$0x3F9B];
	s0 =	simm.s32 @p0 $0x1  }
0x13: {  	[smem:$0x3FB6] =	sst s0;
	s0 =	simm.s32 @!p1 $0x0  }
0x14: {  	s2 =	sld [smem:$0x3F9A];
	s0 =	simm.s32 @p1 $0x1  }
0x15: {  	[smem:$0x3FB7] =	sst s0;
	s0 =	simm.s32 @!p2 $0x0  }
0x16: {  	s3 =	sld [smem:$0x3FDB];
	s0 =	simm.s32 @p2 $0x1  }
0x17: {  	s4 =	simm.s32 $0x1BF5;
	[smem:$0x3FB9] =	sst s0  }
0x18: {  	s0 =	sld [smem:$0x3F9C];
	_ =	swait.ge [sflag:s4], $0x0  }
0x19: {  	s7 =	sld [smem:$0x3F9D]  }
0x1a: {  	s8 =	sadd.s32 $0xFFFFE003, lr  }
0x1b: {  	s9 =	sadd.s32 $0xFFFFFEF7, lr;
	s5 =	simm.s32 $0xFFFFFFFF;
	p2 =	slt.u32 s8, $0xFFFFF086  }
0x1c: {  	p1 =	slt.u32 s9, $0xF7A;
	s5 =	simm.s32 @!p2 $0x0  }
0x1d: {  	s5 =	simm.s32 @p1 $0x1;
	p0 =	seq.s32 s7, s2  }
0x1e: {  	s7 =	smul.u32 @!p0 $0xF7A, s2;
	p2 =	seq.s32 @!p0 s5, $0x0  }
0x1f: {  	s9 =	smul.u32 $0xF7A, s1;
	s8 =	simm.s32 @!p0 $0x1BF5;
	p2 =	por !p2, p0  }
0x20: {  	[sflag:s8] =	ssyncset.s32 @!p0 $0xFFFFF086;
	s6 =	sadd.s32 @!p0 s3, s7;
	s7 =	simm.s32 @!p0 $0x108  }
0x21: {  	s3 =	sadd.s32 s3, s9;
	s6 =	sadd.s32 @!p0 $0x88, s6;
	s7 =	simm.s32 @p2 $0x1082  }
0x22: {  	[simem:s7], [sflag:s8] =	dma.local @!p0 [hbm:s6], $0xF7A  }
0x23: {  	s9 =	sor.u32 $0xD0000000, s2;
	s6 =	simm.s32 $0x108;
	_ =	swait.ge @!p0 [sflag:s8], $0x0  }
0x24: {  	s3 =	sadd.s32 $0x88, s3;
	s6 =	simm.s32 @!p1 $0x1082;
	[sflag:s4] =	ssyncset.s32 $0xFFFFF086  }
0x25: {  	[simem:s6], [sflag:s4] =	dma.local [hbm:s3], $0xF7A  }
0x26: {  	[smem:$0x3F9D] =	sst s1;
	(tag) =	ssettag s2;
	_ =	strace s9  }
0x27: {  	s1 =	sld [smem:$0x3FAD]  }
0x28: {  	s2 =	sld [smem:$0x3FAE]  }
0x29: {  	s4 =	sld [smem:$0x3FB0]  }
0x2a: {  	p0 =	seq.s32 s5, $0x0;
	s5 =	sld [smem:$0x3FB1]  }
0x2b: {  	s6 =	sld [smem:$0x3FB2]  }
0x2c: {  	s7 =	sld [smem:$0x3FB3]  }
0x2d: {  	s3 =	simm.s32 $0x108;
	s8 =	sld [smem:$0x3FB4]  }
0x2e: {  	s3 =	simm.s32 @!p0 $0x1082;
	s9 =	sld [smem:$0x3FB5]  }
0x2f: {  	lr =	sadd.s32 s0, s3;
	s0 =	sld [smem:$0x3FAC]  }
0x30: {  	s3 =	sld [smem:$0x3FAF]  }
0x31: {  	[smem:$0x3FB8] =	sst s10  }
0x32: {  	s10 =	sld [smem:$0x3FB6];
	_ =	sdelay $0x3  }
0x33: {  	p0 =	seq.s32 s10, $0x1;
	s10 =	sld [smem:$0x3FB8];
	_ =	sdelay $0x3  }
0x34: {  	[smem:$0x3FB8] =	sst s10  }
0x35: {  	s10 =	sld [smem:$0x3FB7];
	_ =	sdelay $0x3  }
0x36: {  	p1 =	seq.s32 s10, $0x1;
	s10 =	sld [smem:$0x3FB8];
	_ =	sdelay $0x3  }
0x37: {  	[smem:$0x3FB8] =	sst s10  }
0x38: {  	s10 =	sld [smem:$0x3FB9]  }
0x39: {  	_ = 	snop;
	(pc) =	sbr.ind lr, $3  }
0x3a: {  	_ = 	snop  }
0x3b: {  	_ = 	snop  }
0x3c: {  	p2 =	seq.s32 s10, $0x1;
	s10 =	sld [smem:$0x3FB8]  }
0x3d: {  	_ =	shalt  }
0x3e: {  	_ =	shalt  }
0x3f: {  	_ =	shalt  }
0x40: {  	_ =	shalt  }
0x41: {  	_ =	shalt  }
0x42: {  	_ =	shalt  }
0x43: {  	_ =	shalt  }
0x44: {  	_ =	shalt  }
0x45: {  	_ =	shalt  }
0x46: {  	_ =	shalt  }
0x47: {  	_ =	shalt  }
0x48: {  	_ =	shalt  }
0x49: {  	_ =	shalt  }
0x4a: {  	_ =	shalt  }
0x4b: {  	_ =	shalt  }
0x4c: {  	_ =	shalt  }
0x4d: {  	_ =	shalt  }
0x4e: {  	_ =	shalt  }
0x4f: {  	_ =	shalt  }
0x50: {  	_ =	shalt  }
0x51: {  	_ =	shalt  }
0x52: {  	_ =	shalt  }
0x53: {  	_ =	shalt  }
0x54: {  	_ =	shalt  }
0x55: {  	_ =	shalt  }
0x56: {  	_ =	shalt  }
0x57: {  	_ =	shalt  }
0x58: {  	_ =	shalt  }
0x59: {  	_ =	shalt  }
0x5a: {  	_ =	shalt  }
0x5b: {  	_ =	shalt  }
0x5c: {  	_ =	shalt  }
0x5d: {  	_ =	shalt  }
0x5e: {  	_ =	shalt  }
0x5f: {  	_ =	shalt  }
0x60: {  	_ =	shalt  }
0x61: {  	_ =	shalt  }
0x62: {  	_ =	shalt  }
0x63: {  	_ =	shalt  }
0x64: {  	_ =	shalt  }
0x65: {  	_ =	shalt  }
0x66: {  	_ =	shalt  }
0x67: {  	_ =	shalt  }
0x68: {  	_ =	shalt  }
0x69: {  	_ =	shalt  }
0x6a: {  	_ =	shalt  }
0x6b: {  	_ =	shalt  }
0x6c: {  	_ =	shalt  }
0x6d: {  	_ =	shalt  }
0x6e: {  	_ =	shalt  }
0x6f: {  	_ =	shalt  }
0x70: {  	_ =	shalt  }
0x71: {  	_ =	shalt  }
0x72: {  	_ =	shalt  }
0x73: {  	_ =	shalt  }
0x74: {  	_ =	shalt  }
0x75: {  	_ =	shalt  }
0x76: {  	_ =	shalt  }
0x77: {  	_ =	shalt  }
0x78: {  	_ =	shalt  }
0x79: {  	_ =	shalt  }
0x7a: {  	_ =	shalt  }
0x7b: {  	_ =	shalt  }
0x7c: {  	_ =	shalt  }
0x7d: {  	_ =	shalt  }
0x7e: {  	_ =	shalt  }
0x7f: {  	_ =	shalt  }
0x80: {  	_ =	shalt  }
0x81: {  	_ =	shalt  }
0x82: {  	_ =	shalt  }
0x83: {  	_ =	shalt  }
0x84: {  	_ =	shalt  }
0x85: {  	_ =	shalt  }
0x86: {  	_ =	shalt  }
0x87: {  	_ =	shalt  }
.Lfunc_end0:
.L_simem_size_0:
called_computation_lowered:
.L_overlay_start_0:
0x88: {  	s2 =	sld [smem:$0x3FD9]  }
0x89: {  	s3 =	sld [smem:$0x3FFE];
	_ =	sdelay $0x1  }
0x8a: {  	s1 =	srdreg.scid  }
0x8b: {  	s0 =	sand.u32 $0x1, s1  }
0x8c: {  	s14 =	sshll.u32 s0, $0xA;
	s2 =	sadd.s32 s3, s2  }
0x8d: {  	s2 =	sadd.s32 s2, s14  }
0x8e: {  	[smem:$0x3FC4] =	sst s2  }
0x8f: {  	_ = 	snop  }
0x90: {  	s2 =	sld [smem:$0x3FD0];
	_ =	sdelay $0x2  }
0x91: {  	s15 =	simm.s32 $0xA;
	s4 =	simm.s32 $0x10  }
0x92: {  	[smem:s4], [sflag:s15] =	dma.local [hbm:s2], $0x1  }
0x93: {  	_ =	swait.eq [sflag:s15], $0x1  }
0x94: {  	[sflag:s15] =	ssyncset.done $0x0  }
0x95: {  	[sflag:s15] =	ssyncadd.s32 $0xFFFFFFFF  }
0x96: {  	s16 =	sld [smem:$0x11];
	(tm) =	ssettm $0x1  }
0x97: {  	s17 =	sld [smem:$0x3FFB];
	_ =	sdelay $0x3  }
0x98: {  	_ =	strace s17  }
0x99: {  	s3 =	sld [smem:$0x3FFC];
	_ =	sdelay $0x3  }
0x9a: {  	_ =	strace s3  }
0x9b: {  	s3 =	sld [smem:$0x3FFD];
	_ =	sdelay $0x3  }
0x9c: {  	_ =	strace s3  }
0x9d: {  	_ =	strace $0x8FFFFFFF  }
0x9e: {  	s18 =	sld [smem:$0x3FDB];
	_ =	sdelay $0x1  }
0x9f: {  	s19 =	simm.s32 $_scs_section_size  }
0xa0: {  	s5 =	simm.s32 $_size__tile_overlayer_lowered;
	s6 =	simm.s32 $_tile_overlayer_lowered  }
0xa1: {  	s22 =	simm.s32 $0x1BFF;
	s21 =	sshll.u32 s6, $0x1;
	s3 =	sadd.s32 s19, s18  }
0xa2: {  	s7 =	simm.s32 $0x0;
	s20 =	sshll.u32 s5, $0x1;
	s5 =	sadd.s32 s21, s3  }
0xa3: {  	[timem:s7], [sflag:s22] =	dma.local [hbm:s5], s20  }
0xa4: {  	_ =	swait.ge [sflag:s22], s20  }
0xa5: {  	s4 =	ssub.s32 $0x0, s20;
	[sflag:s22] =	ssyncset.done $0x0  }
0xa6: {  	[sflag:s22] =	ssyncadd.s32 s4;
	_ =	sdelay $0x1  }
0xa7: {  	s23 =	simm.s32 $0x1B8B  }
0xa8: {  	_ =	swait.ge [sflag:s23], $0x1  }
0xa9: {  	[sflag:s23] =	ssyncset.done $0x0  }
0xaa: {  	s25 =	simm.s32 $0x1B8E;
	s24 =	sld [smem:$0x3FFE];
	[sflag:s23] =	ssyncadd.s32 $0xFFFFFFFF  }
0xab: {  	s26 =	simm.s32 $execute0_lowered;
	[smem:$0x3FD2] =	sst s25  }
0xac: {  	s5 =	sshll.u32 s26, $0x1;
	_ =	strace $0x80000046;
	[dreg:$0x1] =	wrdreg $0xFFFFFFFF  }
0xad: {  	s28 =	simm.s32 $_size_execute0_lowered;
	s3 =	sadd.s32 s3, s5;
	[dreg:$0x0] =	wrdreg $0x0  }
0xae: {  	s5 =	sshll.u32 s28, $0x1;
	[dreg:$0x2] =	wrdreg s3  }
0xaf: {  	[dreg:$0x3] =	wrdreg s5  }
0xb0: {  	[dreg:$0x4] =	wrdreg $0xC0  }
0xb1: {  	_ =	task [dreg:s7], $0x5FFFF  }
0xb2: {  	[dreg:$0x1] =	wrdreg $0xFFFFFFFF  }
0xb3: {  	[dreg:$0x0] =	wrdreg $0x60  }
0xb4: {  	[dreg:$0x2] =	wrdreg s16  }
0xb5: {  	[dreg:$0x3] =	wrdreg s24  }
0xb6: {  	[dreg:$0x4] =	wrdreg $0x9  }
0xb7: {  	_ =	task.clear_ibuf [dreg:s7], $0x5FFFF;
	_ =	strace $0x90000046  }
0xb8: {  	s29 =	simm.s32 $0x9;
	_ =	strace $0x80000048  }
0xb9: {  	_ =	swait.ge [sflag:s29], $0x1  }
0xba: {  	[sflag:s29] =	ssyncadd.s32 $0xFFFFFFFF  }
0xbb: {  	_ =	strace $0x90000048  }
0xbc: {  	_ =	sfence  }
0xbd: {  	s30 =	sld [smem:$0x0];
	_ =	sdelay $0x2  }
0xbe: {  	s31 =	sshll.u32 s1, $0xD;
	s1 =	sshrl.u32 s1, $0x2  }
0xbf: {  	s3 =	sand.u32 $0x4000, s31;
	s1 =	sadd.s32 s1, s30  }
0xc0: {  	s0 =	sor.u32 s3, s0;
	s1 =	sshll.u32 s1, $0x11  }
0xc1: {  	s0 =	sor.u32 s1, s0  }
0xc2: {  	s0 =	sadd.s32 $0x8F2B, s0  }
0xc3: {  	[sflag:s0] =	ssyncadd.remote.s32 $0x1  }
0xc4: {  	_ =	sfence.sel $0xFFFF  }
0xc5: {  	[dreg:$0x0] =	wrdreg $0xFFFFFFFF;
	(pc) =	sbr.abs _section_cstart, $3  }
0xc6: {  	[dreg:$0x1] =	wrdreg $0xFFFFFFFF  }
0xc7: {  	_ =	task.clear_ibuf [dreg:s7], $0x2FFFF;
	_ =	strace $0x9FFFFFFF  }
0xc8: {  	(tm) =	ssettm $0x7FFFFFFF  }
0xc9: {  	_ =	shalt  }
tec
execute0_lowered:
.L_overlay_start_1:
0x0: {  	(tag) =	ssettag $0x1  }
0x1: {  	s3 =	stileid.u32;
	s0 =	rddreg [dreg:$0x0]  }
0x2: {  	s1 =	srdreg.scid;
	s4 =	rddreg [dreg:$0x1];
	s13 =	simm.s32 $0x1  }
0x3: {  	s18 =	simm.s32 $0x12600;
	s19 =	simm.s32 $0x13E80;
	s2 =	sshll.u32 s3, $0x1  }
0x4: {  	s3 =	sshrl.u32 s3, $0x2;
	s1 =	sand.u32 $0x1, s1;
	s2 =	sand.u32 $0x6, s2  }
0x5: {  	s20 =	simm.s32 $0x15700;
	s3 =	smul.u32 $0xC400, s3;
	s5 =	sor.u32 s1, s2  }
0x6: {  	s21 =	simm.s32 $0x16F80;
	s2 =	simm.s32 $0x0;
	s5 =	smul.u32 $0x1880, s5  }
0x7: {  	s22 =	simm.s32 $0x0;
	s1 =	ssub.s32 $0x2, s1;
	[smem:$0x7FF] =	sst s2  }
0x8: {  	s31 =	sshrl.u32 s1, $0x1;
	_ =	strace $0x80000047;
	s5 =	sadd.s32 s3, s5  }
0x9: {  	s1 =	ssub.s32 s1, s31;
	s3 =	sshrl.u32 s3, $0x3;
	s5 =	sshrl.u32 s5, $0x3  }
0xa: {  	s12 =	smax.u32 s1, $0x1;
	s3 =	sadd.s32 s3, s4;
	s11 =	sadd.s32 s5, s4  }
0xb: {  	s3 =	sadd.s32 $0x7000, s3;
	s4 =	sadd.s32 s0, s5;
	s5 =	sadd.s32 $0xE00, s11  }
0xc: {  	s6 =	sadd.s32 $0x13400, s11;
	s7 =	sadd.s32 $0x19600, s11;
	s8 =	sadd.s32 $0x1F800, s11  }
0xd: {  	v0 =	vimm.f32 $1.000000000e+00;
	s9 =	sadd.s32 $0x25A00, s11;
	s10 =	sadd.s32 $0x2BC00, s11;
	s11 =	sadd.s32 $0xD200, s11  }
.LBB2_1:
0xe: {  	[tilespmem:s2], [sflag:$0x1] =	stream.linear.gather [hbm4b:s3+s2], $0xC400, $0x38;
	[tilespmem:$0x18800] =	vst v63  }
0xf: {  	_ =	swait.ge [sflag:s13], $0xC400  }
0x10: {  	[sflag:s13] =	ssyncset.done $0x0  }
0x11: {  	s0 =	simm.s32 $0xC400;
	[sflag:s13] =	ssyncadd.s32 $0xFFFF3C00  }
0x12: {  	[tilespmem:s0], [sflag:$0x1] =	stream.linear.gather [hbm4b:s4+s2], $0x1880, $0x38;
	[tilespmem:$0x18800] =	vst v63  }
0x13: {  	_ =	swait.ge [sflag:s13], $0x1880  }
0x14: {  	[sflag:s13] =	ssyncset.done $0x0  }
0x15: {  	s23 =	simm.s32 $0xDC80;
	[sflag:s13] =	ssyncadd.s32 $0xFFFFE780  }
0x16: {  	[tilespmem:s23], [sflag:$0x1] =	stream.linear.gather [hbm4b:s5+s2], $0x1880, $0x38;
	[tilespmem:$0x18800] =	vst v63  }
0x17: {  	_ =	swait.ge [sflag:s13], $0x1880  }
0x18: {  	[sflag:s13] =	ssyncset.done $0x0  }
0x19: {  	s24 =	simm.s32 $0xDCA0;
	[sflag:s13] =	ssyncadd.s32 $0xFFFFE780  }
0x1a: {  	v1 =	vld [tilespmem:s24+$0x10]  }
0x1b: {  	s1 =	simm.s32 $0xC420;
	v3 =	vld [tilespmem:s24+$0xFFFFFFE0]  }
0x1c: {  	v2 =	vld [tilespmem:s1+$0x10]  }
0x1d: {  	v24 =	vld [tilespmem:s24+$0xFFFFFFF0]  }
0x1e: {  	v22 =	vld [tilespmem:s24+$0x0]  }
0x1f: {  	v6 =	vld [tilespmem:s1+$0xFFFFFFF0]  }
0x20: {  	v23 =	vld [tilespmem:s1+$0x0]  }
0x21: {  	v15 =	vld [tilespmem:s1+$0xFFFFFFE0];
	_ =	sdelay $0x1  }
0x22: {  	v4 =	vtrunc.f32 v1;
	v5 =	vtrunc.f32 v3  }
0x23: {  	v7 =	vtrunc.f32 v2;
	v8 =	vtrunc.f32 v24  }
0x24: {  	vm0 =	vlt.f32 v3, $0.0e+00;
	v9 =	vtrunc.f32 v22;
	v10 =	vtrunc.f32 v6  }
0x25: {  	vm1 =	vge.f32 v3, $2.240000000e+02;
	v12 =	vtrunc.f32 v15;
	v13 =	vtrunc.f32 v23  }
0x26: {  	vm5 =	vge.f32 v15, $2.240000000e+02;
	vm15 =	vlt.f32 v2, $0.0e+00;
	vm6 =	vge.f32 v2, $2.240000000e+02  }
0x27: {  	vm7 =	vlt.f32 v1, $0.0e+00;
	vm8 =	vge.f32 v1, $2.240000000e+02;
	v4 =	vcvt.f32.s32 v4  }
0x28: {  	vm10 =	vge.f32 v23, $2.240000000e+02;
	v5 =	vcvt.f32.s32 v5;
	v7 =	vcvt.f32.s32 v7  }
0x29: {  	vm11 =	vlt.f32 v22, $0.0e+00;
	v8 =	vcvt.f32.s32 v8;
	v9 =	vcvt.f32.s32 v9  }
0x2a: {  	v12 =	vcvt.f32.s32 v12;
	v10 =	vcvt.f32.s32 v10;
	vm6 =	vmor vm15, vm6  }
0x2b: {  	vm7 =	vmor vm7, vm8;
	vm8 =	vlt.f32 v23, $0.0e+00;
	vm0 =	vmor vm0, vm1  }
0x2c: {  	vm6 =	vmor vm6, vm7;
	vm7 =	vlt.f32 v24, $0.0e+00;
	vm2 =	vgt.s32 v4, $0x0  }
0x2d: {  	vm12 =	vgt.s32 v7, $0x0;
	vm13 =	vgt.s32 v5, $0x0;
	vm3 =	vgt.s32 v8, $0x0  }
0x2e: {  	vm4 =	vgt.s32 v9, $0x0;
	vm14 =	vgt.s32 v12, $0x0;
	v4 =	vnsel vm2, $0x0, v4  }
0x2f: {  	v7 =	vnsel vm12, $0x0, v7;
	v5 =	vnsel vm13, $0x0, v5;
	v8 =	vnsel vm3, $0x0, v8  }
0x30: {  	vm3 =	vgt.s32 v10, $0x0;
	v9 =	vnsel vm4, $0x0, v9;
	v4 =	vmin.u32 v4, $0xDE  }
0x31: {  	v12 =	vnsel vm14, $0x0, v12;
	vm13 =	vmor vm8, vm10;
	v11 =	vmul.u32 $0xE0, v4  }
0x32: {  	v14 =	vmin.u32 v7, $0xDE;
	v5 =	vmin.u32 v5, $0xDE;
	v19 =	vmin.u32 v8, $0xDE  }
0x33: {  	v20 =	vmin.u32 v9, $0xDE;
	v10 =	vnsel vm3, $0x0, v10;
	v7 =	vadd.s32 v14, v11  }
0x34: {  	v26 =	vmin.u32 v12, $0xDE;
	v11 =	vcvt.f32.s32 v13;
	v13 =	vadd.s32 $0x1, v7  }
0x35: {  	v25 =	vmul.u32 $0xE0, v19;
	v28 =	vmul.u32 $0xE0, v20;
	v16 =	vadd.s32 $0xE0, v7  }
0x36: {  	v19 =	vcvt.s32.f32 v19;
	v20 =	vcvt.s32.f32 v20;
	v17 =	vadd.s32 $0xE1, v7  }
0x37: {  	vm3 =	vlt.f32 v6, $0.0e+00;
	v4 =	vcvt.s32.f32 v4;
	v14 =	vcvt.s32.f32 v14  }
0x38: {  	v27 =	vmin.u32 v10, $0xDE;
	v19 =	vsub.f32 v24, v19;
	v20 =	vsub.f32 v22, v20;
	v18 =	vld.idx.msk [tilespmem:v7+s2+$0x0], $0xffff  }
0x39: {  	v4 =	vsub.f32 v1, v4;
	vm4 =	vgt.s32 v11, $0x0;
	v9 =	vsub.f32 v2, v14;
	v8 =	vld.idx.msk [tilespmem:v13+s2+$0x0], $0xffff  }
0x3a: {  	v37 =	vsub.f32 $1.000000000e+00, v19;
	v41 =	vsub.f32 $1.000000000e+00, v20;
	v11 =	vnsel vm4, $0x0, v11;
	v14 =	vld.idx.msk [tilespmem:v16+s2+$0x0], $0xffff  }
0x3b: {  	vm4 =	vlt.f32 v15, $0.0e+00;
	v21 =	vsub.f32 $1.000000000e+00, v9;
	v16 =	vld.idx.msk [tilespmem:v17+s2+$0x0], $0xffff;
	v17 =	vsub.f32 $1.000000000e+00, v4  }
0x3c: {  	vm4 =	vmor vm4, vm5;
	v13 =	vmul.u32 $0xE0, v5;
	v5 =	vcvt.s32.f32 v5  }
0x3d: {  	vm14 =	vmor vm4, vm0;
	v10 =	vmul.f32 v17, v21;
	v12 =	vmul.f32 v17, v9  }
0x3e: {  	v17 =	vmin.u32 v11, $0xDE;
	v11 =	vmul.f32 v21, v4;
	v4 =	vmul.f32 v4, v9  }
0x3f: {  	v13 =	vadd.s32 v26, v13;
	v9 =	vmul.f32 v10, v18;
	v10 =	vmul.f32 v12, v8  }
0x40: {  	v3 =	vsub.f32 v3, v5;
	v11 =	vmul.f32 v11, v14;
	v8 =	vmul.f32 v4, v16  }
0x41: {  	v12 =	vadd.s32 v27, v25;
	v14 =	vadd.s32 v17, v28;
	v4 =	vcvt.s32.f32 v26  }
0x42: {  	v16 =	vadd.s32 $0x1, v13;
	v18 =	vadd.f32 v10, v9;
	v21 =	vadd.f32 v8, v11  }
0x43: {  	v25 =	vcvt.s32.f32 v27;
	v27 =	vadd.s32 $0xE0, v13;
	v17 =	vcvt.s32.f32 v17  }
0x44: {  	v28 =	vadd.s32 $0xE1, v13;
	v30 =	vadd.s32 $0xE1, v12;
	v18 =	vadd.f32 v18, v21  }
0x45: {  	s25 =	simm.s32 $0xDCE0;
	v29 =	vadd.s32 $0xE0, v12;
	v4 =	vsub.f32 v15, v4;
	v33 =	vsub.f32 v6, v25  }
0x46: {  	v17 =	vsub.f32 v23, v17;
	v25 =	vld [tilespmem:s25+$0x10];
	v21 =	vadd.s32 $0x1, v12;
	v26 =	vadd.f32 $9.999999960e-13, v18  }
0x47: {  	v34 =	vmul.f32 v3, v4;
	v35 =	vsub.f32 $1.000000000e+00, v4;
	v36 =	vmul.f32 v19, v33;
	v16 =	vld.idx.msk [tilespmem:v16+s2+$0x0], $0xffff  }
0x48: {  	v39 =	vmul.f32 v20, v17;
	(erf) = vrcp.f32 v26;
	v26 =	vsub.f32 $1.000000000e+00, v3  }
0x49: {  	s23 =	simm.s32 $0xC460;
	v38 =	vsub.f32 $1.000000000e+00, v33;
	v33 =	vmul.f32 v37, v33;
	v44 =	vmul.f32 v41, v17;
	v30 =	vld.idx.msk [tilespmem:v30+s2+$0x0], $0xffff  }
0x4a: {  	v5 =	vadd.s32 $0xE1, v14;
	v40 =	vmul.f32 v26, v35;
	v4 =	vmul.f32 v26, v4;
	v26 =	vld [tilespmem:s23+$0x10]  }
0x4b: {  	v42 =	vsub.f32 $1.000000000e+00, v17;
	v27 =	vld.idx.msk [tilespmem:v27+s2+$0x0], $0xffff;
	v62 =	vmul.f32 v37, v38;
	v19 =	vmul.f32 v38, v19  }
0x4c: {  	v31 =	vadd.s32 $0x1, v14;
	v29 =	vld.idx.msk [tilespmem:v29+s2+$0x0], $0xffff;
	v15 =	vmul.f32 v4, v16;
	v4 =	vtrunc.f32 v25  }
0x4d: {  	v63 =	vmul.f32 v41, v42;
	v17 =	vsub.f32 $1.000000000e+00, v18;
	v18 =	vld.idx.msk [tilespmem:v28+s2+$0x0], $0xffff;
	v4 =	vcvt.f32.s32 v4  }
0x4e: {  	v32 =	vadd.s32 $0xE0, v14;
	v20 =	vmul.f32 v42, v20;
	v3 =	vmul.f32 v35, v3;
	v21 =	vld.idx.msk [tilespmem:v21+s2+$0x0], $0xffff  }
0x4f: {  	v46 =	vld.idx.msk [tilespmem:v5+s2+$0x0], $0xffff;
	v5 =	vmul.f32 v36, v30;
	v16 =	vtrunc.f32 v26;
	vm9 =	vgt.s32 v4, $0x0  }
0x50: {  	v1 =	vcvt.f32.s32 v16;
	v16 =	vmul.f32 v3, v27;
	v3 =	vnsel vm9, $0x0, v4  }
0x51: {  	v4 =	vld.idx.msk [tilespmem:v31+s2+$0x0], $0xffff;
	vm9 =	vge.f32 v24, $2.240000000e+02;
	v2 =	vpop (erf);
	v31 =	vmin.u32 v3, $0xDE;
	v3 =	vmul.f32 v19, v29  }
0x52: {  	v45 =	vld.idx.msk [tilespmem:v13+s2+$0x0], $0xffff;
	v28 =	vmul.f32 v2, v17;
	vm12 =	vgt.s32 v1, $0x0;
	v17 =	vmul.f32 v34, v18  }
0x53: {  	v41 =	vld [tilespmem:s23+$0x0];
	v27 =	vmul.u32 $0xE0, v31;
	v18 =	vmul.f32 v33, v21;
	v31 =	vcvt.s32.f32 v31  }
0x54: {  	v32 =	vld.idx.msk [tilespmem:v32+s2+$0x0], $0xffff;
	v1 =	vnsel vm12, $0x0, v1;
	v50 =	vadd.f32 v5, v3;
	vm12 =	vge.f32 v22, $2.240000000e+02  }
0x55: {  	v47 =	vld.idx.msk [tilespmem:v14+s2+$0x0], $0xffff;
	vm2 =	vgt.f32 v28, $5.000000000e-01;
	v28 =	vmin.u32 v1, $0xDE;
	v48 =	vadd.f32 v17, v16  }
0x56: {  	v19 =	vld.idx.msk [tilespmem:v12+s2+$0x0], $0xffff;
	v31 =	vsub.f32 v25, v31;
	vm5 =	vmor vm11, vm12;
	v21 =	vadd.s32 v28, v27  }
0x57: {  	vm6 =	vmor vm6, vm2;
	v1 =	vmul.f32 v44, v4;
	v28 =	vcvt.s32.f32 v28  }
0x58: {  	v4 =	vmul.f32 v39, v46;
	v44 =	vtrunc.f32 v41;
	v29 =	vadd.s32 $0x1, v21  }
0x59: {  	v27 =	vsel vm6, $0x0, v2;
	v30 =	vadd.s32 $0xE0, v21;
	v2 =	vmul.f32 v20, v32  }
0x5a: {  	v49 =	vadd.s32 $0xE1, v21;
	v20 =	vmul.f32 v40, v45;
	vm6 =	vge.f32 v6, $2.240000000e+02  }
0x5b: {  	v19 =	vmul.f32 v62, v19;
	v6 =	vmul.f32 v63, v47;
	v55 =	vsub.f32 $1.000000000e+00, v31  }
0x5c: {  	v39 =	vld [tilespmem:s25+$0xFFFFFFF0];
	v44 =	vcvt.f32.s32 v44;
	v28 =	vsub.f32 v26, v28;
	vm1 =	vmor vm3, vm6  }
0x5d: {  	v63 =	vld [tilespmem:s23+$0xFFFFFFE0];
	vm3 =	vmor vm7, vm9;
	v9 =	vmul.f32 v27, v9;
	v10 =	vmul.f32 v27, v10  }
0x5e: {  	v11 =	vmul.f32 v27, v11;
	v52 =	vadd.f32 v4, v2;
	v53 =	vadd.f32 v15, v20;
	v51 =	vld.idx.msk [tilespmem:v21+s2+$0x0], $0xffff  }
0x5f: {  	v27 =	vmul.f32 v27, v8;
	v57 =	vadd.f32 v18, v19;
	v58 =	vadd.f32 v1, v6;
	v29 =	vld.idx.msk [tilespmem:v29+s2+$0x0], $0xffff  }
0x60: {  	vm3 =	vmor vm1, vm3;
	v56 =	vsub.f32 $1.000000000e+00, v28;
	v24 =	vadd.f32 v53, v48;
	v30 =	vld.idx.msk [tilespmem:v30+s2+$0x0], $0xffff  }
0x61: {  	vm1 =	vmor vm13, vm5;
	vm13 =	vlt.f32 v26, $0.0e+00;
	v60 =	vmul.f32 v55, v28;
	v54 =	vld.idx.msk [tilespmem:v49+s2+$0x0], $0xffff  }
0x62: {  	v28 =	vmul.f32 v31, v28;
	v59 =	vmul.f32 v55, v56;
	v23 =	vadd.f32 $9.999999960e-13, v24  }
0x63: {  	v38 =	vadd.f32 v57, v50;
	v37 =	vmul.f32 v56, v31;
	v43 =	vtrunc.f32 v63  }
0x64: {  	vm11 =	vlt.f32 v39, $0.0e+00;
	v43 =	vcvt.f32.s32 v43;
	(erf) = vrcp.f32 v23  }
0x65: {  	vm9 =	vlt.f32 v63, $0.0e+00;
	v23 =	vld [tilespmem:s23+$0xFFFFFFF0];
	v32 =	vmul.f32 v59, v51;
	v31 =	vmul.f32 v60, v29  }
0x66: {  	v61 =	vadd.f32 $9.999999960e-13, v38;
	v30 =	vmul.f32 v37, v30;
	v29 =	vmul.f32 v28, v54;
	v37 =	vld [tilespmem:s25+$0xFFFFFFE0]  }
0x67: {  	v24 =	vsub.f32 $1.000000000e+00, v24;
	vm12 =	vgt.s32 v43, $0x0;
	v28 =	vadd.f32 v58, v52  }
0x68: {  	(erf) = vrcp.f32 v61;
	v22 =	vadd.f32 v31, v32;
	v33 =	vadd.f32 v29, v30  }
0x69: {  	v40 =	vld [tilespmem:s25+$0x0];
	v43 =	vnsel vm12, $0x0, v43;
	vm12 =	vge.f32 v25, $2.240000000e+02;
	v35 =	vadd.f32 $9.999999960e-13, v28  }
0x6a: {  	v43 =	vmin.u32 v43, $0xDE;
	v28 =	vsub.f32 $1.000000000e+00, v28;
	v62 =	vadd.f32 v22, v33  }
0x6b: {  	vm10 =	vlt.f32 v23, $0.0e+00;
	(erf) = vrcp.f32 v35;
	v22 =	vtrunc.f32 v37  }
0x6c: {  	vm5 =	vlt.f32 v37, $0.0e+00;
	vm6 =	vge.f32 v37, $2.240000000e+02;
	v33 =	vadd.f32 $9.999999960e-13, v62  }
0x6d: {  	v51 =	vcvt.f32.s32 v22;
	v22 =	vtrunc.f32 v39;
	v54 =	vsub.f32 $1.000000000e+00, v62  }
0x6e: {  	vm5 =	vmor vm5, vm6;
	v52 =	vcvt.f32.s32 v22;
	v22 =	vtrunc.f32 v40  }
0x6f: {  	vm6 =	vge.f32 v41, $2.240000000e+02;
	v53 =	vcvt.f32.s32 v22;
	v22 =	vtrunc.f32 v23  }
0x70: {  	(erf) = vrcp.f32 v33;
	vm15 =	vgt.s32 v51, $0x0;
	v45 =	vcvt.f32.s32 v22  }
0x71: {  	vm7 =	vgt.s32 v52, $0x0;
	v46 =	vnsel vm15, $0x0, v51;
	vm15 =	vlt.f32 v25, $0.0e+00  }
0x72: {  	vm8 =	vgt.s32 v53, $0x0;
	v47 =	vnsel vm7, $0x0, v52;
	v8 =	vmin.u32 v46, $0xDE  }
0x73: {  	vm7 =	vgt.s32 v45, $0x0;
	v48 =	vnsel vm8, $0x0, v53;
	vm8 =	vgt.s32 v44, $0x0  }
0x74: {  	v56 =	vmul.u32 $0xE0, v8;
	v8 =	vcvt.s32.f32 v8;
	v55 =	vnsel vm7, $0x0, v45  }
0x75: {  	v22 =	vpop (erf);
	vm7 =	vge.f32 v26, $2.240000000e+02;
	v25 =	vnsel vm8, $0x0, v44;
	vm8 =	vmor vm15, vm12  }
0x76: {  	vm12 =	vge.f32 v39, $2.240000000e+02;
	v24 =	vmul.f32 v22, v24;
	vm7 =	vmor vm13, vm7  }
0x77: {  	vm13 =	vlt.f32 v40, $0.0e+00;
	vm11 =	vmor vm11, vm12;
	vm12 =	vge.f32 v40, $2.240000000e+02  }
0x78: {  	v34 =	vpop (erf);
	v59 =	vmin.u32 v55, $0xDE;
	v25 =	vmin.u32 v25, $0xDE;
	v45 =	vadd.s32 v43, v56  }
0x79: {  	v33 =	vpop (erf);
	v43 =	vcvt.s32.f32 v43;
	v8 =	vsub.f32 v37, v8;
	vm7 =	vmor vm7, vm8  }
0x7a: {  	vm8 =	vge.f32 v63, $2.240000000e+02;
	v44 =	vmul.f32 v33, v28;
	v28 =	vmin.u32 v48, $0xDE;
	v26 =	vpop (erf)  }
0x7b: {  	v60 =	vadd.s32 $0x1, v45;
	v48 =	vcvt.s32.f32 v59;
	v35 =	vmul.f32 v26, v54  }
0x7c: {  	v49 =	vadd.s32 $0xE0, v45;
	v50 =	vadd.s32 $0xE1, v45;
	vm8 =	vmor vm9, vm8  }
0x7d: {  	vm9 =	vlt.f32 v41, $0.0e+00;
	v58 =	vmul.u32 $0xE0, v28;
	vm0 =	vgt.f32 v35, $5.000000000e-01  }
0x7e: {  	v28 =	vcvt.s32.f32 v28;
	v42 =	vsub.f32 v63, v43;
	vm7 =	vmor vm7, vm0  }
0x7f: {  	v61 =	vsub.f32 $1.000000000e+00, v8;
	v35 =	vsel vm7, $0x0, v26;
	v26 =	vsub.f32 $1.000000000e+00, v38  }
0x80: {  	v46 =	vadd.s32 v25, v58;
	v25 =	vcvt.s32.f32 v25;
	v62 =	vsub.f32 $1.000000000e+00, v42  }
0x81: {  	v55 =	vadd.s32 $0x1, v46;
	v38 =	vmul.f32 v34, v26;
	v26 =	vmin.u32 v47, $0xDE  }
0x82: {  	v28 =	vsub.f32 v40, v28;
	v43 =	vadd.s32 $0xE1, v46;
	v57 =	vmul.u32 $0xE0, v26  }
0x83: {  	v50 =	vld.idx.msk [tilespmem:v50+s2+$0x0], $0xffff;
	v25 =	vsub.f32 v41, v25;
	vm7 =	vge.f32 v23, $2.240000000e+02;
	v23 =	vsub.f32 v23, v48  }
0x84: {  	v52 =	vld.idx.msk [tilespmem:v45+s2+$0x0], $0xffff;
	v48 =	vsub.f32 $1.000000000e+00, v28;
	vm10 =	vmor vm10, vm7;
	v36 =	vadd.s32 v59, v57  }
0x85: {  	s26 =	simm.s32 $0xF520;
	v37 =	vld.idx.msk [tilespmem:v60+s2+$0x0], $0xffff;
	vm7 =	vmor vm8, vm5;
	v26 =	vcvt.s32.f32 v26;
	v57 =	vadd.s32 $0xE0, v46  }
0x86: {  	[tilespmem:s26+$0xFFFFFFF0] =	vst v12;
	v55 =	vld.idx.msk [tilespmem:v55+s2+$0x0], $0xffff;
	v12 =	vmul.f32 v35, v32;
	v47 =	vmul.f32 v8, v42;
	v51 =	vadd.s32 $0x1, v36  }
0x87: {  	s24 =	simm.s32 $0x10DA0;
	[tilespmem:s26+$0x10] =	vst v7;
	v58 =	vsub.f32 $1.000000000e+00, v23;
	v26 =	vsub.f32 v39, v26;
	v39 =	vld.idx.msk [tilespmem:v49+s2+$0x0], $0xffff;
	v53 =	vadd.s32 $0xE0, v36  }
0x88: {  	[tilespmem:s24+$0x10] =	vst v9;
	v43 =	vld.idx.msk [tilespmem:v43+s2+$0x0], $0xffff;
	v42 =	vmul.f32 v61, v42;
	v9 =	vmul.f32 v47, v50;
	v54 =	vadd.s32 $0xE1, v36  }
0x89: {  	v59 =	vmul.f32 v61, v62;
	v49 =	vmul.f32 v62, v8;
	v8 =	vsub.f32 $1.000000000e+00, v25;
	v56 =	vld.idx.msk [tilespmem:v36+s2+$0x0], $0xffff  }
0x8a: {  	vm8 =	vmor vm13, vm12;
	v62 =	vmul.f32 v48, v25;
	v40 =	vmul.f32 v26, v23;
	v57 =	vld.idx.msk [tilespmem:v57+s2+$0x0], $0xffff  }
0x8b: {  	s25 =	simm.s32 $0x12620;
	v63 =	vsub.f32 $1.000000000e+00, v26;
	v26 =	vmul.f32 v58, v26;
	v48 =	vmul.f32 v48, v8;
	v41 =	vld.idx.msk [tilespmem:v51+s2+$0x0], $0xffff  }
0x8c: {  	[tilespmem:s25+$0x10] =	vst v10;
	vm13 =	vgt.f32 v24, $5.000000000e-01;
	v24 =	vmul.f32 v62, v55;
	v10 =	vmul.f32 v49, v39;
	v53 =	vld.idx.msk [tilespmem:v53+s2+$0x0], $0xffff  }
0x8d: {  	v54 =	vld.idx.msk [tilespmem:v54+s2+$0x0], $0xffff;
	v51 =	vmul.f32 v63, v58;
	v58 =	vmul.f32 v28, v25  }
0x8e: {  	s28 =	simm.s32 $0x13EA0;
	v60 =	vsel vm2, $0x0, v0;
	v28 =	vmul.f32 v8, v28;
	v8 =	vmul.f32 v42, v37;
	v42 =	vld.idx.msk [tilespmem:v46+s2+$0x0], $0xffff  }
0x8f: {  	[tilespmem:s28+$0x10] =	vst v11;
	vm14 =	vmor vm14, vm13;
	v11 =	vmul.f32 v59, v52;
	v23 =	vmul.f32 v63, v23  }
0x90: {  	[tilespmem:s26+$0xFFFFFFE0] =	vst v13;
	v55 =	vsel vm14, $0x0, v22;
	v13 =	vadd.f32 v9, v10;
	v22 =	vmul.f32 v28, v57  }
0x91: {  	s15 =	simm.s32 $0xF560;
	[tilespmem:s26+$0x0] =	vst v14;
	v59 =	vadd.f32 v8, v11;
	v28 =	vmul.f32 v51, v56;
	v7 =	vmul.f32 v23, v41  }
0x92: {  	s30 =	simm.s32 $0x15720;
	[tilespmem:s15+$0x10] =	vst v21;
	vm15 =	vgt.f32 v38, $5.000000000e-01;
	v26 =	vmul.f32 v26, v53;
	v25 =	vmul.f32 v40, v54  }
0x93: {  	s1 =	simm.s32 $0x16FA0;
	[tilespmem:s30+$0x10] =	vst v27;
	v38 =	vadd.f32 v59, v13;
	v23 =	vmul.f32 v58, v43;
	v27 =	vmul.f32 v48, v42  }
0x94: {  	s26 =	simm.s32 $0x10DE0;
	[tilespmem:s1+$0x10] =	vst v60;
	v21 =	vmul.f32 v35, v31;
	v14 =	vadd.f32 v25, v26;
	v62 =	vadd.f32 v7, v28  }
0x95: {  	s29 =	simm.s32 $0x12660;
	[tilespmem:s26+$0x10] =	vst v12;
	v12 =	vmul.f32 v35, v30;
	v60 =	vadd.f32 v23, v22;
	v13 =	vadd.f32 v24, v27  }
0x96: {  	[tilespmem:s29+$0x10] =	vst v21;
	v21 =	vmul.f32 v35, v29;
	v29 =	vadd.f32 $9.999999960e-13, v38;
	v14 =	vadd.f32 v62, v14  }
0x97: {  	s31 =	simm.s32 $0x13EE0;
	v63 =	vadd.f32 v13, v60  }
0x98: {  	s0 =	simm.s32 $0x15760;
	[tilespmem:s31+$0x10] =	vst v12;
	(erf) = vrcp.f32 v29;
	v12 =	vadd.f32 $9.999999960e-13, v14  }
0x99: {  	vm5 =	vmor vm9, vm6;
	vm6 =	vmor vm10, vm11;
	[tilespmem:s0+$0x10] =	vst v21;
	v21 =	vadd.f32 $9.999999960e-13, v63  }
0x9a: {  	vm5 =	vmor vm5, vm8;
	v32 =	vsel vm13, $0x0, v0;
	(erf) = vrcp.f32 v12  }
0x9b: {  	v61 =	vsel vm0, $0x0, v0;
	vm3 =	vmor vm3, vm15;
	(erf) = vrcp.f32 v21  }
0x9c: {  	s14 =	simm.s32 $0x16FE0;
	v30 =	vsel vm15, $0x0, v0;
	[tilespmem:s15+$0xFFFFFFE0] =	vst v45;
	v13 =	vsel vm3, $0x0, v34;
	vm3 =	vgt.f32 v44, $5.000000000e-01  }
0x9d: {  	[tilespmem:s14+$0x10] =	vst v61;
	v17 =	vmul.f32 v55, v17;
	vm1 =	vmor vm1, vm3;
	v29 =	vsel vm3, $0x0, v0  }
0x9e: {  	[tilespmem:s15+$0x0] =	vst v46;
	v18 =	vmul.f32 v13, v18;
	v31 =	vsel vm1, $0x0, v33;
	v12 =	vmul.f32 v55, v20  }
0x9f: {  	[tilespmem:s15+$0xFFFFFFF0] =	vst v36;
	v33 =	vmul.f32 v55, v15;
	v15 =	vmul.f32 v13, v19;
	v20 =	vsub.f32 $1.000000000e+00, v14  }
0xa0: {  	s16 =	simm.s32 $0x40;
	s17 =	simm.s32 $0xDD20;
	v14 =	vmul.f32 v55, v16;
	v16 =	vsub.f32 $1.000000000e+00, v63;
	v21 =	vsub.f32 $1.000000000e+00, v38;
	[tilespmem:s24+$0xFFFFFFE0] =	vst v12  }
.LBB2_2:
0xa1: {  	v12 =	vpop (erf);
	v42 =	vmul.f32 v13, v3;
	v34 =	vmul.f32 v13, v5  }
0xa2: {  	v19 =	vld [tilespmem:s17+$0x10];
	v3 =	vmov v26;
	s23 =	sadd.s32 $0x40, s23;
	v36 =	vmul.f32 v31, v6;
	v35 =	vmul.f32 v12, v21  }
0xa3: {  	v5 =	vmov v25;
	v25 =	vmul.f32 v31, v1;
	v43 =	vmul.f32 v31, v2;
	[tilespmem:s25+$0xFFFFFFE0] =	vst v33;
	v13 =	vpop (erf);
	v21 =	vld [tilespmem:s23+$0x10]  }
0xa4: {  	v31 =	vmul.f32 v31, v4;
	v26 =	vld [tilespmem:s17+$0xFFFFFFE0];
	[tilespmem:s28+$0xFFFFFFE0] =	vst v14;
	v37 =	vmul.f32 v13, v20;
	v14 =	vpop (erf);
	vm1 =	vgt.f32 v35, $5.000000000e-01  }
0xa5: {  	v1 =	vmovc v24;
	v20 =	vimm.s32 $0x0;
	[tilespmem:s30+$0xFFFFFFE0] =	vst v17;
	v24 =	vmul.f32 v14, v16;
	vm0 =	vmor vm7, vm1  }
0xa6: {  	v17 =	vld [tilespmem:s17+$0xFFFFFFF0];
	[tilespmem:s24+$0xFFFFFFF0] =	vst v15;
	v15 =	vmovc v28;
	v28 =	vimm.s32 $0x0;
	vm2 =	vgt.f32 v37, $5.000000000e-01;
	v20 =	vsel vm0, $0xFFFFFFFF, v20  }
0xa7: {  	v2 =	vmovc v22;
	[tilespmem:s1+$0xFFFFFFE0] =	vst v32;
	v22 =	vtrunc.f32 v19;
	vm13 =	vmor vm6, vm2;
	vm3 =	vgt.f32 v24, $5.000000000e-01  }
0xa8: {  	v4 =	vmovc v23;
	v6 =	vmovc v27;
	v16 =	vld [tilespmem:s17+$0x0];
	[tilespmem:$0x1FFE0] =	vst v20;
	v23 =	vsel vm13, $0xFFFFFFFF, v28;
	v24 =	vcvt.f32.s32 v22;
	v27 =	vtrunc.f32 v21  }
0xa9: {  	v20 =	vld [tilespmem:s23+$0xFFFFFFF0];
	[tilespmem:s25+$0xFFFFFFF0] =	vst v18;
	vm11 =	vlt.f32 v21, $0.0e+00;
	vm12 =	vge.f32 v21, $2.240000000e+02;
	vm13 =	vlt.f32 v19, $0.0e+00  }
0xaa: {  	v18 =	vld [tilespmem:s23+$0x0];
	[tilespmem:$0x1FFF0] =	vst v23;
	v23 =	vtrunc.f32 v26;
	vm6 =	vlt.f32 v26, $0.0e+00;
	vm7 =	vge.f32 v26, $2.240000000e+02  }
0xab: {  	v22 =	vld [tilespmem:s23+$0xFFFFFFE0];
	[tilespmem:s28+$0xFFFFFFF0] =	vst v42;
	v27 =	vcvt.f32.s32 v27;
	vm11 =	vmor vm11, vm12;
	v28 =	vtrunc.f32 v17  }
0xac: {  	v23 =	vcvt.f32.s32 v23;
	[tilespmem:s30+$0xFFFFFFF0] =	vst v34;
	vm8 =	vgt.s32 v24, $0x0;
	v28 =	vcvt.f32.s32 v28  }
0xad: {  	[tilespmem:s1+$0xFFFFFFF0] =	vst v30;
	v30 =	vtrunc.f32 v16;
	v24 =	vnsel vm8, $0x0, v24;
	vm8 =	vgt.s32 v27, $0x0  }
0xae: {  	[tilespmem:s24+$0x0] =	vst v36;
	v30 =	vcvt.f32.s32 v30;
	v24 =	vmin.u32 v24, $0xDE;
	v27 =	vnsel vm8, $0x0, v27  }
0xaf: {  	[tilespmem:s25+$0x0] =	vst v25;
	vm8 =	vgt.s32 v23, $0x0;
	v25 =	vtrunc.f32 v20;
	v44 =	vmul.u32 $0xE0, v24  }
0xb0: {  	v45 =	vtrunc.f32 v22;
	v46 =	vtrunc.f32 v18;
	v47 =	vmin.u32 v27, $0xDE  }
0xb1: {  	[tilespmem:s28+$0x0] =	vst v43;
	vm9 =	vgt.s32 v28, $0x0;
	v23 =	vnsel vm8, $0x0, v23;
	v27 =	vadd.s32 v47, v44  }
0xb2: {  	[tilespmem:s30+$0x0] =	vst v31;
	v24 =	vcvt.s32.f32 v24;
	v31 =	vcvt.f32.s32 v45;
	v48 =	vadd.s32 $0x1, v27  }
0xb3: {  	[tilespmem:s1+$0x0] =	vst v29;
	v25 =	vcvt.f32.s32 v25;
	v29 =	vcvt.f32.s32 v46;
	v33 =	vadd.s32 $0xE0, v27  }
0xb4: {  	vm10 =	vgt.s32 v30, $0x0;
	v28 =	vnsel vm9, $0x0, v28;
	v49 =	vadd.s32 $0xE1, v27  }
0xb5: {  	v35 =	vcvt.s32.f32 v47;
	v23 =	vmin.u32 v23, $0xDE;
	vm9 =	vlt.f32 v22, $0.0e+00  }
0xb6: {  	v30 =	vnsel vm10, $0x0, v30;
	v24 =	vsub.f32 v19, v24;
	vm8 =	vgt.s32 v31, $0x0;
	v50 =	vld.idx.msk [tilespmem:v27+s2+$0x0], $0xffff  }
0xb7: {  	v51 =	vmin.u32 v30, $0xDE;
	v30 =	vnsel vm8, $0x0, v31;
	v31 =	vsub.f32 v21, v35;
	v32 =	vld.idx.msk [tilespmem:v48+s2+$0x0], $0xffff  }
0xb8: {  	v28 =	vmin.u32 v28, $0xDE;
	v52 =	vmul.u32 $0xE0, v23;
	v23 =	vcvt.s32.f32 v23;
	v33 =	vld.idx.msk [tilespmem:v33+s2+$0x0], $0xffff  }
0xb9: {  	vm10 =	vge.f32 v22, $2.240000000e+02;
	v39 =	vsub.f32 $1.000000000e+00, v24;
	v40 =	vsub.f32 $1.000000000e+00, v31;
	v34 =	vld.idx.msk [tilespmem:v49+s2+$0x0], $0xffff  }
0xba: {  	vm14 =	vgt.s32 v25, $0x0;
	v38 =	vmul.u32 $0xE0, v28;
	v28 =	vcvt.s32.f32 v28  }
0xbb: {  	vm15 =	vgt.s32 v29, $0x0;
	v44 =	vmul.f32 v39, v40;
	v39 =	vmul.f32 v39, v31  }
0xbc: {  	v25 =	vnsel vm14, $0x0, v25;
	v53 =	vmul.f32 v40, v24;
	v24 =	vmul.f32 v24, v31  }
0xbd: {  	v29 =	vnsel vm15, $0x0, v29;
	v36 =	vmul.f32 v44, v50;
	v32 =	vmul.f32 v39, v32  }
0xbe: {  	v42 =	vmul.u32 $0xE0, v51;
	v33 =	vmul.f32 v53, v33;
	v34 =	vmul.f32 v24, v34  }
0xbf: {  	v37 =	vcvt.s32.f32 v51;
	v23 =	vsub.f32 v26, v23;
	vm8 =	vlt.f32 v20, $0.0e+00  }
0xc0: {  	vm14 =	vge.f32 v19, $2.240000000e+02;
	v55 =	vadd.f32 v32, v36;
	v56 =	vadd.f32 v34, v33  }
0xc1: {  	v41 =	vmin.u32 v30, $0xDE;
	v25 =	vmin.u32 v25, $0xDE;
	v43 =	vmin.u32 v29, $0xDE  }
0xc2: {  	v30 =	vadd.s32 v41, v52;
	v29 =	vadd.s32 v25, v38;
	v38 =	vadd.f32 v55, v56  }
0xc3: {  	v28 =	vsub.f32 v17, v28;
	v25 =	vcvt.s32.f32 v25;
	v54 =	vadd.s32 $0x1, v30  }
0xc4: {  	v58 =	vcvt.s32.f32 v43;
	v59 =	vadd.s32 $0xE1, v30;
	v50 =	vadd.f32 $9.999999960e-13, v38  }
0xc5: {  	v37 =	vsub.f32 v16, v37;
	v51 =	vsub.f32 $1.000000000e+00, v23;
	v60 =	vadd.s32 $0x1, v29  }
0xc6: {  	v57 =	vadd.s32 $0xE0, v30;
	v45 =	vadd.s32 $0xE0, v29;
	(erf) = vrcp.f32 v50  }
0xc7: {  	v31 =	vadd.s32 v43, v42;
	v25 =	vsub.f32 v20, v25;
	v42 =	vsub.f32 v18, v58  }
0xc8: {  	v58 =	vsub.f32 $1.000000000e+00, v37;
	v49 =	vadd.s32 $0xE0, v31;
	v35 =	vld.idx.msk [tilespmem:v54+s2+$0x0], $0xffff;
	v24 =	vcvt.s32.f32 v41  }
0xc9: {  	v26 =	vadd.s32 $0xE1, v31;
	v43 =	vld.idx.msk [tilespmem:v59+s2+$0x0], $0xffff;
	v54 =	vsub.f32 $1.000000000e+00, v28;
	v59 =	vsub.f32 $1.000000000e+00, v42  }
0xca: {  	v46 =	vadd.s32 $0xE1, v29;
	v39 =	vld.idx.msk [tilespmem:v60+s2+$0x0], $0xffff;
	v53 =	vmul.f32 v28, v25;
	v24 =	vsub.f32 v22, v24  }
0xcb: {  	v48 =	vadd.s32 $0x1, v31;
	v40 =	vld.idx.msk [tilespmem:v30+s2+$0x0], $0xffff;
	v63 =	vmul.f32 v58, v59;
	v22 =	vmul.f32 v54, v25  }
0xcc: {  	v41 =	vld.idx.msk [tilespmem:v57+s2+$0x0], $0xffff;
	v61 =	vmul.f32 v23, v24;
	v55 =	vsub.f32 $1.000000000e+00, v25;
	v56 =	vmul.f32 v37, v42  }
0xcd: {  	v49 =	vld.idx.msk [tilespmem:v49+s2+$0x0], $0xffff;
	v52 =	vsub.f32 $1.000000000e+00, v24;
	v24 =	vmul.f32 v51, v24;
	v42 =	vmul.f32 v58, v42  }
0xce: {  	v37 =	vmul.f32 v59, v37;
	v25 =	vmul.f32 v55, v28;
	v28 =	vld.idx.msk [tilespmem:v26+s2+$0x0], $0xffff;
	v26 =	vsub.f32 $1.000000000e+00, v38  }
0xcf: {  	vm13 =	vmor vm13, vm14;
	v44 =	vld.idx.msk [tilespmem:v29+s2+$0x0], $0xffff;
	v39 =	vmul.f32 v22, v39;
	v57 =	vmul.f32 v51, v52;
	v21 =	vpop (erf)  }
0xd0: {  	vm14 =	vge.f32 v17, $2.240000000e+02;
	v45 =	vld.idx.msk [tilespmem:v45+s2+$0x0], $0xffff;
	v35 =	vmul.f32 v24, v35;
	v24 =	vmul.f32 v21, v26  }
0xd1: {  	vm11 =	vmor vm11, vm13;
	v46 =	vld.idx.msk [tilespmem:v46+s2+$0x0], $0xffff;
	v23 =	vmul.f32 v52, v23;
	v62 =	vmul.f32 v54, v55  }
0xd2: {  	v48 =	vld.idx.msk [tilespmem:v48+s2+$0x0], $0xffff;
	v59 =	vmul.f32 v61, v43;
	v22 =	vmul.f32 v37, v49;
	vm0 =	vgt.f32 v24, $5.000000000e-01  }
0xd3: {  	v47 =	vld.idx.msk [tilespmem:v31+s2+$0x0], $0xffff;
	v19 =	vmul.f32 v23, v41;
	v40 =	vmul.f32 v57, v40;
	vm11 =	vmor vm11, vm0  }
0xd4: {  	v23 =	vmul.f32 v56, v28;
	v28 =	vmul.f32 v62, v44;
	v21 =	vsel vm11, $0x0, v21  }
0xd5: {  	s15 =	sadd.s32 $0x40, s15;
	v41 =	vadd.f32 v59, v19;
	v26 =	vmul.f32 v25, v45;
	v36 =	vmul.f32 v21, v36  }
0xd6: {  	s24 =	smov.u32 s26;
	s26 =	sadd.s32 $0x40, s26;
	[tilespmem:s15+$0x10] =	vst v27;
	v62 =	vadd.f32 v35, v40;
	v25 =	vmul.f32 v53, v46;
	v27 =	vmul.f32 v21, v32  }
0xd7: {  	s25 =	smov.u32 s29;
	s29 =	sadd.s32 $0x40, s29;
	v24 =	vmul.f32 v42, v48;
	vm11 =	vge.f32 v20, $2.240000000e+02;
	v20 =	vmul.f32 v21, v33;
	[tilespmem:s26+$0x10] =	vst v36  }
0xd8: {  	s28 =	smov.u32 s31;
	s31 =	sadd.s32 $0x40, s31;
	v61 =	vadd.f32 v23, v22;
	v21 =	vmul.f32 v21, v34;
	[tilespmem:s29+$0x10] =	vst v27;
	v27 =	vmul.f32 v63, v47  }
0xd9: {  	s30 =	smov.u32 s0;
	s0 =	sadd.s32 $0x40, s0;
	vm13 =	vlt.f32 v17, $0.0e+00;
	v60 =	vadd.f32 v25, v26;
	[tilespmem:s31+$0x10] =	vst v20;
	v20 =	vadd.f32 v39, v28  }
0xda: {  	s1 =	smov.u32 s14;
	s14 =	sadd.s32 $0x40, s14;
	v17 =	vsel vm0, $0x0, v0;
	[tilespmem:s0+$0x10] =	vst v21;
	v21 =	vadd.f32 v62, v41;
	v63 =	vadd.f32 v24, v27  }
0xdb: {  	vm12 =	vlt.f32 v18, $0.0e+00;
	[tilespmem:s14+$0x10] =	vst v17;
	v17 =	vadd.f32 v20, v60  }
0xdc: {  	vm15 =	vge.f32 v18, $2.240000000e+02;
	[tilespmem:s15+$0xFFFFFFE0] =	vst v30;
	v18 =	vadd.f32 $9.999999960e-13, v21;
	v30 =	vadd.f32 v63, v61  }
0xdd: {  	[tilespmem:s15+$0x0] =	vst v31;
	v31 =	vadd.f32 $9.999999960e-13, v17  }
0xde: {  	v20 =	vsub.f32 $1.000000000e+00, v17;
	v17 =	vadd.f32 $9.999999960e-13, v30;
	(erf) = vrcp.f32 v18  }
0xdf: {  	(erf) = vrcp.f32 v31  }
0xe0: {  	(erf) = vrcp.f32 v17;
	v17 =	vld [tilespmem:$0x1FFE0];
	_ =	sdelay $0x2  }
0xe1: {  	vm4 =	vge.f32 v16, $2.240000000e+02;
	vm6 =	vmor vm6, vm7;
	vm9 =	vmor vm9, vm10  }
0xe2: {  	vm7 =	vmor vm9, vm6;
	vm14 =	vmor vm13, vm14;
	vm8 =	vmor vm8, vm11  }
0xe3: {  	vm0 =	vlt.f32 v16, $0.0e+00;
	vm6 =	vmor vm8, vm14;
	vm14 =	vnez.u8 v17;
	v17 =	vld [tilespmem:$0x1FFF0]  }
0xe4: {  	s16 =	sadd.s32 $0x40, s16;
	vm13 =	vmor vm12, vm15;
	vm0 =	vmor vm0, vm4  }
0xe5: {  	p0 =	slt.u32 s16, $0x1840;
	[tilespmem:s15+$0xFFFFFFF0] =	vst v29;
	v29 =	vsel vm3, $0x0, v0;
	vm4 =	vmor vm5, vm3;
	vm5 =	vmor vm13, vm0  }
.Ltmp0:
0xe6: {  	v32 =	vsel vm1, $0x0, v0;
	v21 =	vsub.f32 $1.000000000e+00, v21;
	v16 =	vsub.f32 $1.000000000e+00, v30;
	(pc) =	sbr.rel @p0 .LBB2_2-.Ltmp0, $4  }
0xe7: {  	v30 =	vsel vm2, $0x0, v0;
	v31 =	vsel vm4, $0x0, v14;
	v12 =	vsel vm14, $0x0, v12  }
0xe8: {  	v18 =	vmul.f32 v12, v11;
	v33 =	vmul.f32 v12, v8;
	v8 =	vmovc v35;
	vm15 =	vnez.u8 v17  }
0xe9: {  	v11 =	vmovc v40;
	v14 =	vmul.f32 v12, v10;
	v10 =	vmovc v19;
	v17 =	vmul.f32 v12, v9;
	v13 =	vsel vm15, $0x0, v13  }
0xea: {  	s17 =	sadd.s32 $0x40, s17;
	[tilespmem:s24+$0xFFFFFFE0] =	vst v18;
	v9 =	vmovc v59;
	v15 =	vmul.f32 v13, v15;
	v18 =	vmul.f32 v13, v7;
	v7 =	vmov v39  }
0xeb: {  	[tilespmem:s25+$0xFFFFFFE0] =	vst v33  }
0xec: {  	[tilespmem:s28+$0xFFFFFFE0] =	vst v14  }
0xed: {  	[tilespmem:s24+$0xFFFFFFF0] =	vst v15  }
0xee: {  	v6 =	vmul.f32 v31, v6;
	[tilespmem:s30+$0xFFFFFFE0] =	vst v17  }
0xef: {  	[tilespmem:s25+$0xFFFFFFF0] =	vst v18  }
0xf0: {  	v3 =	vmul.f32 v13, v3;
	v1 =	vmul.f32 v31, v1;
	[tilespmem:s24+$0x0] =	vst v6  }
0xf1: {  	v12 =	vpop (erf);
	[tilespmem:s1+$0xFFFFFFE0] =	vst v32  }
0xf2: {  	v5 =	vmul.f32 v13, v5;
	[tilespmem:s28+$0xFFFFFFF0] =	vst v3;
	v3 =	vmul.f32 v12, v21  }
0xf3: {  	v2 =	vmul.f32 v31, v2;
	[tilespmem:s25+$0x0] =	vst v1  }
0xf4: {  	[tilespmem:s30+$0xFFFFFFF0] =	vst v5;
	v1 =	vpop (erf);
	vm0 =	vgt.f32 v3, $5.000000000e-01  }
0xf5: {  	[tilespmem:s28+$0x0] =	vst v2;
	v3 =	vmul.f32 v31, v4;
	v56 =	vmul.f32 v1, v20;
	vm1 =	vmor vm7, vm0  }
0xf6: {  	[tilespmem:s1+$0xFFFFFFF0] =	vst v30;
	v2 =	vsel vm1, $0x0, v12  }
0xf7: {  	[tilespmem:s30+$0x0] =	vst v3;
	vm13 =	vgt.f32 v56, $5.000000000e-01;
	v3 =	vmul.f32 v2, v11  }
0xf8: {  	[tilespmem:s1+$0x0] =	vst v29;
	v57 =	vmul.f32 v2, v8;
	vm2 =	vmor vm6, vm13  }
0xf9: {  	v58 =	vmul.f32 v2, v10;
	v1 =	vsel vm2, $0x0, v1;
	[tilespmem:s26+$0xFFFFFFE0] =	vst v3  }
0xfa: {  	v61 =	vmul.f32 v1, v28;
	[tilespmem:s29+$0xFFFFFFE0] =	vst v57  }
0xfb: {  	v2 =	vmul.f32 v2, v9;
	v3 =	vpop (erf);
	[tilespmem:s31+$0xFFFFFFE0] =	vst v58  }
0xfc: {  	[tilespmem:s26+$0xFFFFFFF0] =	vst v61;
	v59 =	vmul.f32 v3, v16  }
0xfd: {  	v60 =	vsel vm0, $0x0, v0;
	[tilespmem:s0+$0xFFFFFFE0] =	vst v2;
	v2 =	vmul.f32 v1, v7  }
0xfe: {  	v62 =	vmul.f32 v1, v26;
	[tilespmem:s14+$0xFFFFFFE0] =	vst v60;
	vm14 =	vgt.f32 v59, $5.000000000e-01  }
0xff: {  	v1 =	vmul.f32 v1, v25;
	[tilespmem:s29+$0xFFFFFFF0] =	vst v2;
	vm15 =	vmor vm5, vm14  }
0x100: {  	[tilespmem:s31+$0xFFFFFFF0] =	vst v62;
	v2 =	vsel vm15, $0x0, v3  }
0x101: {  	v3 =	vsel vm13, $0x0, v0;
	[tilespmem:s0+$0xFFFFFFF0] =	vst v1;
	v63 =	vmul.f32 v2, v27  }
0x102: {  	v1 =	vmul.f32 v2, v24;
	[tilespmem:s14+$0xFFFFFFF0] =	vst v3  }
0x103: {  	v3 =	vmul.f32 v2, v22;
	[tilespmem:s26+$0x0] =	vst v63  }
0x104: {  	v2 =	vmul.f32 v2, v23;
	[tilespmem:s29+$0x0] =	vst v1  }
0x105: {  	[tilespmem:s31+$0x0] =	vst v3  }
0x106: {  	v1 =	vsel vm14, $0x0, v0;
	[tilespmem:s0+$0x0] =	vst v2  }
0x107: {  	s30 =	simm.s32 $0xF500;
	[tilespmem:s14+$0x0] =	vst v1  }
0x108: {  	[hbm4b:s6+s2] =	stream.linear.scatter [tilespmem:s30], [sflag:$0x1], $0x1880, $0x38;
	[tilespmem:$0x18800] =	vst v63  }
0x109: {  	_ =	swait.ge [sflag:s13], $0x1880  }
0x10a: {  	[sflag:s13] =	ssyncset.done $0x0  }
0x10b: {  	s31 =	simm.s32 $0x10D80;
	[sflag:s13] =	ssyncadd.s32 $0xFFFFE780  }
0x10c: {  	[hbm4b:s7+s2] =	stream.linear.scatter [tilespmem:s31], [sflag:$0x1], $0x1880, $0x38;
	[tilespmem:$0x18800] =	vst v63  }
0x10d: {  	_ =	swait.ge [sflag:s13], $0x1880  }
0x10e: {  	[sflag:s13] =	ssyncset.done $0x0  }
0x10f: {  	[sflag:s13] =	ssyncadd.s32 $0xFFFFE780  }
0x110: {  	[hbm4b:s8+s2] =	stream.linear.scatter [tilespmem:s18], [sflag:$0x1], $0x1880, $0x38;
	[tilespmem:$0x18800] =	vst v63  }
0x111: {  	_ =	swait.ge [sflag:s13], $0x1880  }
0x112: {  	[sflag:s13] =	ssyncset.done $0x0  }
0x113: {  	[sflag:s13] =	ssyncadd.s32 $0xFFFFE780  }
0x114: {  	[hbm4b:s9+s2] =	stream.linear.scatter [tilespmem:s19], [sflag:$0x1], $0x1880, $0x38;
	[tilespmem:$0x18800] =	vst v63  }
0x115: {  	_ =	swait.ge [sflag:s13], $0x1880  }
0x116: {  	[sflag:s13] =	ssyncset.done $0x0  }
0x117: {  	[sflag:s13] =	ssyncadd.s32 $0xFFFFE780  }
0x118: {  	[hbm4b:s10+s2] =	stream.linear.scatter [tilespmem:s20], [sflag:$0x1], $0x1880, $0x38;
	[tilespmem:$0x18800] =	vst v63  }
0x119: {  	s22 =	sadd.s32 $0x1, s22;
	_ =	swait.ge [sflag:s13], $0x1880  }
0x11a: {  	p0 =	sne.s32 s22, s12;
	[sflag:s13] =	ssyncset.done $0x0  }
.Ltmp1:
0x11b: {  	[sflag:s13] =	ssyncadd.s32 $0xFFFFE780;
	(pc) =	sbr.rel @p0 .LBB2_1-.Ltmp1, $4  }
0x11c: {  	[hbm4b:s11+s2] =	stream.linear.scatter [tilespmem:s21], [sflag:$0x1], $0x1880, $0x38;
	[tilespmem:$0x18800] =	vst v63  }
0x11d: {  	_ =	swait.ge [sflag:s13], $0x1880  }
0x11e: {  	[sflag:s13] =	ssyncset.done $0x0  }
0x11f: {  	[sflag:s13] =	ssyncadd.s32 $0xFFFFE780  }
0x120: {  	_ =	sfence.sel $0x180000  }
0x121: {  	[bflag:$0x0] =	sbarrier.arrive $0xFFFF  }
0x122: {  	_ =	strace $0x90000047  }
0x123: {  	s0 =	stileid.u32;
	[bflag:$0x2] =	sbarrier.arrive $0xFFFF  }
0x124: {  	p0 =	sne.s32 s0, $0x0;
	s0 =	rddreg [dreg:$0x2]  }
0x125: {  	s0 =	sadd.s32 @!p0 $0x100000, s0  }
0x126: {  	[sflag:s0] =	ssyncadd.tile.s32 @!p0 $0x1;
	_ =	shalt  }
.Lfunc_end2:
_tile_overlayer_lowered:
.L_overlay_start_2:
0x127: {  	(tag) =	ssettag $0x2  }
0x128: {  	s0 =	rddreg [dreg:$0x0];
	s2 =	stileid.u32  }
0x129: {  	s1 =	rddreg [dreg:$0x1];
	p0 =	sne.s32 s2, $0x0  }
0x12a: {  	s3 =	rddreg [dreg:$0x2];
	[bflag:$0x3] =	sbarrier.arrive $0xFFFF;
	s2 =	simm.s32 @!p0 $0x1C01  }
0x12b: {  	[timem:s3], [sflag:s2] =	dma.local @!p0 [hbm:s0], s1  }
0x12c: {  	s0 =	simm.s32 @!p0 $0x1  }
0x12d: {  	_ =	swait.ge @!p0 [sflag:s0], s1  }
0x12e: {  	s1 =	ssub.s32 @!p0 $0x0, s1;
	[sflag:s0] =	ssyncset.done @!p0 $0x0  }
0x12f: {  	[sflag:s0] =	ssyncadd.s32 @!p0 s1  }
0x130: {  	[bflag:$0x3] =	sbarrier.arrive $0xFFFF  }
0x131: {  	_ =	shalt  }

// kernel: kernel.7.cloned.1.call-start
scs
__scs_entry_jumppad:
0x0: {  	(pc) =	sbr.rel $0x88, $3  }
0x1: {  	(tag) =	ssettag $0x0;
	lr =	simm.s32 $0x1  }
0x2: {  	[smem:$0x3F9D] =	sst lr;
	_ =	strace $0xD0000000  }
0x3: {  	_ = 	snop  }
0x4: {  	_ = 	snop  }
0x5: {  	_ = 	snop  }
0x6: {  	_ = 	snop  }
0x7: {  	_ = 	snop  }
__scs_overlays_trampoline_lowered:
0x8: {  	[smem:$0x3FAC] =	sst s0  }
0x9: {  	[smem:$0x3FAD] =	sst s1  }
0xa: {  	[smem:$0x3FAE] =	sst s2  }
0xb: {  	[smem:$0x3FAF] =	sst s3  }
0xc: {  	[smem:$0x3FB0] =	sst s4  }
0xd: {  	[smem:$0x3FB1] =	sst s5  }
0xe: {  	[smem:$0x3FB2] =	sst s6  }
0xf: {  	[smem:$0x3FB3] =	sst s7  }
0x10: {  	[smem:$0x3FB4] =	sst s8  }
0x11: {  	[smem:$0x3FB5] =	sst s9;
	s0 =	simm.s32 @!p0 $0x0  }
0x12: {  	s1 =	sld [smem:$0x3F9B];
	s0 =	simm.s32 @p0 $0x1  }
0x13: {  	[smem:$0x3FB6] =	sst s0;
	s0 =	simm.s32 @!p1 $0x0  }
0x14: {  	s2 =	sld [smem:$0x3F9A];
	s0 =	simm.s32 @p1 $0x1  }
0x15: {  	[smem:$0x3FB7] =	sst s0;
	s0 =	simm.s32 @!p2 $0x0  }
0x16: {  	s3 =	sld [smem:$0x3FDB];
	s0 =	simm.s32 @p2 $0x1  }
0x17: {  	s4 =	simm.s32 $0x1BF5;
	[smem:$0x3FB9] =	sst s0  }
0x18: {  	s0 =	sld [smem:$0x3F9C];
	_ =	swait.ge [sflag:s4], $0x0  }
0x19: {  	s7 =	sld [smem:$0x3F9D]  }
0x1a: {  	s8 =	sadd.s32 $0xFFFFE003, lr  }
0x1b: {  	s9 =	sadd.s32 $0xFFFFFEF7, lr;
	s5 =	simm.s32 $0xFFFFFFFF;
	p2 =	slt.u32 s8, $0xFFFFF086  }
0x1c: {  	p1 =	slt.u32 s9, $0xF7A;
	s5 =	simm.s32 @!p2 $0x0  }
0x1d: {  	s5 =	simm.s32 @p1 $0x1;
	p0 =	seq.s32 s7, s2  }
0x1e: {  	s7 =	smul.u32 @!p0 $0xF7A, s2;
	p2 =	seq.s32 @!p0 s5, $0x0  }
0x1f: {  	s9 =	smul.u32 $0xF7A, s1;
	s8 =	simm.s32 @!p0 $0x1BF5;
	p2 =	por !p2, p0  }
0x20: {  	[sflag:s8] =	ssyncset.s32 @!p0 $0xFFFFF086;
	s6 =	sadd.s32 @!p0 s3, s7;
	s7 =	simm.s32 @!p0 $0x108  }
0x21: {  	s3 =	sadd.s32 s3, s9;
	s6 =	sadd.s32 @!p0 $0x88, s6;
	s7 =	simm.s32 @p2 $0x1082  }
0x22: {  	[simem:s7], [sflag:s8] =	dma.local @!p0 [hbm:s6], $0xF7A  }
0x23: {  	s9 =	sor.u32 $0xD0000000, s2;
	s6 =	simm.s32 $0x108;
	_ =	swait.ge @!p0 [sflag:s8], $0x0  }
0x24: {  	s3 =	sadd.s32 $0x88, s3;
	s6 =	simm.s32 @!p1 $0x1082;
	[sflag:s4] =	ssyncset.s32 $0xFFFFF086  }
0x25: {  	[simem:s6], [sflag:s4] =	dma.local [hbm:s3], $0xF7A  }
0x26: {  	[smem:$0x3F9D] =	sst s1;
	(tag) =	ssettag s2;
	_ =	strace s9  }
0x27: {  	s1 =	sld [smem:$0x3FAD]  }
0x28: {  	s2 =	sld [smem:$0x3FAE]  }
0x29: {  	s4 =	sld [smem:$0x3FB0]  }
0x2a: {  	p0 =	seq.s32 s5, $0x0;
	s5 =	sld [smem:$0x3FB1]  }
0x2b: {  	s6 =	sld [smem:$0x3FB2]  }
0x2c: {  	s7 =	sld [smem:$0x3FB3]  }
0x2d: {  	s3 =	simm.s32 $0x108;
	s8 =	sld [smem:$0x3FB4]  }
0x2e: {  	s3 =	simm.s32 @!p0 $0x1082;
	s9 =	sld [smem:$0x3FB5]  }
0x2f: {  	lr =	sadd.s32 s0, s3;
	s0 =	sld [smem:$0x3FAC]  }
0x30: {  	s3 =	sld [smem:$0x3FAF]  }
0x31: {  	[smem:$0x3FB8] =	sst s10  }
0x32: {  	s10 =	sld [smem:$0x3FB6];
	_ =	sdelay $0x3  }
0x33: {  	p0 =	seq.s32 s10, $0x1;
	s10 =	sld [smem:$0x3FB8];
	_ =	sdelay $0x3  }
0x34: {  	[smem:$0x3FB8] =	sst s10  }
0x35: {  	s10 =	sld [smem:$0x3FB7];
	_ =	sdelay $0x3  }
0x36: {  	p1 =	seq.s32 s10, $0x1;
	s10 =	sld [smem:$0x3FB8];
	_ =	sdelay $0x3  }
0x37: {  	[smem:$0x3FB8] =	sst s10  }
0x38: {  	s10 =	sld [smem:$0x3FB9]  }
0x39: {  	_ = 	snop;
	(pc) =	sbr.ind lr, $3  }
0x3a: {  	_ = 	snop  }
0x3b: {  	_ = 	snop  }
0x3c: {  	p2 =	seq.s32 s10, $0x1;
	s10 =	sld [smem:$0x3FB8]  }
0x3d: {  	_ =	shalt  }
0x3e: {  	_ =	shalt  }
0x3f: {  	_ =	shalt  }
0x40: {  	_ =	shalt  }
0x41: {  	_ =	shalt  }
0x42: {  	_ =	shalt  }
0x43: {  	_ =	shalt  }
0x44: {  	_ =	shalt  }
0x45: {  	_ =	shalt  }
0x46: {  	_ =	shalt  }
0x47: {  	_ =	shalt  }
0x48: {  	_ =	shalt  }
0x49: {  	_ =	shalt  }
0x4a: {  	_ =	shalt  }
0x4b: {  	_ =	shalt  }
0x4c: {  	_ =	shalt  }
0x4d: {  	_ =	shalt  }
0x4e: {  	_ =	shalt  }
0x4f: {  	_ =	shalt  }
0x50: {  	_ =	shalt  }
0x51: {  	_ =	shalt  }
0x52: {  	_ =	shalt  }
0x53: {  	_ =	shalt  }
0x54: {  	_ =	shalt  }
0x55: {  	_ =	shalt  }
0x56: {  	_ =	shalt  }
0x57: {  	_ =	shalt  }
0x58: {  	_ =	shalt  }
0x59: {  	_ =	shalt  }
0x5a: {  	_ =	shalt  }
0x5b: {  	_ =	shalt  }
0x5c: {  	_ =	shalt  }
0x5d: {  	_ =	shalt  }
0x5e: {  	_ =	shalt  }
0x5f: {  	_ =	shalt  }
0x60: {  	_ =	shalt  }
0x61: {  	_ =	shalt  }
0x62: {  	_ =	shalt  }
0x63: {  	_ =	shalt  }
0x64: {  	_ =	shalt  }
0x65: {  	_ =	shalt  }
0x66: {  	_ =	shalt  }
0x67: {  	_ =	shalt  }
0x68: {  	_ =	shalt  }
0x69: {  	_ =	shalt  }
0x6a: {  	_ =	shalt  }
0x6b: {  	_ =	shalt  }
0x6c: {  	_ =	shalt  }
0x6d: {  	_ =	shalt  }
0x6e: {  	_ =	shalt  }
0x6f: {  	_ =	shalt  }
0x70: {  	_ =	shalt  }
0x71: {  	_ =	shalt  }
0x72: {  	_ =	shalt  }
0x73: {  	_ =	shalt  }
0x74: {  	_ =	shalt  }
0x75: {  	_ =	shalt  }
0x76: {  	_ =	shalt  }
0x77: {  	_ =	shalt  }
0x78: {  	_ =	shalt  }
0x79: {  	_ =	shalt  }
0x7a: {  	_ =	shalt  }
0x7b: {  	_ =	shalt  }
0x7c: {  	_ =	shalt  }
0x7d: {  	_ =	shalt  }
0x7e: {  	_ =	shalt  }
0x7f: {  	_ =	shalt  }
0x80: {  	_ =	shalt  }
0x81: {  	_ =	shalt  }
0x82: {  	_ =	shalt  }
0x83: {  	_ =	shalt  }
0x84: {  	_ =	shalt  }
0x85: {  	_ =	shalt  }
0x86: {  	_ =	shalt  }
0x87: {  	_ =	shalt  }
.Lfunc_end0:
.L_simem_size_0:
called_computation.1_lowered:
.L_overlay_start_0:
0x88: {  	s2 =	sld [smem:$0x3FD9]  }
0x89: {  	s3 =	sld [smem:$0x3FFE];
	_ =	sdelay $0x1  }
0x8a: {  	s1 =	srdreg.scid  }
0x8b: {  	s0 =	sand.u32 $0x1, s1  }
0x8c: {  	s14 =	sshll.u32 s0, $0xA;
	s2 =	sadd.s32 s3, s2  }
0x8d: {  	s2 =	sadd.s32 s2, s14  }
0x8e: {  	[smem:$0x3FC4] =	sst s2  }
0x8f: {  	_ = 	snop  }
0x90: {  	s2 =	sld [smem:$0x3FD0];
	_ =	sdelay $0x2  }
0x91: {  	s15 =	simm.s32 $0xA;
	s4 =	simm.s32 $0x10  }
0x92: {  	[smem:s4], [sflag:s15] =	dma.local [hbm:s2], $0x1  }
0x93: {  	_ =	swait.eq [sflag:s15], $0x1  }
0x94: {  	[sflag:s15] =	ssyncset.done $0x0  }
0x95: {  	[sflag:s15] =	ssyncadd.s32 $0xFFFFFFFF  }
0x96: {  	s16 =	sld [smem:$0x10];
	(tm) =	ssettm $0x1  }
0x97: {  	s17 =	sld [smem:$0x3FFB];
	_ =	sdelay $0x3  }
0x98: {  	_ =	strace s17  }
0x99: {  	s3 =	sld [smem:$0x3FFC];
	_ =	sdelay $0x3  }
0x9a: {  	_ =	strace s3  }
0x9b: {  	s3 =	sld [smem:$0x3FFD];
	_ =	sdelay $0x3  }
0x9c: {  	_ =	strace s3  }
0x9d: {  	_ =	strace $0x8FFFFFFF  }
0x9e: {  	s18 =	sld [smem:$0x3FDB];
	_ =	sdelay $0x1  }
0x9f: {  	s19 =	simm.s32 $_scs_section_size  }
0xa0: {  	s5 =	simm.s32 $_size__tile_overlayer_lowered;
	s6 =	simm.s32 $_tile_overlayer_lowered  }
0xa1: {  	s22 =	simm.s32 $0x1BFF;
	s21 =	sshll.u32 s6, $0x1;
	s3 =	sadd.s32 s19, s18  }
0xa2: {  	s7 =	simm.s32 $0x0;
	s20 =	sshll.u32 s5, $0x1;
	s5 =	sadd.s32 s21, s3  }
0xa3: {  	[timem:s7], [sflag:s22] =	dma.local [hbm:s5], s20  }
0xa4: {  	_ =	swait.ge [sflag:s22], s20  }
0xa5: {  	s4 =	ssub.s32 $0x0, s20;
	[sflag:s22] =	ssyncset.done $0x0  }
0xa6: {  	[sflag:s22] =	ssyncadd.s32 s4;
	_ =	sdelay $0x1  }
0xa7: {  	s23 =	simm.s32 $0x1B8B  }
0xa8: {  	_ =	swait.ge [sflag:s23], $0x1  }
0xa9: {  	[sflag:s23] =	ssyncset.done $0x0  }
0xaa: {  	s25 =	simm.s32 $0x1B8E;
	s24 =	sld [smem:$0x3FFE];
	[sflag:s23] =	ssyncadd.s32 $0xFFFFFFFF  }
0xab: {  	s26 =	simm.s32 $execute0_lowered;
	[smem:$0x3FD2] =	sst s25  }
0xac: {  	s5 =	sshll.u32 s26, $0x1;
	_ =	strace $0x80000049;
	[dreg:$0x1] =	wrdreg $0xFFFFFFFF  }
0xad: {  	s28 =	simm.s32 $_size_execute0_lowered;
	s3 =	sadd.s32 s3, s5;
	[dreg:$0x0] =	wrdreg $0x0  }
0xae: {  	s5 =	sshll.u32 s28, $0x1;
	[dreg:$0x2] =	wrdreg s3  }
0xaf: {  	[dreg:$0x3] =	wrdreg s5  }
0xb0: {  	[dreg:$0x4] =	wrdreg $0xC0  }
0xb1: {  	_ =	task [dreg:s7], $0x5FFFF  }
0xb2: {  	[dreg:$0x1] =	wrdreg $0xFFFFFFFF  }
0xb3: {  	[dreg:$0x0] =	wrdreg $0x60  }
0xb4: {  	[dreg:$0x2] =	wrdreg s16  }
0xb5: {  	[dreg:$0x3] =	wrdreg s24  }
0xb6: {  	[dreg:$0x4] =	wrdreg $0x9  }
0xb7: {  	_ =	task.clear_ibuf [dreg:s7], $0x5FFFF;
	_ =	strace $0x90000049  }
0xb8: {  	s29 =	simm.s32 $0x9;
	_ =	strace $0x8000004B  }
0xb9: {  	_ =	swait.ge [sflag:s29], $0x1  }
0xba: {  	[sflag:s29] =	ssyncadd.s32 $0xFFFFFFFF  }
0xbb: {  	_ =	strace $0x9000004B  }
0xbc: {  	_ =	sfence  }
0xbd: {  	s30 =	sld [smem:$0x0];
	_ =	sdelay $0x2  }
0xbe: {  	s31 =	sshll.u32 s1, $0xD;
	s1 =	sshrl.u32 s1, $0x2  }
0xbf: {  	s3 =	sand.u32 $0x4000, s31;
	s1 =	sadd.s32 s1, s30  }
0xc0: {  	s0 =	sor.u32 s3, s0;
	s1 =	sshll.u32 s1, $0x11  }
0xc1: {  	s0 =	sor.u32 s1, s0  }
0xc2: {  	s0 =	sadd.s32 $0x8F2B, s0  }
0xc3: {  	[sflag:s0] =	ssyncadd.remote.s32 $0x1  }
0xc4: {  	_ =	sfence.sel $0xFFFF  }
0xc5: {  	[dreg:$0x0] =	wrdreg $0xFFFFFFFF;
	(pc) =	sbr.abs _section_cstart, $3  }
0xc6: {  	[dreg:$0x1] =	wrdreg $0xFFFFFFFF  }
0xc7: {  	_ =	task.clear_ibuf [dreg:s7], $0x2FFFF;
	_ =	strace $0x9FFFFFFF  }
0xc8: {  	(tm) =	ssettm $0x7FFFFFFF  }
0xc9: {  	_ =	shalt  }
tec
execute0_lowered:
.L_overlay_start_1:
0x0: {  	(tag) =	ssettag $0x1  }
0x1: {  	s0 =	rddreg [dreg:$0x1];
	s2 =	simm.s32 $0x0;
	s28 =	srdreg.scid  }
0x2: {  	s5 =	stileid.u32;
	s13 =	simm.s32 $0xC400;
	s25 =	simm.s32 $0x2  }
0x3: {  	[smem:$0x7FF] =	sst s2;
	s1 =	sadd.s32 $0x13400, s0;
	s3 =	sadd.s32 $0x19600, s0  }
0x4: {  	s6 =	sadd.s32 $0x1F800, s0;
	s7 =	sadd.s32 $0x25A00, s0;
	s8 =	sadd.s32 $0x2BC00, s0  }
0x5: {  	s5 =	sshll.u32 s5, $0x1;
	s9 =	sadd.s32 $0x31E00, s0;
	s0 =	sadd.s32 $0x31EC4, s0  }
0x6: {  	_ =	strace $0x8000004A;
	[dreg:$0x3] =	wrdreg s1;
	s1 =	sand.u32 $0x1, s28  }
0x7: {  	[dreg:$0x4] =	wrdreg s3;
	s30 =	ssub.s32 $0x2, s1;
	s1 =	sor.u32 s1, s5  }
0x8: {  	[dreg:$0x5] =	wrdreg s9;
	s4 =	sshrl.u32 s30, $0x1;
	s1 =	smul.u32 $0x6, s1  }
0x9: {  	s29 =	simm.s32 $0x3;
	[dreg:$0x7] =	wrdreg s0;
	s3 =	ssub.s32 s30, s4  }
0xa: {  	s0 =	simm.s32 $0x4;
	[dreg:$0x6] =	wrdreg s1;
	s31 =	smax.u32 s3, $0x1  }
0xb: {  	s4 =	simm.s32 $0x5;
	s3 =	simm.s32 $0x0;
	[dreg:$0x8] =	wrdreg s31  }
.LBB2_1:
0xc: {  	[dreg:$0x9] =	wrdreg s3;
	s3 =	simm.s32 $0x0  }
.LBB2_2:
0xd: {  	s1 =	rddreg [dreg:$0x6]  }
0xe: {  	s1 =	sadd.s32 s1, s3  }
0xf: {  	[dreg:$0xa] =	wrdreg s3;
	s3 =	smulhi.u32 $0xAAAAAAAB, s1  }
0x10: {  	_ = 	snop  }
0x11: {  	s3 =	sshrl.u32 s3, $0x5  }
0x12: {  	s5 =	smul.u32 $0x30, s3;
	_ =	sdelay $0x1  }
0x13: {  	s23 =	smul.u32 $0x498000, s3;
	s1 =	ssub.s32 s1, s5  }
0x14: {  	s1 =	smul.u32 $0x18800, s1  }
0x15: {  	s24 =	rddreg [dreg:$0x0]  }
0x16: {  	s12 =	rddreg [dreg:$0x3];
	s9 =	sadd.s32 s1, s23  }
0x17: {  	s15 =	rddreg [dreg:$0x4];
	s23 =	sshrl.u32 s9, $0x3;
	s10 =	sadd.s32 $0xC400, s9  }
0x18: {  	s3 =	smul.u32 $0xC400, s3;
	s26 =	sadd.s32 s24, s23;
	s1 =	sshrl.u32 s10, $0x3  }
0x19: {  	[tilespmem:s2], [sflag:$0x1] =	stream.linear.gather [hbm4b:s26+s2], $0xC400, $0x38;
	[tilespmem:$0x1E300] =	vst v63  }
0x1a: {  	s11 =	sshrl.u32 s3, $0x3;
	[dreg:$0xe] =	wrdreg s1;
	s1 =	sadd.s32 s24, s1  }
0x1b: {  	[tilespmem:s13], [sflag:$0x1] =	stream.linear.gather [hbm4b:s1+s2], $0xC400, $0x38;
	[tilespmem:$0x1E300] =	vst v63  }
0x1c: {  	s14 =	simm.s32 $0x18800;
	[dreg:$0xd] =	wrdreg s3;
	s3 =	sadd.s32 s12, s11  }
0x1d: {  	[tilespmem:s14], [sflag:$0x2] =	stream.linear.gather [hbm4b:s3+s2], $0x620, $0x38;
	[tilespmem:$0x1E300] =	vst v63  }
0x1e: {  	s16 =	sadd.s32 s15, s11;
	s10 =	simm.s32 $0x19500  }
0x1f: {  	[tilespmem:s10], [sflag:$0x2] =	stream.linear.gather [hbm4b:s16+s2], $0x620, $0x38;
	[tilespmem:$0x1E300] =	vst v63  }
0x20: {  	s18 =	simm.s32 $0x19B80;
	s17 =	sadd.s32 s6, s11  }
0x21: {  	[tilespmem:s18], [sflag:$0x2] =	stream.linear.gather [hbm4b:s17+s2], $0x620, $0x38;
	[tilespmem:$0x1E300] =	vst v63  }
0x22: {  	s20 =	simm.s32 $0x1A200;
	s19 =	sadd.s32 s7, s11  }
0x23: {  	[tilespmem:s20], [sflag:$0x2] =	stream.linear.gather [hbm4b:s19+s2], $0x620, $0x38;
	[tilespmem:$0x1E300] =	vst v63  }
0x24: {  	s22 =	simm.s32 $0x1A880;
	s21 =	sadd.s32 s8, s11;
	s1 =	sadd.s32 $0xC4, s11  }
0x25: {  	[tilespmem:s22], [sflag:$0x2] =	stream.linear.gather [hbm4b:s21+s2], $0x620, $0x38;
	[tilespmem:$0x1E300] =	vst v63  }
0x26: {  	s26 =	simm.s32 $0x18E80;
	s24 =	sadd.s32 s12, s1  }
0x27: {  	[tilespmem:s26], [sflag:$0x3] =	stream.linear.gather [hbm4b:s24+s2], $0x620, $0x38;
	[tilespmem:$0x1E300] =	vst v63  }
0x28: {  	[dreg:$0xb] =	wrdreg s9;
	s9 =	sadd.s32 s15, s1;
	s10 =	simm.s32 $0x1AF00  }
0x29: {  	[tilespmem:s10], [sflag:$0x3] =	stream.linear.gather [hbm4b:s9+s2], $0x620, $0x38;
	[tilespmem:$0x1E300] =	vst v63  }
0x2a: {  	s11 =	sadd.s32 s6, s1;
	s12 =	simm.s32 $0x1B580  }
0x2b: {  	[tilespmem:s12], [sflag:$0x3] =	stream.linear.gather [hbm4b:s11+s2], $0x620, $0x38;
	[tilespmem:$0x1E300] =	vst v63  }
0x2c: {  	s15 =	simm.s32 $0x1BC00;
	s14 =	sadd.s32 s7, s1  }
0x2d: {  	[tilespmem:s15], [sflag:$0x3] =	stream.linear.gather [hbm4b:s14+s2], $0x620, $0x38;
	[tilespmem:$0x1E300] =	vst v63  }
0x2e: {  	s1 =	sadd.s32 s8, s1;
	s16 =	simm.s32 $0x1C280;
	s17 =	simm.s32 $0x1  }
0x2f: {  	[tilespmem:s16], [sflag:$0x3] =	stream.linear.gather [hbm4b:s1+s2], $0x620, $0x38;
	[tilespmem:$0x1E300] =	vst v63  }
0x30: {  	_ =	swait.ge [sflag:s17], $0xC400  }
0x31: {  	[sflag:s17] =	ssyncset.done $0x0  }
0x32: {  	[sflag:s17] =	ssyncadd.s32 $0xFFFF3C00  }
0x33: {  	_ =	swait.ge [sflag:s17], $0xC400  }
0x34: {  	[sflag:s17] =	ssyncset.done $0x0  }
0x35: {  	[sflag:s17] =	ssyncadd.s32 $0xFFFF3C00  }
0x36: {  	_ =	swait.ge [sflag:s25], $0x620  }
0x37: {  	[sflag:s25] =	ssyncset.done $0x0  }
0x38: {  	[sflag:s25] =	ssyncadd.s32 $0xFFFFF9E0  }
0x39: {  	_ =	swait.ge [sflag:s25], $0x620  }
0x3a: {  	[sflag:s25] =	ssyncset.done $0x0  }
0x3b: {  	[sflag:s25] =	ssyncadd.s32 $0xFFFFF9E0  }
0x3c: {  	_ =	swait.ge [sflag:s25], $0x620  }
0x3d: {  	[sflag:s25] =	ssyncset.done $0x0  }
0x3e: {  	[sflag:s25] =	ssyncadd.s32 $0xFFFFF9E0  }
0x3f: {  	_ =	swait.ge [sflag:s25], $0x620  }
0x40: {  	[sflag:s25] =	ssyncset.done $0x0  }
0x41: {  	[sflag:s25] =	ssyncadd.s32 $0xFFFFF9E0  }
0x42: {  	_ =	swait.ge [sflag:s25], $0x620  }
0x43: {  	[sflag:s25] =	ssyncset.done $0x0  }
0x44: {  	s18 =	simm.s32 $0x18820;
	[sflag:s25] =	ssyncadd.s32 $0xFFFFF9E0  }
0x45: {  	v0 =	vld [tilespmem:s18+$0x10];
	_ =	sdelay $0x1  }
0x46: {  	v1 =	vld [tilespmem:s18+$0xFFFFFFF0]  }
0x47: {  	v2 =	vld [tilespmem:s18+$0xFFFFFFE0]  }
0x48: {  	s19 =	simm.s32 $0x19520;
	v3 =	vld [tilespmem:s18+$0x0]  }
0x49: {  	s20 =	simm.s32 $0x19BA0;
	v17 =	vld [tilespmem:s19+$0x10];
	v4 =	vadd.s32 $0x1, v0  }
0x4a: {  	s21 =	simm.s32 $0x1A220;
	v7 =	vld [tilespmem:s20+$0x10];
	v9 =	vadd.s32 $0xE0, v0  }
0x4b: {  	s22 =	simm.s32 $0x1A8A0;
	v5 =	vld [tilespmem:s21+$0x10];
	v10 =	vadd.s32 $0xE1, v0  }
0x4c: {  	v8 =	vld [tilespmem:s22+$0x10];
	v11 =	vadd.s32 $0x1, v2  }
0x4d: {  	v13 =	vadd.s32 $0xE0, v2;
	v12 =	vld.idx.msk [tilespmem:v0+s2+$0x0], $0xffff  }
0x4e: {  	v15 =	vadd.s32 $0xE1, v2;
	v14 =	vld.idx.msk [tilespmem:v4+s2+$0x0], $0xffff  }
0x4f: {  	v23 =	vadd.s32 $0x1, v1;
	v19 =	vld.idx.msk [tilespmem:v9+s2+$0x0], $0xffff  }
0x50: {  	v24 =	vadd.s32 $0xE0, v1;
	v20 =	vld.idx.msk [tilespmem:v10+s2+$0x0], $0xffff  }
0x51: {  	v25 =	vadd.s32 $0xE1, v1;
	v16 =	vadd.s32 $0xE0, v3;
	v21 =	vld.idx.msk [tilespmem:v11+s2+$0x0], $0xffff  }
0x52: {  	v18 =	vadd.s32 $0x1, v3;
	v6 =	vadd.s32 $0xE1, v3;
	v22 =	vld.idx.msk [tilespmem:v13+s2+$0x0], $0xffff;
	[tilespmem:$0x1FFE0] =	vst v16  }
0x53: {  	v26 =	vld.idx.msk [tilespmem:v15+s2+$0x0], $0xffff;
	[tilespmem:$0x1FFF0] =	vst v6  }
0x54: {  	v27 =	vld.idx.msk [tilespmem:v23+s2+$0x0], $0xffff  }
0x55: {  	v28 =	vld.idx.msk [tilespmem:v24+s2+$0x0], $0xffff  }
0x56: {  	v29 =	vld.idx.msk [tilespmem:v25+s2+$0x0], $0xffff  }
0x57: {  	v30 =	vld.idx.msk [tilespmem:v18+s2+$0x0], $0xffff  }
0x58: {  	v31 =	vld.idx.msk [tilespmem:v16+s2+$0x0], $0xffff  }
0x59: {  	v32 =	vld.idx.msk [tilespmem:v6+s2+$0x0], $0xffff  }
0x5a: {  	v34 =	vld [tilespmem:s19+$0xFFFFFFE0]  }
0x5b: {  	v35 =	vld [tilespmem:s20+$0xFFFFFFE0]  }
0x5c: {  	v36 =	vld [tilespmem:s21+$0xFFFFFFE0]  }
0x5d: {  	v37 =	vld [tilespmem:s22+$0xFFFFFFE0]  }
0x5e: {  	v38 =	vld [tilespmem:s19+$0xFFFFFFF0]  }
0x5f: {  	v39 =	vld [tilespmem:s20+$0xFFFFFFF0];
	v12 =	vmul.f32 v12, v17;
	v14 =	vmul.f32 v14, v7  }
0x60: {  	v40 =	vld [tilespmem:s21+$0xFFFFFFF0];
	v19 =	vmul.f32 v19, v5;
	v20 =	vmul.f32 v20, v8  }
0x61: {  	s28 =	simm.s32 $0x1A260;
	v41 =	vld [tilespmem:s22+$0xFFFFFFF0]  }
0x62: {  	s14 =	simm.s32 $0x1A8E0;
	v45 =	vld [tilespmem:s28+$0x10];
	v12 =	vadd.f32 v14, v12;
	v14 =	vadd.f32 v20, v19  }
0x63: {  	v55 =	vld [tilespmem:s14+$0x10]  }
0x64: {  	v12 =	vadd.f32 v14, v12;
	v14 =	vld.idx.msk [tilespmem:v2+s2+$0x0], $0xffff  }
0x65: {  	s24 =	simm.s32 $0x1C920;
	v19 =	vld.idx.msk [tilespmem:v1+s2+$0x0], $0xffff  }
0x66: {  	v20 =	vmul.f32 v26, v37;
	v26 =	vld.idx.msk [tilespmem:v3+s2+$0x0], $0xffff;
	[tilespmem:s24+$0x10] =	vst v12  }
0x67: {  	v12 =	vld.idx.msk [tilespmem:v0+s13+$0x0], $0xffff  }
0x68: {  	v33 =	vld.idx.msk [tilespmem:v4+s13+$0x0], $0xffff;
	v4 =	vmul.f32 v21, v35  }
0x69: {  	v9 =	vld.idx.msk [tilespmem:v9+s13+$0x0], $0xffff;
	v0 =	vmul.f32 v14, v34;
	v14 =	vmul.f32 v22, v36  }
0x6a: {  	v10 =	vld.idx.msk [tilespmem:v10+s13+$0x0], $0xffff  }
0x6b: {  	v21 =	vld [tilespmem:s19+$0x0];
	v0 =	vadd.f32 v4, v0;
	v4 =	vadd.f32 v20, v14  }
0x6c: {  	v22 =	vld [tilespmem:s20+$0x0]  }
0x6d: {  	v27 =	vmul.f32 v27, v39;
	v20 =	vld [tilespmem:s21+$0x0];
	v0 =	vadd.f32 v4, v0  }
0x6e: {  	v28 =	vmul.f32 v28, v40;
	v14 =	vmul.f32 v19, v38;
	v19 =	vld [tilespmem:s22+$0x0]  }
0x6f: {  	v8 =	vmul.f32 v10, v8;
	v10 =	vld [tilespmem:s28+$0xFFFFFFE0];
	v4 =	vmul.f32 v29, v41;
	[tilespmem:s24+$0xFFFFFFE0] =	vst v0  }
0x70: {  	v14 =	vadd.f32 v27, v14;
	v27 =	vld.idx.msk [tilespmem:v2+s13+$0x0], $0xffff  }
0x71: {  	v0 =	vadd.f32 v4, v28;
	v28 =	vld.idx.msk [tilespmem:v11+s13+$0x0], $0xffff  }
0x72: {  	s26 =	simm.s32 $0x18860;
	v15 =	vld.idx.msk [tilespmem:v15+s13+$0x0], $0xffff  }
0x73: {  	v11 =	vld [tilespmem:s26+$0x10];
	v0 =	vadd.f32 v0, v14  }
0x74: {  	v2 =	vmul.f32 v30, v22;
	v30 =	vld [tilespmem:s26+$0xFFFFFFE0]  }
0x75: {  	v4 =	vmul.f32 v32, v19;
	v14 =	vld.idx.msk [tilespmem:v13+s13+$0x0], $0xffff;
	[tilespmem:s24+$0xFFFFFFF0] =	vst v0  }
0x76: {  	v0 =	vmul.f32 v26, v21;
	v26 =	vld.idx.msk [tilespmem:v1+s13+$0x0], $0xffff;
	v1 =	vmul.f32 v31, v20  }
0x77: {  	v29 =	vld.idx.msk [tilespmem:v23+s13+$0x0], $0xffff  }
0x78: {  	v24 =	vld.idx.msk [tilespmem:v24+s13+$0x0], $0xffff;
	v0 =	vadd.f32 v2, v0;
	v13 =	vadd.s32 $0x1, v11;
	v1 =	vadd.f32 v4, v1  }
0x79: {  	v23 =	vld [tilespmem:s26+$0xFFFFFFF0];
	v32 =	vadd.s32 $0xE0, v11  }
0x7a: {  	v43 =	vadd.s32 $0xE1, v11;
	v1 =	vadd.f32 v1, v0;
	v0 =	vld [tilespmem:s26+$0x0]  }
0x7b: {  	s26 =	simm.s32 $0x19BE0;
	v47 =	vld.idx.msk [tilespmem:v11+s2+$0x0], $0xffff  }
0x7c: {  	v44 =	vld [tilespmem:s26+$0x10]  }
0x7d: {  	v49 =	vld.idx.msk [tilespmem:v13+s2+$0x0], $0xffff  }
0x7e: {  	v5 =	vmul.f32 v9, v5;
	v51 =	vld.idx.msk [tilespmem:v32+s2+$0x0], $0xffff  }
0x7f: {  	v46 =	vadd.s32 $0x1, v30;
	[tilespmem:s24+$0x0] =	vst v1;
	s24 =	simm.s32 $0x19560;
	v53 =	vld.idx.msk [tilespmem:v43+s2+$0x0], $0xffff  }
0x80: {  	v5 =	vadd.f32 v8, v5;
	v48 =	vadd.s32 $0xE0, v30;
	v42 =	vld [tilespmem:s24+$0x10]  }
0x81: {  	v25 =	vld.idx.msk [tilespmem:v25+s13+$0x0], $0xffff;
	v50 =	vadd.s32 $0xE1, v30;
	v8 =	vmul.f32 v27, v34;
	v9 =	vmul.f32 v28, v35  }
0x82: {  	v27 =	vmul.f32 v14, v36;
	v14 =	vld [tilespmem:s28+$0xFFFFFFF0]  }
0x83: {  	v28 =	vadd.f32 v9, v8;
	v8 =	vld [tilespmem:s14+$0xFFFFFFF0]  }
0x84: {  	v52 =	vadd.s32 $0x1, v23;
	v56 =	vld.idx.msk [tilespmem:v46+s2+$0x0], $0xffff;
	v49 =	vmul.f32 v49, v44;
	v51 =	vmul.f32 v51, v45  }
0x85: {  	v54 =	vadd.s32 $0xE0, v23;
	v57 =	vld.idx.msk [tilespmem:v48+s2+$0x0], $0xffff;
	v53 =	vmul.f32 v53, v55;
	v47 =	vmul.f32 v47, v42  }
0x86: {  	v26 =	vmul.f32 v26, v38;
	v9 =	vmul.f32 v29, v39;
	v58 =	vld.idx.msk [tilespmem:v50+s2+$0x0], $0xffff  }
0x87: {  	v31 =	vld.idx.msk [tilespmem:v3+s13+$0x0], $0xffff;
	v63 =	vadd.f32 v53, v51;
	v47 =	vadd.f32 v49, v47  }
0x88: {  	v26 =	vadd.f32 v9, v26;
	v9 =	vld [tilespmem:s24+$0x0]  }
0x89: {  	v59 =	vld.idx.msk [tilespmem:v52+s2+$0x0], $0xffff;
	v47 =	vadd.f32 v63, v47  }
0x8a: {  	s30 =	simm.s32 $0x1C960;
	v60 =	vld.idx.msk [tilespmem:v54+s2+$0x0], $0xffff  }
0x8b: {  	v49 =	vld.idx.msk [tilespmem:v30+s2+$0x0], $0xffff;
	[tilespmem:s30+$0x10] =	vst v47  }
0x8c: {  	v4 =	vadd.s32 $0xE1, v23;
	v47 =	vld.idx.msk [tilespmem:v11+s13+$0x0], $0xffff  }
0x8d: {  	v6 =	vld.idx.msk [tilespmem:v13+s13+$0x0], $0xffff  }
0x8e: {  	v7 =	vmul.f32 v33, v7;
	v11 =	vmul.f32 v12, v17;
	v17 =	vld [tilespmem:s24+$0xFFFFFFE0]  }
0x8f: {  	v13 =	vld [tilespmem:s26+$0xFFFFFFE0]  }
0x90: {  	v7 =	vadd.f32 v7, v11;
	v11 =	vld [tilespmem:s14+$0xFFFFFFE0]  }
0x91: {  	v3 =	vadd.s32 $0x1, v0;
	v61 =	vld.idx.msk [tilespmem:v4+s2+$0x0], $0xffff  }
0x92: {  	v24 =	vmul.f32 v24, v40;
	v2 =	vadd.s32 $0xE0, v0;
	v16 =	vld.idx.msk [tilespmem:v0+s2+$0x0], $0xffff  }
0x93: {  	v1 =	vadd.s32 $0xE1, v0;
	v63 =	vld.idx.msk [tilespmem:v23+s2+$0x0], $0xffff;
	v7 =	vadd.f32 v5, v7;
	v5 =	vmul.f32 v15, v37  }
0x94: {  	v57 =	vmul.f32 v57, v10;
	v12 =	vld [tilespmem:s24+$0xFFFFFFF0];
	v56 =	vmul.f32 v56, v13  }
0x95: {  	v15 =	vld [tilespmem:s26+$0xFFFFFFF0];
	v5 =	vadd.f32 v5, v27;
	v27 =	vmul.f32 v49, v17;
	v40 =	vmul.f32 v58, v11  }
0x96: {  	v25 =	vmul.f32 v25, v41;
	v62 =	vld.idx.msk [tilespmem:v3+s2+$0x0], $0xffff;
	v41 =	vmul.f32 v47, v42  }
0x97: {  	v51 =	vld.idx.msk [tilespmem:v2+s2+$0x0], $0xffff;
	v42 =	vmul.f32 v6, v44;
	v27 =	vadd.f32 v56, v27;
	v44 =	vadd.f32 v40, v57  }
0x98: {  	v53 =	vld.idx.msk [tilespmem:v1+s2+$0x0], $0xffff  }
0x99: {  	s18 =	simm.s32 $0x1CFA0;
	v25 =	vadd.f32 v25, v24;
	v32 =	vld.idx.msk [tilespmem:v32+s13+$0x0], $0xffff;
	v27 =	vadd.f32 v44, v27  }
0x9a: {  	v43 =	vld.idx.msk [tilespmem:v43+s13+$0x0], $0xffff;
	v24 =	vmul.f32 v63, v12;
	[tilespmem:s18+$0x10] =	vst v7;
	v47 =	vmul.f32 v59, v15  }
0x9b: {  	v58 =	vld [tilespmem:$0x1FFE0];
	[tilespmem:s30+$0xFFFFFFE0] =	vst v27  }
0x9c: {  	v33 =	vadd.f32 v47, v24;
	v24 =	vld [tilespmem:$0x1FFF0]  }
0x9d: {  	v6 =	vld [tilespmem:s28+$0x0]  }
0x9e: {  	v7 =	vld [tilespmem:s14+$0x0]  }
0x9f: {  	v28 =	vadd.f32 v5, v28;
	v5 =	vld [tilespmem:s26+$0x0]  }
0xa0: {  	v49 =	vmul.f32 v60, v14;
	v56 =	vmul.f32 v61, v8  }
0xa1: {  	v18 =	vld.idx.msk [tilespmem:v18+s13+$0x0], $0xffff  }
0xa2: {  	v16 =	vmul.f32 v16, v9;
	v32 =	vmul.f32 v32, v45;
	v27 =	vadd.f32 v56, v49;
	v30 =	vld.idx.msk [tilespmem:v30+s13+$0x0], $0xffff  }
0xa3: {  	v63 =	vadd.f32 v25, v26;
	v57 =	vmul.f32 v43, v55;
	v61 =	vmul.f32 v51, v6;
	v36 =	vld.idx.msk [tilespmem:v58+s13+$0x0], $0xffff  }
0xa4: {  	v60 =	vmul.f32 v62, v5;
	v62 =	vmul.f32 v53, v7;
	v27 =	vadd.f32 v27, v33;
	v59 =	vld.idx.msk [tilespmem:v24+s13+$0x0], $0xffff  }
0xa5: {  	v35 =	vadd.f32 v42, v41;
	v32 =	vadd.f32 v57, v32;
	v25 =	vld.idx.msk [tilespmem:v48+s13+$0x0], $0xffff  }
0xa6: {  	v34 =	vadd.f32 v60, v16;
	[tilespmem:s30+$0xFFFFFFF0] =	vst v27;
	v27 =	vadd.f32 v62, v61;
	v24 =	vld.idx.msk [tilespmem:v46+s13+$0x0], $0xffff  }
0xa7: {  	s31 =	simm.s32 $0x18E00;
	s10 =	simm.s32 $0x5F0;
	v31 =	vmul.f32 v31, v21;
	v22 =	vmul.f32 v18, v22;
	[tilespmem:s18+$0xFFFFFFE0] =	vst v28;
	v26 =	vld.idx.msk [tilespmem:v50+s13+$0x0], $0xffff  }
0xa8: {  	s11 =	simm.s32 $0x1AE80;
	s12 =	simm.s32 $0x1A800;
	s15 =	simm.s32 $0x1A180;
	v32 =	vadd.f32 v32, v35;
	[tilespmem:s18+$0xFFFFFFF0] =	vst v63;
	v21 =	vld.idx.msk [tilespmem:v23+s13+$0x0], $0xffff;
	v23 =	vadd.f32 v27, v34  }
0xa9: {  	s16 =	simm.s32 $0x19B00;
	s17 =	simm.s32 $0x1D580;
	s20 =	simm.s32 $0x1CFE0;
	v18 =	vld.idx.msk [tilespmem:v52+s13+$0x0], $0xffff;
	v16 =	vmul.f32 v36, v20;
	v20 =	vadd.f32 v22, v31;
	v22 =	vmul.f32 v59, v19  }
0xaa: {  	s19 =	simm.s32 $0x1CF00;
	s21 =	simm.s32 $0x40;
	s22 =	simm.s32 $0x188A0;
	[tilespmem:s20+$0x10] =	vst v32;
	v19 =	vmul.f32 v30, v17;
	v17 =	vld.idx.msk [tilespmem:v54+s13+$0x0], $0xffff  }
.LBB2_3:
0xab: {  	v27 =	vld [tilespmem:s22+$0x10];
	v13 =	vmul.f32 v24, v13;
	[tilespmem:s30+$0x0] =	vst v23;
	v22 =	vadd.f32 v22, v16  }
0xac: {  	v10 =	vmul.f32 v25, v10;
	v16 =	vld [tilespmem:s22+$0xFFFFFFF0]  }
0xad: {  	v11 =	vmul.f32 v26, v11;
	v23 =	vld [tilespmem:s22+$0x0];
	v13 =	vadd.f32 v13, v19;
	v20 =	vadd.f32 v22, v20  }
0xae: {  	v12 =	vmul.f32 v21, v12;
	v19 =	vld [tilespmem:s22+$0xFFFFFFE0]  }
0xaf: {  	v10 =	vadd.f32 v11, v10;
	v15 =	vmul.f32 v18, v15;
	v11 =	vld.idx.msk [tilespmem:v4+s13+$0x0], $0xffff;
	[tilespmem:s18+$0x0] =	vst v20;
	s18 =	smov.u32 s20  }
0xb0: {  	s21 =	sadd.s32 $0x40, s21;
	s24 =	sadd.s32 $0x40, s24;
	v14 =	vmul.f32 v17, v14;
	v24 =	vadd.s32 $0x1, v27;
	v22 =	vld.idx.msk [tilespmem:v0+s13+$0x0], $0xffff  }
0xb1: {  	s26 =	sadd.s32 $0x40, s26;
	p0 =	slt.u32 s21, $0x5C0;
	v25 =	vadd.s32 $0xE0, v27;
	v18 =	vadd.s32 $0x1, v16;
	v17 =	vadd.s32 $0xE0, v16;
	v26 =	vld [tilespmem:s24+$0x10]  }
0xb2: {  	s28 =	sadd.s32 $0x40, s28;
	v29 =	vadd.s32 $0xE1, v27;
	v4 =	vadd.s32 $0xE1, v16;
	v28 =	vadd.s32 $0x1, v23;
	v30 =	vld [tilespmem:s26+$0x10];
	v0 =	vmovc v23  }
0xb3: {  	v23 =	vadd.s32 $0x1, v19;
	v21 =	vadd.s32 $0xE0, v19;
	v20 =	vadd.s32 $0xE1, v19;
	v31 =	vld [tilespmem:s28+$0x10]  }
0xb4: {  	v12 =	vadd.f32 v15, v12;
	v32 =	vadd.s32 $0xE0, v0;
	v33 =	vadd.s32 $0xE1, v0;
	v34 =	vld.idx.msk [tilespmem:v27+s2+$0x0], $0xffff  }
0xb5: {  	v10 =	vadd.f32 v10, v13;
	v8 =	vmul.f32 v11, v8;
	v15 =	vld.idx.msk [tilespmem:v24+s2+$0x0], $0xffff  }
0xb6: {  	v22 =	vmul.f32 v22, v9;
	v11 =	vld.idx.msk [tilespmem:v25+s2+$0x0], $0xffff  }
0xb7: {  	s14 =	sadd.s32 $0x40, s14;
	v8 =	vadd.f32 v8, v14;
	v9 =	vld.idx.msk [tilespmem:v29+s2+$0x0], $0xffff;
	[tilespmem:s20+$0xFFFFFFE0] =	vst v10  }
0xb8: {  	v14 =	vld [tilespmem:s14+$0x10]  }
0xb9: {  	v8 =	vadd.f32 v8, v12;
	v35 =	vld.idx.msk [tilespmem:v23+s2+$0x0], $0xffff  }
0xba: {  	v36 =	vld.idx.msk [tilespmem:v21+s2+$0x0], $0xffff  }
0xbb: {  	v37 =	vld.idx.msk [tilespmem:v20+s2+$0x0], $0xffff;
	[tilespmem:s20+$0xFFFFFFF0] =	vst v8  }
0xbc: {  	v10 =	vmul.f32 v15, v30;
	v8 =	vmul.f32 v34, v26;
	v38 =	vld.idx.msk [tilespmem:v18+s2+$0x0], $0xffff  }
0xbd: {  	v11 =	vmul.f32 v11, v31;
	v34 =	vld.idx.msk [tilespmem:v17+s2+$0x0], $0xffff;
	v9 =	vmul.f32 v9, v14  }
0xbe: {  	v39 =	vld.idx.msk [tilespmem:v4+s2+$0x0], $0xffff  }
0xbf: {  	v8 =	vadd.f32 v10, v8;
	v40 =	vld.idx.msk [tilespmem:v28+s2+$0x0], $0xffff;
	v9 =	vadd.f32 v9, v11  }
0xc0: {  	v41 =	vld.idx.msk [tilespmem:v32+s2+$0x0], $0xffff  }
0xc1: {  	v42 =	vld.idx.msk [tilespmem:v33+s2+$0x0], $0xffff;
	v8 =	vadd.f32 v9, v8  }
0xc2: {  	s30 =	sadd.s32 $0x40, s30;
	v9 =	vld.idx.msk [tilespmem:v19+s2+$0x0], $0xffff  }
0xc3: {  	v43 =	vld.idx.msk [tilespmem:v16+s2+$0x0], $0xffff;
	[tilespmem:s30+$0x10] =	vst v8  }
0xc4: {  	v8 =	vld.idx.msk [tilespmem:v27+s13+$0x0], $0xffff  }
0xc5: {  	v12 =	vld.idx.msk [tilespmem:v24+s13+$0x0], $0xffff  }
0xc6: {  	v15 =	vld.idx.msk [tilespmem:v25+s13+$0x0], $0xffff  }
0xc7: {  	v24 =	vld.idx.msk [tilespmem:v29+s13+$0x0], $0xffff  }
0xc8: {  	v25 =	vld.idx.msk [tilespmem:v0+s2+$0x0], $0xffff  }
0xc9: {  	v27 =	vld [tilespmem:s24+$0xFFFFFFE0]  }
0xca: {  	v13 =	vld [tilespmem:s26+$0xFFFFFFE0]  }
0xcb: {  	v10 =	vld [tilespmem:s28+$0xFFFFFFE0]  }
0xcc: {  	v8 =	vmul.f32 v8, v26;
	v26 =	vmul.f32 v12, v30;
	v11 =	vld [tilespmem:s14+$0xFFFFFFE0]  }
0xcd: {  	v29 =	vmul.f32 v15, v31;
	v24 =	vmul.f32 v24, v14;
	v12 =	vld [tilespmem:s24+$0xFFFFFFF0]  }
0xce: {  	v9 =	vmul.f32 v9, v27;
	v15 =	vld [tilespmem:s26+$0xFFFFFFF0]  }
0xcf: {  	v26 =	vadd.f32 v26, v8;
	v24 =	vadd.f32 v24, v29;
	v30 =	vmul.f32 v35, v13;
	v14 =	vld [tilespmem:s28+$0xFFFFFFF0]  }
0xd0: {  	v29 =	vmul.f32 v36, v10;
	v8 =	vld [tilespmem:s14+$0xFFFFFFF0]  }
0xd1: {  	v24 =	vadd.f32 v24, v26;
	v30 =	vadd.f32 v30, v9;
	v31 =	vmul.f32 v37, v11;
	v9 =	vld [tilespmem:s24+$0x0]  }
0xd2: {  	s20 =	sadd.s32 $0x40, s20;
	v26 =	vmul.f32 v43, v12;
	v35 =	vld [tilespmem:s26+$0x0]  }
0xd3: {  	v29 =	vadd.f32 v31, v29;
	v31 =	vmul.f32 v38, v15;
	v36 =	vld [tilespmem:s28+$0x0];
	[tilespmem:s20+$0x10] =	vst v24  }
0xd4: {  	v24 =	vmul.f32 v34, v14;
	v34 =	vld [tilespmem:s14+$0x0]  }
0xd5: {  	v29 =	vadd.f32 v29, v30;
	v26 =	vadd.f32 v31, v26;
	v30 =	vmul.f32 v39, v8;
	v31 =	vld.idx.msk [tilespmem:v3+s13+$0x0], $0xffff  }
0xd6: {  	v3 =	vmov v28;
	v25 =	vmul.f32 v25, v9;
	v37 =	vld.idx.msk [tilespmem:v2+s13+$0x0], $0xffff;
	v2 =	vmov v32  }
0xd7: {  	[tilespmem:s30+$0xFFFFFFE0] =	vst v29;
	v28 =	vadd.f32 v30, v24;
	v29 =	vmul.f32 v40, v35;
	v30 =	vld.idx.msk [tilespmem:v1+s13+$0x0], $0xffff;
	v1 =	vmov v33  }
0xd8: {  	v19 =	vld.idx.msk [tilespmem:v19+s13+$0x0], $0xffff;
	v32 =	vmul.f32 v41, v36  }
0xd9: {  	v24 =	vld.idx.msk [tilespmem:v23+s13+$0x0], $0xffff;
	v23 =	vadd.f32 v28, v26;
	v28 =	vadd.f32 v29, v25;
	v29 =	vmul.f32 v42, v34  }
.Ltmp0:
0xda: {  	v25 =	vld.idx.msk [tilespmem:v21+s13+$0x0], $0xffff;
	(pc) =	sbr.rel @p0 .LBB2_3-.Ltmp0, $4  }
0xdb: {  	v26 =	vld.idx.msk [tilespmem:v20+s13+$0x0], $0xffff;
	[tilespmem:s30+$0xFFFFFFF0] =	vst v23;
	v20 =	vadd.f32 v29, v32;
	v29 =	vmul.f32 v31, v5;
	v5 =	vmov v35  }
0xdc: {  	v21 =	vld.idx.msk [tilespmem:v16+s13+$0x0], $0xffff;
	v16 =	vmul.f32 v37, v6;
	v6 =	vmov v36  }
0xdd: {  	v18 =	vld.idx.msk [tilespmem:v18+s13+$0x0], $0xffff;
	v23 =	vadd.f32 v20, v28;
	v20 =	vadd.f32 v29, v22;
	v22 =	vmul.f32 v30, v7  }
0xde: {  	s22 =	sadd.s32 $0x40, s22;
	v19 =	vmul.f32 v19, v27;
	v7 =	vmov v34;
	v17 =	vld.idx.msk [tilespmem:v17+s13+$0x0], $0xffff  }
0xdf: {  	_ =	sdelay $0x3  }
0xe0: {  	[tilespmem:s30+$0x0] =	vst v23;
	v4 =	vld.idx.msk [tilespmem:v4+s13+$0x0], $0xffff  }
0xe1: {  	v0 =	vld.idx.msk [tilespmem:v0+s13+$0x0], $0xffff  }
0xe2: {  	v3 =	vld.idx.msk [tilespmem:v3+s13+$0x0], $0xffff  }
0xe3: {  	v2 =	vld.idx.msk [tilespmem:v2+s13+$0x0], $0xffff  }
0xe4: {  	v13 =	vmul.f32 v24, v13;
	v1 =	vld.idx.msk [tilespmem:v1+s13+$0x0], $0xffff  }
0xe5: {  	v16 =	vadd.f32 v22, v16;
	v10 =	vmul.f32 v25, v10;
	v11 =	vmul.f32 v26, v11  }
0xe6: {  	v13 =	vadd.f32 v13, v19;
	v12 =	vmul.f32 v21, v12;
	v15 =	vmul.f32 v18, v15  }
0xe7: {  	v16 =	vadd.f32 v16, v20;
	v14 =	vmul.f32 v17, v14;
	v4 =	vmul.f32 v4, v8  }
0xe8: {  	v60 =	vadd.f32 v11, v10;
	v0 =	vmul.f32 v0, v9;
	v3 =	vmul.f32 v3, v5  }
0xe9: {  	v61 =	vadd.f32 v15, v12;
	v2 =	vmul.f32 v2, v6;
	v1 =	vmul.f32 v1, v7  }
0xea: {  	v62 =	vadd.f32 v60, v13;
	v4 =	vadd.f32 v4, v14  }
0xeb: {  	v0 =	vadd.f32 v3, v0;
	v1 =	vadd.f32 v1, v2  }
0xec: {  	[tilespmem:s18+$0x0] =	vst v16;
	v63 =	vadd.f32 v4, v61  }
0xed: {  	[tilespmem:s20+$0xFFFFFFE0] =	vst v62;
	v0 =	vadd.f32 v1, v0  }
0xee: {  	[tilespmem:s20+$0xFFFFFFF0] =	vst v63  }
0xef: {  	[tilespmem:s20+$0x0] =	vst v0  }
.LBB2_5:
0xf0: {  	v0 =	vld [tilespmem:s31+$0x0];
	_ =	sdelay $0x4  }
0xf1: {  	v2 =	vld [tilespmem:s16+$0x0];
	v1 =	vadd.s32 $0x1, v0  }
0xf2: {  	v4 =	vld [tilespmem:s15+$0x0];
	v3 =	vadd.s32 $0xE0, v0  }
0xf3: {  	v6 =	vld [tilespmem:s12+$0x0];
	v5 =	vadd.s32 $0xE1, v0  }
0xf4: {  	v7 =	vld [tilespmem:s11+$0x0]  }
0xf5: {  	v8 =	vld.idx.msk [tilespmem:v0+s2+$0x0], $0xffff  }
0xf6: {  	v9 =	vld.idx.msk [tilespmem:v1+s2+$0x0], $0xffff  }
0xf7: {  	v10 =	vld.idx.msk [tilespmem:v3+s2+$0x0], $0xffff  }
0xf8: {  	v11 =	vld.idx.msk [tilespmem:v5+s2+$0x0], $0xffff;
	_ =	sdelay $0x3  }
0xf9: {  	v8 =	vmul.f32 v8, v2;
	v9 =	vmul.f32 v9, v4  }
0xfa: {  	v10 =	vmul.f32 v10, v6;
	v11 =	vmul.f32 v11, v7;
	_ =	sdelay $0x1  }
0xfb: {  	v8 =	vadd.f32 v9, v8;
	v60 =	vadd.f32 v11, v10;
	_ =	sdelay $0x1  }
0xfc: {  	v8 =	vadd.f32 v60, v8;
	_ =	sdelay $0x1  }
0xfd: {  	[tilespmem:s19+$0x0] =	vst v8  }
0xfe: {  	v0 =	vld.idx.msk [tilespmem:v0+s13+$0x0], $0xffff  }
0xff: {  	v1 =	vld.idx.msk [tilespmem:v1+s13+$0x0], $0xffff  }
0x100: {  	v3 =	vld.idx.msk [tilespmem:v3+s13+$0x0], $0xffff  }
0x101: {  	v5 =	vld.idx.msk [tilespmem:v5+s13+$0x0], $0xffff;
	_ =	sdelay $0x3  }
0x102: {  	v0 =	vmul.f32 v0, v2;
	v1 =	vmul.f32 v1, v4  }
0x103: {  	s10 =	sadd.s32 $0x10, s10;
	v61 =	vmul.f32 v3, v6;
	v62 =	vmul.f32 v5, v7  }
0x104: {  	p0 =	slt.u32 s10, $0x610  }
.Ltmp1:
0x105: {  	v0 =	vadd.f32 v1, v0;
	v63 =	vadd.f32 v62, v61;
	(pc) =	sbr.rel @p0 .LBB2_5-.Ltmp1, $4  }
0x106: {  	_ = 	snop  }
0x107: {  	s11 =	sadd.s32 $0x10, s11;
	v0 =	vadd.f32 v63, v0  }
0x108: {  	s12 =	sadd.s32 $0x10, s12;
	s15 =	sadd.s32 $0x10, s15;
	s16 =	sadd.s32 $0x10, s16  }
0x109: {  	s31 =	sadd.s32 $0x10, s31;
	s19 =	sadd.s32 $0x10, s19;
	[tilespmem:s17+$0x0] =	vst v0;
	s17 =	sadd.s32 $0x10, s17  }
0x10a: {  	s3 =	rddreg [dreg:$0x5]  }
0x10b: {  	s5 =	simm.s32 $0x1C900;
	s26 =	rddreg [dreg:$0xe];
	s1 =	sadd.s32 s3, s23  }
0x10c: {  	[hbm4b:s1+s2] =	stream.linear.scatter [tilespmem:s5], [sflag:$0x4], $0x620, $0x38;
	[tilespmem:$0x1E300] =	vst v63  }
0x10d: {  	s9 =	rddreg [dreg:$0xd];
	s1 =	sadd.s32 s3, s26;
	s5 =	simm.s32 $0x1CF80  }
0x10e: {  	[hbm4b:s1+s2] =	stream.linear.scatter [tilespmem:s5], [sflag:$0x4], $0x620, $0x38;
	[tilespmem:$0x1E300] =	vst v63  }
0x10f: {  	s10 =	rddreg [dreg:$0x3];
	s1 =	sadd.s32 $0xC40, s9  }
0x110: {  	[dreg:$0xc] =	wrdreg s1;
	s1 =	sshrl.u32 s1, $0x3  }
0x111: {  	s11 =	simm.s32 $0x18800;
	s12 =	rddreg [dreg:$0x4];
	s3 =	sadd.s32 s10, s1  }
0x112: {  	[tilespmem:s11], [sflag:$0x2] =	stream.linear.gather [hbm4b:s3+s2], $0x620, $0x38;
	[tilespmem:$0x1E300] =	vst v63  }
0x113: {  	s14 =	simm.s32 $0x19500;
	s3 =	sadd.s32 s12, s1  }
0x114: {  	[tilespmem:s14], [sflag:$0x2] =	stream.linear.gather [hbm4b:s3+s2], $0x620, $0x38;
	[tilespmem:$0x1E300] =	vst v63  }
0x115: {  	s16 =	simm.s32 $0x19B80;
	s15 =	sadd.s32 s6, s1  }
0x116: {  	[tilespmem:s16], [sflag:$0x2] =	stream.linear.gather [hbm4b:s15+s2], $0x620, $0x38;
	[tilespmem:$0x1E300] =	vst v63  }
0x117: {  	s18 =	simm.s32 $0x1A200;
	s17 =	sadd.s32 s7, s1  }
0x118: {  	[tilespmem:s18], [sflag:$0x2] =	stream.linear.gather [hbm4b:s17+s2], $0x620, $0x38;
	[tilespmem:$0x1E300] =	vst v63  }
0x119: {  	s19 =	simm.s32 $0x1A880;
	s1 =	sadd.s32 s8, s1  }
0x11a: {  	[tilespmem:s19], [sflag:$0x2] =	stream.linear.gather [hbm4b:s1+s2], $0x620, $0x38;
	[tilespmem:$0x1E300] =	vst v63  }
0x11b: {  	_ =	swait.ge [sflag:s29], $0x620  }
0x11c: {  	[sflag:s29] =	ssyncset.done $0x0  }
0x11d: {  	[sflag:s29] =	ssyncadd.s32 $0xFFFFF9E0  }
0x11e: {  	_ =	swait.ge [sflag:s29], $0x620  }
0x11f: {  	[sflag:s29] =	ssyncset.done $0x0  }
0x120: {  	[sflag:s29] =	ssyncadd.s32 $0xFFFFF9E0  }
0x121: {  	_ =	swait.ge [sflag:s29], $0x620  }
0x122: {  	[sflag:s29] =	ssyncset.done $0x0  }
0x123: {  	[sflag:s29] =	ssyncadd.s32 $0xFFFFF9E0  }
0x124: {  	_ =	swait.ge [sflag:s29], $0x620  }
0x125: {  	[sflag:s29] =	ssyncset.done $0x0  }
0x126: {  	[sflag:s29] =	ssyncadd.s32 $0xFFFFF9E0  }
0x127: {  	_ =	swait.ge [sflag:s29], $0x620  }
0x128: {  	[sflag:s29] =	ssyncset.done $0x0  }
0x129: {  	s20 =	simm.s32 $0x18EA0;
	[sflag:s29] =	ssyncadd.s32 $0xFFFFF9E0  }
0x12a: {  	v0 =	vld [tilespmem:s20+$0x10];
	_ =	sdelay $0x1  }
0x12b: {  	v1 =	vld [tilespmem:s20+$0xFFFFFFF0]  }
0x12c: {  	v2 =	vld [tilespmem:s20+$0xFFFFFFE0]  }
0x12d: {  	s21 =	simm.s32 $0x1AF20;
	v3 =	vld [tilespmem:s20+$0x0]  }
0x12e: {  	s22 =	simm.s32 $0x1B5A0;
	v17 =	vld [tilespmem:s21+$0x10];
	v4 =	vadd.s32 $0x1, v0  }
0x12f: {  	s24 =	simm.s32 $0x1BC20;
	v7 =	vld [tilespmem:s22+$0x10];
	v9 =	vadd.s32 $0xE0, v0  }
0x130: {  	s9 =	simm.s32 $0x1C2A0;
	v5 =	vld [tilespmem:s24+$0x10];
	v10 =	vadd.s32 $0xE1, v0  }
0x131: {  	v8 =	vld [tilespmem:s9+$0x10];
	v11 =	vadd.s32 $0x1, v2  }
0x132: {  	v13 =	vadd.s32 $0xE0, v2;
	v12 =	vld.idx.msk [tilespmem:v0+s2+$0x0], $0xffff  }
0x133: {  	v15 =	vadd.s32 $0xE1, v2;
	v14 =	vld.idx.msk [tilespmem:v4+s2+$0x0], $0xffff  }
0x134: {  	v23 =	vadd.s32 $0x1, v1;
	v19 =	vld.idx.msk [tilespmem:v9+s2+$0x0], $0xffff  }
0x135: {  	v24 =	vadd.s32 $0xE0, v1;
	v20 =	vld.idx.msk [tilespmem:v10+s2+$0x0], $0xffff  }
0x136: {  	v25 =	vadd.s32 $0xE1, v1;
	v16 =	vadd.s32 $0xE0, v3;
	v21 =	vld.idx.msk [tilespmem:v11+s2+$0x0], $0xffff  }
0x137: {  	v18 =	vadd.s32 $0x1, v3;
	v6 =	vadd.s32 $0xE1, v3;
	v22 =	vld.idx.msk [tilespmem:v13+s2+$0x0], $0xffff;
	[tilespmem:$0x1FFC0] =	vst v16  }
0x138: {  	v26 =	vld.idx.msk [tilespmem:v15+s2+$0x0], $0xffff;
	[tilespmem:$0x1FFD0] =	vst v6  }
0x139: {  	v27 =	vld.idx.msk [tilespmem:v23+s2+$0x0], $0xffff  }
0x13a: {  	v28 =	vld.idx.msk [tilespmem:v24+s2+$0x0], $0xffff  }
0x13b: {  	v29 =	vld.idx.msk [tilespmem:v25+s2+$0x0], $0xffff  }
0x13c: {  	v30 =	vld.idx.msk [tilespmem:v18+s2+$0x0], $0xffff  }
0x13d: {  	v31 =	vld.idx.msk [tilespmem:v16+s2+$0x0], $0xffff  }
0x13e: {  	v32 =	vld.idx.msk [tilespmem:v6+s2+$0x0], $0xffff  }
0x13f: {  	v34 =	vld [tilespmem:s21+$0xFFFFFFE0]  }
0x140: {  	v35 =	vld [tilespmem:s22+$0xFFFFFFE0]  }
0x141: {  	v36 =	vld [tilespmem:s24+$0xFFFFFFE0]  }
0x142: {  	v37 =	vld [tilespmem:s9+$0xFFFFFFE0]  }
0x143: {  	v38 =	vld [tilespmem:s21+$0xFFFFFFF0]  }
0x144: {  	v39 =	vld [tilespmem:s22+$0xFFFFFFF0];
	v12 =	vmul.f32 v12, v17;
	v14 =	vmul.f32 v14, v7  }
0x145: {  	v40 =	vld [tilespmem:s24+$0xFFFFFFF0];
	v19 =	vmul.f32 v19, v5;
	v20 =	vmul.f32 v20, v8  }
0x146: {  	s28 =	simm.s32 $0x1BC60;
	v41 =	vld [tilespmem:s9+$0xFFFFFFF0]  }
0x147: {  	s14 =	simm.s32 $0x1C2E0;
	v45 =	vld [tilespmem:s28+$0x10];
	v12 =	vadd.f32 v14, v12;
	v14 =	vadd.f32 v20, v19  }
0x148: {  	v55 =	vld [tilespmem:s14+$0x10]  }
0x149: {  	v19 =	vld.idx.msk [tilespmem:v1+s2+$0x0], $0xffff;
	v12 =	vadd.f32 v14, v12  }
0x14a: {  	s10 =	simm.s32 $0x1D620;
	v14 =	vld.idx.msk [tilespmem:v2+s2+$0x0], $0xffff  }
0x14b: {  	v20 =	vmul.f32 v26, v37;
	v26 =	vld.idx.msk [tilespmem:v3+s2+$0x0], $0xffff;
	[tilespmem:s10+$0x10] =	vst v12  }
0x14c: {  	v12 =	vld.idx.msk [tilespmem:v0+s13+$0x0], $0xffff  }
0x14d: {  	v33 =	vld.idx.msk [tilespmem:v4+s13+$0x0], $0xffff  }
0x14e: {  	v4 =	vmul.f32 v21, v35;
	v9 =	vld.idx.msk [tilespmem:v9+s13+$0x0], $0xffff  }
0x14f: {  	v10 =	vld.idx.msk [tilespmem:v10+s13+$0x0], $0xffff;
	v0 =	vmul.f32 v14, v34;
	v14 =	vmul.f32 v22, v36  }
0x150: {  	v21 =	vld [tilespmem:s21+$0x0]  }
0x151: {  	v22 =	vld [tilespmem:s22+$0x0];
	v0 =	vadd.f32 v4, v0;
	v4 =	vadd.f32 v20, v14  }
0x152: {  	v20 =	vld [tilespmem:s24+$0x0]  }
0x153: {  	v14 =	vmul.f32 v19, v38;
	v19 =	vld [tilespmem:s9+$0x0];
	s24 =	simm.s32 $0x1AF60;
	v0 =	vadd.f32 v4, v0  }
0x154: {  	v27 =	vmul.f32 v27, v39;
	v28 =	vmul.f32 v28, v40;
	v42 =	vld [tilespmem:s24+$0x10]  }
0x155: {  	v8 =	vmul.f32 v10, v8;
	v10 =	vld [tilespmem:s28+$0xFFFFFFE0];
	v4 =	vmul.f32 v29, v41;
	[tilespmem:s10+$0xFFFFFFE0] =	vst v0  }
0x156: {  	v14 =	vadd.f32 v27, v14;
	v27 =	vld.idx.msk [tilespmem:v2+s13+$0x0], $0xffff  }
0x157: {  	v0 =	vadd.f32 v4, v28;
	v28 =	vld.idx.msk [tilespmem:v11+s13+$0x0], $0xffff  }
0x158: {  	s26 =	simm.s32 $0x18EE0;
	v15 =	vld.idx.msk [tilespmem:v15+s13+$0x0], $0xffff  }
0x159: {  	v11 =	vld [tilespmem:s26+$0x10];
	v0 =	vadd.f32 v0, v14  }
0x15a: {  	v2 =	vmul.f32 v30, v22;
	v30 =	vld [tilespmem:s26+$0xFFFFFFE0]  }
0x15b: {  	v4 =	vmul.f32 v32, v19;
	v14 =	vld.idx.msk [tilespmem:v13+s13+$0x0], $0xffff;
	[tilespmem:s10+$0xFFFFFFF0] =	vst v0  }
0x15c: {  	v0 =	vmul.f32 v26, v21;
	v26 =	vld.idx.msk [tilespmem:v1+s13+$0x0], $0xffff;
	v1 =	vmul.f32 v31, v20  }
0x15d: {  	v29 =	vld.idx.msk [tilespmem:v23+s13+$0x0], $0xffff  }
0x15e: {  	v24 =	vld.idx.msk [tilespmem:v24+s13+$0x0], $0xffff;
	v0 =	vadd.f32 v2, v0;
	v13 =	vadd.s32 $0x1, v11;
	v1 =	vadd.f32 v4, v1  }
0x15f: {  	v23 =	vld [tilespmem:s26+$0xFFFFFFF0];
	v32 =	vadd.s32 $0xE0, v11  }
0x160: {  	v43 =	vadd.s32 $0xE1, v11;
	v1 =	vadd.f32 v1, v0;
	v0 =	vld [tilespmem:s26+$0x0]  }
0x161: {  	s26 =	simm.s32 $0x1B5E0;
	v47 =	vld.idx.msk [tilespmem:v11+s2+$0x0], $0xffff  }
0x162: {  	v44 =	vld [tilespmem:s26+$0x10]  }
0x163: {  	v5 =	vmul.f32 v9, v5;
	v49 =	vld.idx.msk [tilespmem:v13+s2+$0x0], $0xffff  }
0x164: {  	v46 =	vadd.s32 $0x1, v30;
	v51 =	vld.idx.msk [tilespmem:v32+s2+$0x0], $0xffff  }
0x165: {  	v5 =	vadd.f32 v8, v5;
	v48 =	vadd.s32 $0xE0, v30;
	v53 =	vld.idx.msk [tilespmem:v43+s2+$0x0], $0xffff  }
0x166: {  	v25 =	vld.idx.msk [tilespmem:v25+s13+$0x0], $0xffff;
	v50 =	vadd.s32 $0xE1, v30;
	v8 =	vmul.f32 v27, v34;
	v9 =	vmul.f32 v28, v35  }
0x167: {  	v27 =	vmul.f32 v14, v36;
	v14 =	vld [tilespmem:s28+$0xFFFFFFF0]  }
0x168: {  	v28 =	vadd.f32 v9, v8;
	v8 =	vld [tilespmem:s14+$0xFFFFFFF0]  }
0x169: {  	v52 =	vadd.s32 $0x1, v23;
	v56 =	vld.idx.msk [tilespmem:v46+s2+$0x0], $0xffff;
	v47 =	vmul.f32 v47, v42;
	v49 =	vmul.f32 v49, v44  }
0x16a: {  	v54 =	vadd.s32 $0xE0, v23;
	v57 =	vld.idx.msk [tilespmem:v48+s2+$0x0], $0xffff;
	v51 =	vmul.f32 v51, v45;
	v53 =	vmul.f32 v53, v55  }
0x16b: {  	v26 =	vmul.f32 v26, v38;
	v9 =	vmul.f32 v29, v39;
	[tilespmem:s10+$0x0] =	vst v1;
	v58 =	vld.idx.msk [tilespmem:v50+s2+$0x0], $0xffff  }
0x16c: {  	v31 =	vld.idx.msk [tilespmem:v3+s13+$0x0], $0xffff;
	v47 =	vadd.f32 v49, v47;
	v63 =	vadd.f32 v53, v51  }
0x16d: {  	v26 =	vadd.f32 v9, v26;
	v9 =	vld [tilespmem:s24+$0x0]  }
0x16e: {  	v59 =	vld.idx.msk [tilespmem:v52+s2+$0x0], $0xffff;
	v47 =	vadd.f32 v63, v47  }
0x16f: {  	s30 =	simm.s32 $0x1D660;
	v60 =	vld.idx.msk [tilespmem:v54+s2+$0x0], $0xffff  }
0x170: {  	v49 =	vld.idx.msk [tilespmem:v30+s2+$0x0], $0xffff;
	[tilespmem:s30+$0x10] =	vst v47  }
0x171: {  	v4 =	vadd.s32 $0xE1, v23;
	v47 =	vld.idx.msk [tilespmem:v11+s13+$0x0], $0xffff  }
0x172: {  	v6 =	vld.idx.msk [tilespmem:v13+s13+$0x0], $0xffff  }
0x173: {  	v7 =	vmul.f32 v33, v7;
	v11 =	vmul.f32 v12, v17;
	v17 =	vld [tilespmem:s24+$0xFFFFFFE0]  }
0x174: {  	v13 =	vld [tilespmem:s26+$0xFFFFFFE0]  }
0x175: {  	v7 =	vadd.f32 v7, v11;
	v11 =	vld [tilespmem:s14+$0xFFFFFFE0]  }
0x176: {  	v3 =	vadd.s32 $0x1, v0;
	v61 =	vld.idx.msk [tilespmem:v4+s2+$0x0], $0xffff  }
0x177: {  	v24 =	vmul.f32 v24, v40;
	v2 =	vadd.s32 $0xE0, v0;
	v16 =	vld.idx.msk [tilespmem:v0+s2+$0x0], $0xffff  }
0x178: {  	v1 =	vadd.s32 $0xE1, v0;
	v63 =	vld.idx.msk [tilespmem:v23+s2+$0x0], $0xffff;
	v7 =	vadd.f32 v5, v7;
	v5 =	vmul.f32 v15, v37  }
0x179: {  	v57 =	vmul.f32 v57, v10;
	v12 =	vld [tilespmem:s24+$0xFFFFFFF0];
	v56 =	vmul.f32 v56, v13  }
0x17a: {  	v15 =	vld [tilespmem:s26+$0xFFFFFFF0];
	v5 =	vadd.f32 v5, v27;
	v27 =	vmul.f32 v49, v17;
	v40 =	vmul.f32 v58, v11  }
0x17b: {  	v25 =	vmul.f32 v25, v41;
	v62 =	vld.idx.msk [tilespmem:v3+s2+$0x0], $0xffff;
	v41 =	vmul.f32 v47, v42  }
0x17c: {  	v51 =	vld.idx.msk [tilespmem:v2+s2+$0x0], $0xffff;
	v42 =	vmul.f32 v6, v44;
	v27 =	vadd.f32 v56, v27;
	v44 =	vadd.f32 v40, v57  }
0x17d: {  	v53 =	vld.idx.msk [tilespmem:v1+s2+$0x0], $0xffff  }
0x17e: {  	s19 =	simm.s32 $0x1DCA0;
	v25 =	vadd.f32 v25, v24;
	v32 =	vld.idx.msk [tilespmem:v32+s13+$0x0], $0xffff;
	v27 =	vadd.f32 v44, v27  }
0x17f: {  	v43 =	vld.idx.msk [tilespmem:v43+s13+$0x0], $0xffff;
	v24 =	vmul.f32 v63, v12;
	[tilespmem:s19+$0x10] =	vst v7;
	v47 =	vmul.f32 v59, v15  }
0x180: {  	v58 =	vld [tilespmem:$0x1FFC0];
	[tilespmem:s30+$0xFFFFFFE0] =	vst v27  }
0x181: {  	v33 =	vadd.f32 v47, v24;
	v24 =	vld [tilespmem:$0x1FFD0]  }
0x182: {  	v6 =	vld [tilespmem:s28+$0x0]  }
0x183: {  	v7 =	vld [tilespmem:s14+$0x0]  }
0x184: {  	v28 =	vadd.f32 v5, v28;
	v5 =	vld [tilespmem:s26+$0x0]  }
0x185: {  	v49 =	vmul.f32 v60, v14;
	v56 =	vmul.f32 v61, v8  }
0x186: {  	v18 =	vld.idx.msk [tilespmem:v18+s13+$0x0], $0xffff  }
0x187: {  	v16 =	vmul.f32 v16, v9;
	v32 =	vmul.f32 v32, v45;
	v27 =	vadd.f32 v56, v49;
	v30 =	vld.idx.msk [tilespmem:v30+s13+$0x0], $0xffff  }
0x188: {  	v63 =	vadd.f32 v25, v26;
	v57 =	vmul.f32 v43, v55;
	v61 =	vmul.f32 v51, v6;
	v36 =	vld.idx.msk [tilespmem:v58+s13+$0x0], $0xffff  }
0x189: {  	v60 =	vmul.f32 v62, v5;
	v62 =	vmul.f32 v53, v7;
	v27 =	vadd.f32 v27, v33;
	v59 =	vld.idx.msk [tilespmem:v24+s13+$0x0], $0xffff  }
0x18a: {  	v35 =	vadd.f32 v42, v41;
	v32 =	vadd.f32 v57, v32;
	v25 =	vld.idx.msk [tilespmem:v48+s13+$0x0], $0xffff  }
0x18b: {  	v34 =	vadd.f32 v60, v16;
	[tilespmem:s30+$0xFFFFFFF0] =	vst v27;
	v27 =	vadd.f32 v62, v61;
	v24 =	vld.idx.msk [tilespmem:v46+s13+$0x0], $0xffff  }
0x18c: {  	s31 =	simm.s32 $0x19480;
	v31 =	vmul.f32 v31, v21;
	v22 =	vmul.f32 v18, v22;
	[tilespmem:s19+$0xFFFFFFE0] =	vst v28;
	v26 =	vld.idx.msk [tilespmem:v50+s13+$0x0], $0xffff  }
0x18d: {  	s11 =	simm.s32 $0x1C880;
	s12 =	simm.s32 $0x1C200;
	s15 =	simm.s32 $0x1BB80;
	v32 =	vadd.f32 v32, v35;
	[tilespmem:s19+$0xFFFFFFF0] =	vst v63;
	v21 =	vld.idx.msk [tilespmem:v23+s13+$0x0], $0xffff;
	v23 =	vadd.f32 v27, v34  }
0x18e: {  	s16 =	simm.s32 $0x1B500;
	s17 =	simm.s32 $0x1E280;
	s20 =	simm.s32 $0x1DCE0;
	v18 =	vld.idx.msk [tilespmem:v52+s13+$0x0], $0xffff;
	v16 =	vmul.f32 v36, v20;
	v20 =	vadd.f32 v22, v31;
	v22 =	vmul.f32 v59, v19  }
0x18f: {  	s18 =	simm.s32 $0x1DC00;
	s21 =	simm.s32 $0x40;
	s22 =	simm.s32 $0x18F20;
	[tilespmem:s20+$0x10] =	vst v32;
	v19 =	vmul.f32 v30, v17;
	v17 =	vld.idx.msk [tilespmem:v54+s13+$0x0], $0xffff  }
.LBB2_7:
0x190: {  	v27 =	vld [tilespmem:s22+$0x10];
	v13 =	vmul.f32 v24, v13;
	[tilespmem:s30+$0x0] =	vst v23;
	v22 =	vadd.f32 v22, v16  }
0x191: {  	v10 =	vmul.f32 v25, v10;
	v16 =	vld [tilespmem:s22+$0xFFFFFFF0]  }
0x192: {  	v11 =	vmul.f32 v26, v11;
	v23 =	vld [tilespmem:s22+$0x0];
	v13 =	vadd.f32 v13, v19;
	v20 =	vadd.f32 v22, v20  }
0x193: {  	v12 =	vmul.f32 v21, v12;
	v19 =	vld [tilespmem:s22+$0xFFFFFFE0]  }
0x194: {  	v10 =	vadd.f32 v11, v10;
	v15 =	vmul.f32 v18, v15;
	v11 =	vld.idx.msk [tilespmem:v4+s13+$0x0], $0xffff;
	[tilespmem:s19+$0x0] =	vst v20;
	s19 =	smov.u32 s20  }
0x195: {  	s21 =	sadd.s32 $0x40, s21;
	s24 =	sadd.s32 $0x40, s24;
	v14 =	vmul.f32 v17, v14;
	v24 =	vadd.s32 $0x1, v27;
	v22 =	vld.idx.msk [tilespmem:v0+s13+$0x0], $0xffff  }
0x196: {  	s26 =	sadd.s32 $0x40, s26;
	p0 =	slt.u32 s21, $0x5C0;
	v25 =	vadd.s32 $0xE0, v27;
	v18 =	vadd.s32 $0x1, v16;
	v17 =	vadd.s32 $0xE0, v16;
	v26 =	vld [tilespmem:s24+$0x10]  }
0x197: {  	s28 =	sadd.s32 $0x40, s28;
	v29 =	vadd.s32 $0xE1, v27;
	v4 =	vadd.s32 $0xE1, v16;
	v28 =	vadd.s32 $0x1, v23;
	v30 =	vld [tilespmem:s26+$0x10];
	v0 =	vmovc v23  }
0x198: {  	v23 =	vadd.s32 $0x1, v19;
	v21 =	vadd.s32 $0xE0, v19;
	v20 =	vadd.s32 $0xE1, v19;
	v31 =	vld [tilespmem:s28+$0x10]  }
0x199: {  	v12 =	vadd.f32 v15, v12;
	v32 =	vadd.s32 $0xE0, v0;
	v33 =	vadd.s32 $0xE1, v0;
	v34 =	vld.idx.msk [tilespmem:v27+s2+$0x0], $0xffff  }
0x19a: {  	v10 =	vadd.f32 v10, v13;
	v8 =	vmul.f32 v11, v8;
	v15 =	vld.idx.msk [tilespmem:v24+s2+$0x0], $0xffff  }
0x19b: {  	v22 =	vmul.f32 v22, v9;
	v11 =	vld.idx.msk [tilespmem:v25+s2+$0x0], $0xffff  }
0x19c: {  	s14 =	sadd.s32 $0x40, s14;
	v8 =	vadd.f32 v8, v14;
	v9 =	vld.idx.msk [tilespmem:v29+s2+$0x0], $0xffff;
	[tilespmem:s20+$0xFFFFFFE0] =	vst v10  }
0x19d: {  	v14 =	vld [tilespmem:s14+$0x10]  }
0x19e: {  	v8 =	vadd.f32 v8, v12;
	v35 =	vld.idx.msk [tilespmem:v23+s2+$0x0], $0xffff  }
0x19f: {  	v36 =	vld.idx.msk [tilespmem:v21+s2+$0x0], $0xffff  }
0x1a0: {  	v37 =	vld.idx.msk [tilespmem:v20+s2+$0x0], $0xffff;
	[tilespmem:s20+$0xFFFFFFF0] =	vst v8  }
0x1a1: {  	v10 =	vmul.f32 v15, v30;
	v8 =	vmul.f32 v34, v26;
	v38 =	vld.idx.msk [tilespmem:v18+s2+$0x0], $0xffff  }
0x1a2: {  	v11 =	vmul.f32 v11, v31;
	v34 =	vld.idx.msk [tilespmem:v17+s2+$0x0], $0xffff;
	v9 =	vmul.f32 v9, v14  }
0x1a3: {  	v39 =	vld.idx.msk [tilespmem:v4+s2+$0x0], $0xffff  }
0x1a4: {  	v8 =	vadd.f32 v10, v8;
	v40 =	vld.idx.msk [tilespmem:v28+s2+$0x0], $0xffff;
	v9 =	vadd.f32 v9, v11  }
0x1a5: {  	v41 =	vld.idx.msk [tilespmem:v32+s2+$0x0], $0xffff  }
0x1a6: {  	v42 =	vld.idx.msk [tilespmem:v33+s2+$0x0], $0xffff;
	v8 =	vadd.f32 v9, v8  }
0x1a7: {  	s30 =	sadd.s32 $0x40, s30;
	v9 =	vld.idx.msk [tilespmem:v19+s2+$0x0], $0xffff  }
0x1a8: {  	v43 =	vld.idx.msk [tilespmem:v16+s2+$0x0], $0xffff;
	[tilespmem:s30+$0x10] =	vst v8  }
0x1a9: {  	v8 =	vld.idx.msk [tilespmem:v27+s13+$0x0], $0xffff  }
0x1aa: {  	v12 =	vld.idx.msk [tilespmem:v24+s13+$0x0], $0xffff  }
0x1ab: {  	v15 =	vld.idx.msk [tilespmem:v25+s13+$0x0], $0xffff  }
0x1ac: {  	v24 =	vld.idx.msk [tilespmem:v29+s13+$0x0], $0xffff  }
0x1ad: {  	v25 =	vld.idx.msk [tilespmem:v0+s2+$0x0], $0xffff  }
0x1ae: {  	v27 =	vld [tilespmem:s24+$0xFFFFFFE0]  }
0x1af: {  	v13 =	vld [tilespmem:s26+$0xFFFFFFE0]  }
0x1b0: {  	v10 =	vld [tilespmem:s28+$0xFFFFFFE0]  }
0x1b1: {  	v8 =	vmul.f32 v8, v26;
	v26 =	vmul.f32 v12, v30;
	v11 =	vld [tilespmem:s14+$0xFFFFFFE0]  }
0x1b2: {  	v29 =	vmul.f32 v15, v31;
	v24 =	vmul.f32 v24, v14;
	v12 =	vld [tilespmem:s24+$0xFFFFFFF0]  }
0x1b3: {  	v9 =	vmul.f32 v9, v27;
	v15 =	vld [tilespmem:s26+$0xFFFFFFF0]  }
0x1b4: {  	v26 =	vadd.f32 v26, v8;
	v24 =	vadd.f32 v24, v29;
	v30 =	vmul.f32 v35, v13;
	v14 =	vld [tilespmem:s28+$0xFFFFFFF0]  }
0x1b5: {  	v29 =	vmul.f32 v36, v10;
	v8 =	vld [tilespmem:s14+$0xFFFFFFF0]  }
0x1b6: {  	v24 =	vadd.f32 v24, v26;
	v30 =	vadd.f32 v30, v9;
	v31 =	vmul.f32 v37, v11;
	v9 =	vld [tilespmem:s24+$0x0]  }
0x1b7: {  	s20 =	sadd.s32 $0x40, s20;
	v26 =	vmul.f32 v43, v12;
	v35 =	vld [tilespmem:s26+$0x0]  }
0x1b8: {  	s1 =	simm.s32 $0x5F0;
	v29 =	vadd.f32 v31, v29;
	v31 =	vmul.f32 v38, v15;
	v36 =	vld [tilespmem:s28+$0x0];
	[tilespmem:s20+$0x10] =	vst v24  }
0x1b9: {  	v24 =	vmul.f32 v34, v14;
	v34 =	vld [tilespmem:s14+$0x0]  }
0x1ba: {  	v29 =	vadd.f32 v29, v30;
	v26 =	vadd.f32 v31, v26;
	v30 =	vmul.f32 v39, v8;
	v31 =	vld.idx.msk [tilespmem:v3+s13+$0x0], $0xffff  }
0x1bb: {  	v3 =	vmov v28;
	v25 =	vmul.f32 v25, v9;
	v37 =	vld.idx.msk [tilespmem:v2+s13+$0x0], $0xffff;
	v2 =	vmov v32  }
0x1bc: {  	[tilespmem:s30+$0xFFFFFFE0] =	vst v29;
	v28 =	vadd.f32 v30, v24;
	v29 =	vmul.f32 v40, v35;
	v30 =	vld.idx.msk [tilespmem:v1+s13+$0x0], $0xffff;
	v1 =	vmov v33  }
0x1bd: {  	v19 =	vld.idx.msk [tilespmem:v19+s13+$0x0], $0xffff;
	v32 =	vmul.f32 v41, v36  }
0x1be: {  	v24 =	vld.idx.msk [tilespmem:v23+s13+$0x0], $0xffff;
	v23 =	vadd.f32 v28, v26;
	v28 =	vadd.f32 v29, v25;
	v29 =	vmul.f32 v42, v34  }
.Ltmp2:
0x1bf: {  	v25 =	vld.idx.msk [tilespmem:v21+s13+$0x0], $0xffff;
	(pc) =	sbr.rel @p0 .LBB2_7-.Ltmp2, $4  }
0x1c0: {  	v26 =	vld.idx.msk [tilespmem:v20+s13+$0x0], $0xffff;
	[tilespmem:s30+$0xFFFFFFF0] =	vst v23;
	v20 =	vadd.f32 v29, v32;
	v29 =	vmul.f32 v31, v5;
	v5 =	vmov v35  }
0x1c1: {  	v21 =	vld.idx.msk [tilespmem:v16+s13+$0x0], $0xffff;
	v16 =	vmul.f32 v37, v6;
	v6 =	vmov v36  }
0x1c2: {  	v18 =	vld.idx.msk [tilespmem:v18+s13+$0x0], $0xffff;
	v23 =	vadd.f32 v20, v28;
	v20 =	vadd.f32 v29, v22;
	v22 =	vmul.f32 v30, v7  }
0x1c3: {  	s22 =	sadd.s32 $0x40, s22;
	v19 =	vmul.f32 v19, v27;
	v7 =	vmov v34;
	v17 =	vld.idx.msk [tilespmem:v17+s13+$0x0], $0xffff  }
0x1c4: {  	_ =	sdelay $0x3  }
0x1c5: {  	[tilespmem:s30+$0x0] =	vst v23;
	v4 =	vld.idx.msk [tilespmem:v4+s13+$0x0], $0xffff  }
0x1c6: {  	v0 =	vld.idx.msk [tilespmem:v0+s13+$0x0], $0xffff  }
0x1c7: {  	v3 =	vld.idx.msk [tilespmem:v3+s13+$0x0], $0xffff  }
0x1c8: {  	v2 =	vld.idx.msk [tilespmem:v2+s13+$0x0], $0xffff  }
0x1c9: {  	v13 =	vmul.f32 v24, v13;
	v1 =	vld.idx.msk [tilespmem:v1+s13+$0x0], $0xffff  }
0x1ca: {  	v16 =	vadd.f32 v22, v16;
	v10 =	vmul.f32 v25, v10;
	v11 =	vmul.f32 v26, v11  }
0x1cb: {  	v13 =	vadd.f32 v13, v19;
	v12 =	vmul.f32 v21, v12;
	v15 =	vmul.f32 v18, v15  }
0x1cc: {  	v16 =	vadd.f32 v16, v20;
	v14 =	vmul.f32 v17, v14;
	v4 =	vmul.f32 v4, v8  }
0x1cd: {  	v60 =	vadd.f32 v11, v10;
	v0 =	vmul.f32 v0, v9;
	v3 =	vmul.f32 v3, v5  }
0x1ce: {  	v61 =	vadd.f32 v15, v12;
	v2 =	vmul.f32 v2, v6;
	v1 =	vmul.f32 v1, v7  }
0x1cf: {  	v62 =	vadd.f32 v60, v13;
	v4 =	vadd.f32 v4, v14  }
0x1d0: {  	v0 =	vadd.f32 v3, v0;
	v1 =	vadd.f32 v1, v2  }
0x1d1: {  	[tilespmem:s19+$0x0] =	vst v16;
	v63 =	vadd.f32 v4, v61  }
0x1d2: {  	[tilespmem:s20+$0xFFFFFFE0] =	vst v62;
	v0 =	vadd.f32 v1, v0  }
0x1d3: {  	[tilespmem:s20+$0xFFFFFFF0] =	vst v63  }
0x1d4: {  	[tilespmem:s20+$0x0] =	vst v0  }
.LBB2_9:
0x1d5: {  	v0 =	vld [tilespmem:s31+$0x0];
	_ =	sdelay $0x4  }
0x1d6: {  	v2 =	vld [tilespmem:s16+$0x0];
	v1 =	vadd.s32 $0x1, v0  }
0x1d7: {  	v4 =	vld [tilespmem:s15+$0x0];
	v3 =	vadd.s32 $0xE0, v0  }
0x1d8: {  	v6 =	vld [tilespmem:s12+$0x0];
	v5 =	vadd.s32 $0xE1, v0  }
0x1d9: {  	v7 =	vld [tilespmem:s11+$0x0]  }
0x1da: {  	v8 =	vld.idx.msk [tilespmem:v0+s2+$0x0], $0xffff  }
0x1db: {  	v9 =	vld.idx.msk [tilespmem:v1+s2+$0x0], $0xffff  }
0x1dc: {  	v10 =	vld.idx.msk [tilespmem:v3+s2+$0x0], $0xffff  }
0x1dd: {  	v11 =	vld.idx.msk [tilespmem:v5+s2+$0x0], $0xffff;
	_ =	sdelay $0x3  }
0x1de: {  	v8 =	vmul.f32 v8, v2;
	v9 =	vmul.f32 v9, v4  }
0x1df: {  	v10 =	vmul.f32 v10, v6;
	v11 =	vmul.f32 v11, v7;
	_ =	sdelay $0x1  }
0x1e0: {  	v8 =	vadd.f32 v9, v8;
	v60 =	vadd.f32 v11, v10;
	_ =	sdelay $0x1  }
0x1e1: {  	v8 =	vadd.f32 v60, v8;
	_ =	sdelay $0x1  }
0x1e2: {  	[tilespmem:s18+$0x0] =	vst v8  }
0x1e3: {  	v0 =	vld.idx.msk [tilespmem:v0+s13+$0x0], $0xffff  }
0x1e4: {  	v1 =	vld.idx.msk [tilespmem:v1+s13+$0x0], $0xffff  }
0x1e5: {  	v3 =	vld.idx.msk [tilespmem:v3+s13+$0x0], $0xffff  }
0x1e6: {  	v5 =	vld.idx.msk [tilespmem:v5+s13+$0x0], $0xffff;
	_ =	sdelay $0x3  }
0x1e7: {  	v0 =	vmul.f32 v0, v2;
	v1 =	vmul.f32 v1, v4  }
0x1e8: {  	s1 =	sadd.s32 $0x10, s1;
	v61 =	vmul.f32 v3, v6;
	v62 =	vmul.f32 v5, v7  }
0x1e9: {  	p0 =	slt.u32 s1, $0x610  }
.Ltmp3:
0x1ea: {  	v0 =	vadd.f32 v1, v0;
	v63 =	vadd.f32 v62, v61;
	(pc) =	sbr.rel @p0 .LBB2_9-.Ltmp3, $4  }
0x1eb: {  	_ = 	snop  }
0x1ec: {  	s11 =	sadd.s32 $0x10, s11;
	v0 =	vadd.f32 v63, v0  }
0x1ed: {  	s12 =	sadd.s32 $0x10, s12;
	s15 =	sadd.s32 $0x10, s15;
	s16 =	sadd.s32 $0x10, s16  }
0x1ee: {  	s31 =	sadd.s32 $0x10, s31;
	s18 =	sadd.s32 $0x10, s18;
	[tilespmem:s17+$0x0] =	vst v0;
	s17 =	sadd.s32 $0x10, s17  }
0x1ef: {  	s1 =	rddreg [dreg:$0x7]  }
0x1f0: {  	s3 =	simm.s32 $0x1D600;
	s9 =	rddreg [dreg:$0xb]  }
0x1f1: {  	s18 =	rddreg [dreg:$0x5];
	s1 =	sadd.s32 s23, s1;
	s17 =	sadd.s32 $0xCA20, s9  }
0x1f2: {  	[hbm4b:s1+s2] =	stream.linear.scatter [tilespmem:s3], [sflag:$0x5], $0x620, $0x38;
	[tilespmem:$0x1E300] =	vst v63  }
0x1f3: {  	s20 =	rddreg [dreg:$0xd];
	s1 =	sshrl.u32 s17, $0x3  }
0x1f4: {  	s19 =	simm.s32 $0x1DC80;
	s11 =	sadd.s32 $0x1260, s20;
	s1 =	sadd.s32 s18, s1  }
0x1f5: {  	[hbm4b:s1+s2] =	stream.linear.scatter [tilespmem:s19], [sflag:$0x5], $0x620, $0x38;
	[tilespmem:$0x1E300] =	vst v63  }
0x1f6: {  	s21 =	rddreg [dreg:$0x3];
	s1 =	sshrl.u32 s11, $0x3  }
0x1f7: {  	s5 =	simm.s32 $0x18E80;
	s22 =	rddreg [dreg:$0x4];
	s3 =	sadd.s32 s21, s1  }
0x1f8: {  	[tilespmem:s5], [sflag:$0x3] =	stream.linear.gather [hbm4b:s3+s2], $0x620, $0x38;
	[tilespmem:$0x1E300] =	vst v63  }
0x1f9: {  	s23 =	simm.s32 $0x1AF00;
	s3 =	sadd.s32 s22, s1  }
0x1fa: {  	[tilespmem:s23], [sflag:$0x3] =	stream.linear.gather [hbm4b:s3+s2], $0x620, $0x38;
	[tilespmem:$0x1E300] =	vst v63  }
0x1fb: {  	s26 =	simm.s32 $0x1B580;
	s24 =	sadd.s32 s6, s1  }
0x1fc: {  	[tilespmem:s26], [sflag:$0x3] =	stream.linear.gather [hbm4b:s24+s2], $0x620, $0x38;
	[tilespmem:$0x1E300] =	vst v63  }
0x1fd: {  	s30 =	simm.s32 $0x1BC00;
	s31 =	simm.s32 $0x1C280;
	s28 =	sadd.s32 s7, s1  }
0x1fe: {  	[tilespmem:s30], [sflag:$0x3] =	stream.linear.gather [hbm4b:s28+s2], $0x620, $0x38;
	[tilespmem:$0x1E300] =	vst v63  }
0x1ff: {  	s12 =	simm.s32 $0x1;
	s1 =	sadd.s32 s8, s1;
	s24 =	sor.u32 $0x620, s9  }
0x200: {  	[tilespmem:s31], [sflag:$0x3] =	stream.linear.gather [hbm4b:s1+s2], $0x620, $0x38;
	[tilespmem:$0x1E300] =	vst v63  }
.LBB2_11:
0x201: {  	_ =	swait.ge [sflag:s25], $0x620  }
0x202: {  	[sflag:s25] =	ssyncset.done $0x0  }
0x203: {  	[sflag:s25] =	ssyncadd.s32 $0xFFFFF9E0  }
0x204: {  	_ =	swait.ge [sflag:s25], $0x620  }
0x205: {  	[sflag:s25] =	ssyncset.done $0x0  }
0x206: {  	[sflag:s25] =	ssyncadd.s32 $0xFFFFF9E0  }
0x207: {  	_ =	swait.ge [sflag:s25], $0x620  }
0x208: {  	[sflag:s25] =	ssyncset.done $0x0  }
0x209: {  	[sflag:s25] =	ssyncadd.s32 $0xFFFFF9E0  }
0x20a: {  	_ =	swait.ge [sflag:s25], $0x620  }
0x20b: {  	[sflag:s25] =	ssyncset.done $0x0  }
0x20c: {  	[sflag:s25] =	ssyncadd.s32 $0xFFFFF9E0  }
0x20d: {  	_ =	swait.ge [sflag:s25], $0x620  }
0x20e: {  	[sflag:s25] =	ssyncset.done $0x0  }
0x20f: {  	[sflag:s25] =	ssyncadd.s32 $0xFFFFF9E0  }
0x210: {  	_ =	swait.ge [sflag:s0], $0x620  }
0x211: {  	[sflag:s0] =	ssyncset.done $0x0  }
0x212: {  	[sflag:s0] =	ssyncadd.s32 $0xFFFFF9E0  }
0x213: {  	_ =	swait.ge [sflag:s0], $0x620  }
0x214: {  	[sflag:s0] =	ssyncset.done $0x0  }
0x215: {  	s1 =	simm.s32 $0x18820;
	[sflag:s0] =	ssyncadd.s32 $0xFFFFF9E0  }
0x216: {  	v0 =	vld [tilespmem:s1+$0x10];
	_ =	sdelay $0x1  }
0x217: {  	v1 =	vld [tilespmem:s1+$0xFFFFFFF0]  }
0x218: {  	v2 =	vld [tilespmem:s1+$0xFFFFFFE0]  }
0x219: {  	s3 =	simm.s32 $0x19520;
	v3 =	vld [tilespmem:s1+$0x0]  }
0x21a: {  	s5 =	simm.s32 $0x19BA0;
	v17 =	vld [tilespmem:s3+$0x10];
	v4 =	vadd.s32 $0x1, v0  }
0x21b: {  	s26 =	simm.s32 $0x1A220;
	v7 =	vld [tilespmem:s5+$0x10];
	v9 =	vadd.s32 $0xE0, v0  }
0x21c: {  	s9 =	simm.s32 $0x1A8A0;
	v5 =	vld [tilespmem:s26+$0x10];
	v10 =	vadd.s32 $0xE1, v0  }
0x21d: {  	v8 =	vld [tilespmem:s9+$0x10];
	v11 =	vadd.s32 $0x1, v2  }
0x21e: {  	v14 =	vadd.s32 $0xE0, v2;
	v12 =	vld.idx.msk [tilespmem:v0+s2+$0x0], $0xffff  }
0x21f: {  	v16 =	vadd.s32 $0xE1, v2;
	v15 =	vld.idx.msk [tilespmem:v4+s2+$0x0], $0xffff  }
0x220: {  	v23 =	vadd.s32 $0x1, v1;
	v19 =	vld.idx.msk [tilespmem:v9+s2+$0x0], $0xffff  }
0x221: {  	v24 =	vadd.s32 $0xE0, v1;
	v20 =	vld.idx.msk [tilespmem:v10+s2+$0x0], $0xffff  }
0x222: {  	v25 =	vadd.s32 $0xE1, v1;
	v13 =	vadd.s32 $0xE0, v3;
	v21 =	vld.idx.msk [tilespmem:v11+s2+$0x0], $0xffff  }
0x223: {  	v18 =	vadd.s32 $0x1, v3;
	v6 =	vadd.s32 $0xE1, v3;
	v22 =	vld.idx.msk [tilespmem:v14+s2+$0x0], $0xffff;
	[tilespmem:$0x1FFA0] =	vst v13  }
0x224: {  	v26 =	vld.idx.msk [tilespmem:v16+s2+$0x0], $0xffff;
	[tilespmem:$0x1FFB0] =	vst v6  }
0x225: {  	v27 =	vld.idx.msk [tilespmem:v23+s2+$0x0], $0xffff  }
0x226: {  	v28 =	vld.idx.msk [tilespmem:v24+s2+$0x0], $0xffff  }
0x227: {  	v29 =	vld.idx.msk [tilespmem:v25+s2+$0x0], $0xffff  }
0x228: {  	v30 =	vld.idx.msk [tilespmem:v18+s2+$0x0], $0xffff  }
0x229: {  	v31 =	vld.idx.msk [tilespmem:v13+s2+$0x0], $0xffff  }
0x22a: {  	v32 =	vld.idx.msk [tilespmem:v6+s2+$0x0], $0xffff  }
0x22b: {  	v34 =	vld [tilespmem:s3+$0xFFFFFFE0]  }
0x22c: {  	v35 =	vld [tilespmem:s5+$0xFFFFFFE0]  }
0x22d: {  	v36 =	vld [tilespmem:s26+$0xFFFFFFE0]  }
0x22e: {  	v37 =	vld [tilespmem:s9+$0xFFFFFFE0]  }
0x22f: {  	v38 =	vld [tilespmem:s3+$0xFFFFFFF0]  }
0x230: {  	v39 =	vld [tilespmem:s5+$0xFFFFFFF0]  }
0x231: {  	v40 =	vld [tilespmem:s26+$0xFFFFFFF0];
	v12 =	vmul.f32 v12, v17;
	v15 =	vmul.f32 v15, v7  }
0x232: {  	s28 =	simm.s32 $0x19BE0;
	v41 =	vld [tilespmem:s9+$0xFFFFFFF0];
	v19 =	vmul.f32 v19, v5;
	v20 =	vmul.f32 v20, v8  }
0x233: {  	s30 =	simm.s32 $0x1A260;
	v44 =	vld [tilespmem:s28+$0x10]  }
0x234: {  	s14 =	simm.s32 $0x1A8E0;
	v45 =	vld [tilespmem:s30+$0x10];
	v12 =	vadd.f32 v15, v12;
	v15 =	vadd.f32 v20, v19  }
0x235: {  	v55 =	vld [tilespmem:s14+$0x10]  }
0x236: {  	v19 =	vld.idx.msk [tilespmem:v1+s2+$0x0], $0xffff;
	v12 =	vadd.f32 v15, v12  }
0x237: {  	s10 =	simm.s32 $0x1C920;
	v15 =	vld.idx.msk [tilespmem:v2+s2+$0x0], $0xffff  }
0x238: {  	v20 =	vmul.f32 v26, v37;
	v26 =	vld.idx.msk [tilespmem:v3+s2+$0x0], $0xffff;
	[tilespmem:s10+$0x10] =	vst v12  }
0x239: {  	v12 =	vld.idx.msk [tilespmem:v0+s13+$0x0], $0xffff  }
0x23a: {  	v33 =	vld.idx.msk [tilespmem:v4+s13+$0x0], $0xffff  }
0x23b: {  	v4 =	vmul.f32 v21, v35;
	v9 =	vld.idx.msk [tilespmem:v9+s13+$0x0], $0xffff  }
0x23c: {  	v10 =	vld.idx.msk [tilespmem:v10+s13+$0x0], $0xffff;
	v0 =	vmul.f32 v15, v34;
	v15 =	vmul.f32 v22, v36  }
0x23d: {  	v21 =	vld [tilespmem:s5+$0x0]  }
0x23e: {  	v22 =	vld [tilespmem:s26+$0x0];
	s26 =	simm.s32 $0x19560;
	v0 =	vadd.f32 v4, v0;
	v4 =	vadd.f32 v20, v15  }
0x23f: {  	v42 =	vld [tilespmem:s26+$0x10]  }
0x240: {  	v28 =	vmul.f32 v28, v40;
	v20 =	vld [tilespmem:s3+$0x0];
	v0 =	vadd.f32 v4, v0  }
0x241: {  	v15 =	vmul.f32 v19, v38;
	v19 =	vld [tilespmem:s9+$0x0];
	v4 =	vmul.f32 v29, v41  }
0x242: {  	v27 =	vmul.f32 v27, v39;
	v8 =	vmul.f32 v10, v8;
	v10 =	vld [tilespmem:s30+$0xFFFFFFE0];
	[tilespmem:s10+$0xFFFFFFE0] =	vst v0  }
0x243: {  	s31 =	simm.s32 $0x18860;
	v0 =	vadd.f32 v4, v28;
	v28 =	vld.idx.msk [tilespmem:v11+s13+$0x0], $0xffff  }
0x244: {  	v15 =	vadd.f32 v27, v15;
	v11 =	vld [tilespmem:s31+$0x10]  }
0x245: {  	v27 =	vld.idx.msk [tilespmem:v2+s13+$0x0], $0xffff  }
0x246: {  	v16 =	vld.idx.msk [tilespmem:v16+s13+$0x0], $0xffff;
	v0 =	vadd.f32 v0, v15  }
0x247: {  	v2 =	vmul.f32 v30, v21;
	v30 =	vld [tilespmem:s31+$0xFFFFFFE0]  }
0x248: {  	v15 =	vld.idx.msk [tilespmem:v14+s13+$0x0], $0xffff;
	[tilespmem:s10+$0xFFFFFFF0] =	vst v0  }
0x249: {  	v0 =	vmul.f32 v26, v20;
	v26 =	vld.idx.msk [tilespmem:v1+s13+$0x0], $0xffff;
	v14 =	vadd.s32 $0x1, v11  }
0x24a: {  	v4 =	vmul.f32 v32, v19;
	v29 =	vld.idx.msk [tilespmem:v23+s13+$0x0], $0xffff;
	v32 =	vadd.s32 $0xE0, v11  }
0x24b: {  	v24 =	vld.idx.msk [tilespmem:v24+s13+$0x0], $0xffff;
	v43 =	vadd.s32 $0xE1, v11  }
0x24c: {  	v23 =	vld [tilespmem:s31+$0xFFFFFFF0]  }
0x24d: {  	v5 =	vmul.f32 v9, v5;
	v47 =	vld.idx.msk [tilespmem:v11+s2+$0x0], $0xffff  }
0x24e: {  	v49 =	vld.idx.msk [tilespmem:v14+s2+$0x0], $0xffff  }
0x24f: {  	v5 =	vadd.f32 v8, v5;
	v51 =	vld.idx.msk [tilespmem:v32+s2+$0x0], $0xffff  }
0x250: {  	v1 =	vmul.f32 v31, v22;
	v0 =	vadd.f32 v2, v0;
	v46 =	vadd.s32 $0x1, v30;
	v53 =	vld.idx.msk [tilespmem:v43+s2+$0x0], $0xffff  }
0x251: {  	v25 =	vld.idx.msk [tilespmem:v25+s13+$0x0], $0xffff;
	v48 =	vadd.s32 $0xE0, v30;
	v8 =	vmul.f32 v27, v34;
	v9 =	vmul.f32 v28, v35  }
0x252: {  	v50 =	vadd.s32 $0xE1, v30;
	v1 =	vadd.f32 v4, v1;
	v27 =	vmul.f32 v15, v36;
	v15 =	vld [tilespmem:s30+$0xFFFFFFF0]  }
0x253: {  	v28 =	vadd.f32 v9, v8;
	v8 =	vld [tilespmem:s14+$0xFFFFFFF0]  }
0x254: {  	v1 =	vadd.f32 v1, v0;
	v0 =	vld [tilespmem:s31+$0x0];
	v47 =	vmul.f32 v47, v42;
	v49 =	vmul.f32 v49, v44  }
0x255: {  	v52 =	vadd.s32 $0x1, v23;
	v56 =	vld.idx.msk [tilespmem:v46+s2+$0x0], $0xffff;
	v51 =	vmul.f32 v51, v45;
	v53 =	vmul.f32 v53, v55  }
0x256: {  	v26 =	vmul.f32 v26, v38;
	v9 =	vmul.f32 v29, v39;
	v57 =	vld.idx.msk [tilespmem:v48+s2+$0x0], $0xffff  }
0x257: {  	[tilespmem:s10+$0x0] =	vst v1;
	v58 =	vld.idx.msk [tilespmem:v50+s2+$0x0], $0xffff;
	v47 =	vadd.f32 v49, v47;
	v63 =	vadd.f32 v53, v51  }
0x258: {  	v31 =	vld.idx.msk [tilespmem:v3+s13+$0x0], $0xffff  }
0x259: {  	v26 =	vadd.f32 v9, v26;
	v9 =	vld [tilespmem:s26+$0x0];
	v47 =	vadd.f32 v63, v47  }
0x25a: {  	s15 =	simm.s32 $0x1C960;
	v59 =	vld.idx.msk [tilespmem:v52+s2+$0x0], $0xffff  }
0x25b: {  	v49 =	vld.idx.msk [tilespmem:v30+s2+$0x0], $0xffff;
	[tilespmem:s15+$0x10] =	vst v47  }
0x25c: {  	v54 =	vadd.s32 $0xE0, v23;
	v47 =	vld.idx.msk [tilespmem:v11+s13+$0x0], $0xffff  }
0x25d: {  	v4 =	vadd.s32 $0xE1, v23;
	v6 =	vld.idx.msk [tilespmem:v14+s13+$0x0], $0xffff  }
0x25e: {  	v7 =	vmul.f32 v33, v7;
	v11 =	vmul.f32 v12, v17;
	v17 =	vld [tilespmem:s26+$0xFFFFFFE0]  }
0x25f: {  	v14 =	vld [tilespmem:s28+$0xFFFFFFE0]  }
0x260: {  	v7 =	vadd.f32 v7, v11;
	v11 =	vld [tilespmem:s14+$0xFFFFFFE0]  }
0x261: {  	v60 =	vld.idx.msk [tilespmem:v54+s2+$0x0], $0xffff  }
0x262: {  	v24 =	vmul.f32 v24, v40;
	v3 =	vadd.s32 $0x1, v0;
	v61 =	vld.idx.msk [tilespmem:v4+s2+$0x0], $0xffff  }
0x263: {  	v2 =	vadd.s32 $0xE0, v0;
	v63 =	vld.idx.msk [tilespmem:v23+s2+$0x0], $0xffff;
	v7 =	vadd.f32 v5, v7;
	v5 =	vmul.f32 v16, v37  }
0x264: {  	v1 =	vadd.s32 $0xE1, v0;
	v57 =	vmul.f32 v57, v10;
	v12 =	vld [tilespmem:s26+$0xFFFFFFF0];
	v56 =	vmul.f32 v56, v14  }
0x265: {  	v16 =	vld [tilespmem:s28+$0xFFFFFFF0];
	v5 =	vadd.f32 v5, v27;
	v27 =	vmul.f32 v49, v17;
	v40 =	vmul.f32 v58, v11  }
0x266: {  	v25 =	vmul.f32 v25, v41;
	v13 =	vld.idx.msk [tilespmem:v0+s2+$0x0], $0xffff;
	v41 =	vmul.f32 v47, v42  }
0x267: {  	v62 =	vld.idx.msk [tilespmem:v3+s2+$0x0], $0xffff;
	v42 =	vmul.f32 v6, v44;
	v27 =	vadd.f32 v56, v27;
	v44 =	vadd.f32 v40, v57  }
0x268: {  	v51 =	vld.idx.msk [tilespmem:v2+s2+$0x0], $0xffff  }
0x269: {  	s16 =	simm.s32 $0x1CFA0;
	v25 =	vadd.f32 v25, v24;
	v53 =	vld.idx.msk [tilespmem:v1+s2+$0x0], $0xffff;
	v27 =	vadd.f32 v44, v27  }
0x26a: {  	v32 =	vld.idx.msk [tilespmem:v32+s13+$0x0], $0xffff;
	v24 =	vmul.f32 v63, v12;
	[tilespmem:s16+$0x10] =	vst v7;
	v47 =	vmul.f32 v59, v16  }
0x26b: {  	v58 =	vld [tilespmem:$0x1FFA0];
	[tilespmem:s15+$0xFFFFFFE0] =	vst v27  }
0x26c: {  	v33 =	vadd.f32 v47, v24;
	v24 =	vld [tilespmem:$0x1FFB0]  }
0x26d: {  	v43 =	vld.idx.msk [tilespmem:v43+s13+$0x0], $0xffff  }
0x26e: {  	v6 =	vld [tilespmem:s30+$0x0]  }
0x26f: {  	v7 =	vld [tilespmem:s14+$0x0]  }
0x270: {  	v28 =	vadd.f32 v5, v28;
	v5 =	vld [tilespmem:s28+$0x0]  }
0x271: {  	v18 =	vld.idx.msk [tilespmem:v18+s13+$0x0], $0xffff;
	v49 =	vmul.f32 v60, v15;
	v56 =	vmul.f32 v61, v8  }
0x272: {  	v31 =	vmul.f32 v31, v20;
	v30 =	vld.idx.msk [tilespmem:v30+s13+$0x0], $0xffff  }
0x273: {  	v13 =	vmul.f32 v13, v9;
	v32 =	vmul.f32 v32, v45;
	v27 =	vadd.f32 v56, v49;
	v36 =	vld.idx.msk [tilespmem:v58+s13+$0x0], $0xffff  }
0x274: {  	v63 =	vadd.f32 v25, v26;
	v57 =	vmul.f32 v43, v55;
	v61 =	vmul.f32 v51, v6;
	v59 =	vld.idx.msk [tilespmem:v24+s13+$0x0], $0xffff  }
0x275: {  	v60 =	vmul.f32 v62, v5;
	v62 =	vmul.f32 v53, v7;
	v26 =	vld.idx.msk [tilespmem:v48+s13+$0x0], $0xffff;
	v27 =	vadd.f32 v27, v33  }
0x276: {  	v35 =	vadd.f32 v42, v41;
	v32 =	vadd.f32 v57, v32;
	[tilespmem:s16+$0xFFFFFFE0] =	vst v28;
	v24 =	vld.idx.msk [tilespmem:v46+s13+$0x0], $0xffff  }
0x277: {  	v25 =	vld.idx.msk [tilespmem:v50+s13+$0x0], $0xffff;
	v34 =	vadd.f32 v60, v13;
	[tilespmem:s15+$0xFFFFFFF0] =	vst v27;
	v27 =	vadd.f32 v62, v61  }
0x278: {  	v21 =	vmul.f32 v18, v21;
	v32 =	vadd.f32 v32, v35;
	[tilespmem:s16+$0xFFFFFFF0] =	vst v63;
	v20 =	vld.idx.msk [tilespmem:v23+s13+$0x0], $0xffff  }
0x279: {  	s17 =	simm.s32 $0x1CFE0;
	v18 =	vld.idx.msk [tilespmem:v52+s13+$0x0], $0xffff;
	v23 =	vadd.f32 v27, v34;
	v13 =	vmul.f32 v36, v22;
	v22 =	vmul.f32 v59, v19  }
0x27a: {  	s18 =	simm.s32 $0x40;
	s19 =	simm.s32 $0x188A0;
	v21 =	vadd.f32 v21, v31;
	[tilespmem:s17+$0x10] =	vst v32;
	v19 =	vmul.f32 v30, v17;
	v17 =	vld.idx.msk [tilespmem:v54+s13+$0x0], $0xffff  }
.LBB2_12:
0x27b: {  	v27 =	vld [tilespmem:s19+$0x10];
	v14 =	vmul.f32 v24, v14;
	[tilespmem:s15+$0x0] =	vst v23;
	v22 =	vadd.f32 v22, v13  }
0x27c: {  	v10 =	vmul.f32 v26, v10;
	v13 =	vld [tilespmem:s19+$0xFFFFFFF0]  }
0x27d: {  	v11 =	vmul.f32 v25, v11;
	v23 =	vld [tilespmem:s19+$0x0];
	v14 =	vadd.f32 v14, v19;
	v21 =	vadd.f32 v22, v21  }
0x27e: {  	v12 =	vmul.f32 v20, v12;
	v19 =	vld [tilespmem:s19+$0xFFFFFFE0]  }
0x27f: {  	v10 =	vadd.f32 v11, v10;
	v16 =	vmul.f32 v18, v16;
	v11 =	vld.idx.msk [tilespmem:v4+s13+$0x0], $0xffff;
	[tilespmem:s16+$0x0] =	vst v21;
	s16 =	smov.u32 s17  }
0x280: {  	s18 =	sadd.s32 $0x40, s18;
	s26 =	sadd.s32 $0x40, s26;
	v15 =	vmul.f32 v17, v15;
	v25 =	vadd.s32 $0x1, v27;
	v22 =	vld.idx.msk [tilespmem:v0+s13+$0x0], $0xffff  }
0x281: {  	s28 =	sadd.s32 $0x40, s28;
	p0 =	slt.u32 s18, $0x5C0;
	v26 =	vadd.s32 $0xE0, v27;
	v18 =	vadd.s32 $0x1, v13;
	v17 =	vadd.s32 $0xE0, v13;
	v28 =	vld [tilespmem:s26+$0x10]  }
0x282: {  	s30 =	sadd.s32 $0x40, s30;
	v29 =	vadd.s32 $0xE1, v27;
	v4 =	vadd.s32 $0xE1, v13;
	v24 =	vadd.s32 $0x1, v23;
	v30 =	vld [tilespmem:s28+$0x10];
	v0 =	vmovc v23  }
0x283: {  	v23 =	vadd.s32 $0x1, v19;
	v21 =	vadd.s32 $0xE0, v19;
	v20 =	vadd.s32 $0xE1, v19;
	v31 =	vld [tilespmem:s30+$0x10]  }
0x284: {  	v12 =	vadd.f32 v16, v12;
	v32 =	vadd.s32 $0xE0, v0;
	v33 =	vadd.s32 $0xE1, v0;
	v34 =	vld.idx.msk [tilespmem:v27+s2+$0x0], $0xffff  }
0x285: {  	v10 =	vadd.f32 v10, v14;
	v8 =	vmul.f32 v11, v8;
	v16 =	vld.idx.msk [tilespmem:v25+s2+$0x0], $0xffff  }
0x286: {  	v22 =	vmul.f32 v22, v9;
	v11 =	vld.idx.msk [tilespmem:v26+s2+$0x0], $0xffff  }
0x287: {  	s14 =	sadd.s32 $0x40, s14;
	v8 =	vadd.f32 v8, v15;
	v9 =	vld.idx.msk [tilespmem:v29+s2+$0x0], $0xffff;
	[tilespmem:s17+$0xFFFFFFE0] =	vst v10  }
0x288: {  	v15 =	vld [tilespmem:s14+$0x10]  }
0x289: {  	v8 =	vadd.f32 v8, v12;
	v35 =	vld.idx.msk [tilespmem:v23+s2+$0x0], $0xffff  }
0x28a: {  	v36 =	vld.idx.msk [tilespmem:v21+s2+$0x0], $0xffff  }
0x28b: {  	v37 =	vld.idx.msk [tilespmem:v20+s2+$0x0], $0xffff;
	[tilespmem:s17+$0xFFFFFFF0] =	vst v8  }
0x28c: {  	v10 =	vmul.f32 v16, v30;
	v8 =	vmul.f32 v34, v28;
	v38 =	vld.idx.msk [tilespmem:v18+s2+$0x0], $0xffff  }
0x28d: {  	v11 =	vmul.f32 v11, v31;
	v34 =	vld.idx.msk [tilespmem:v17+s2+$0x0], $0xffff;
	v9 =	vmul.f32 v9, v15  }
0x28e: {  	v39 =	vld.idx.msk [tilespmem:v4+s2+$0x0], $0xffff  }
0x28f: {  	v8 =	vadd.f32 v10, v8;
	v40 =	vld.idx.msk [tilespmem:v24+s2+$0x0], $0xffff;
	v9 =	vadd.f32 v9, v11  }
0x290: {  	v41 =	vld.idx.msk [tilespmem:v32+s2+$0x0], $0xffff  }
0x291: {  	v42 =	vld.idx.msk [tilespmem:v33+s2+$0x0], $0xffff;
	v8 =	vadd.f32 v9, v8  }
0x292: {  	s15 =	sadd.s32 $0x40, s15;
	v9 =	vld.idx.msk [tilespmem:v19+s2+$0x0], $0xffff  }
0x293: {  	v43 =	vld.idx.msk [tilespmem:v13+s2+$0x0], $0xffff;
	[tilespmem:s15+$0x10] =	vst v8  }
0x294: {  	v8 =	vld.idx.msk [tilespmem:v27+s13+$0x0], $0xffff  }
0x295: {  	v12 =	vld.idx.msk [tilespmem:v25+s13+$0x0], $0xffff  }
0x296: {  	v16 =	vld.idx.msk [tilespmem:v26+s13+$0x0], $0xffff  }
0x297: {  	v25 =	vld.idx.msk [tilespmem:v29+s13+$0x0], $0xffff  }
0x298: {  	v26 =	vld.idx.msk [tilespmem:v0+s2+$0x0], $0xffff  }
0x299: {  	v27 =	vld [tilespmem:s26+$0xFFFFFFE0]  }
0x29a: {  	v14 =	vld [tilespmem:s28+$0xFFFFFFE0]  }
0x29b: {  	v10 =	vld [tilespmem:s30+$0xFFFFFFE0]  }
0x29c: {  	v8 =	vmul.f32 v8, v28;
	v28 =	vmul.f32 v12, v30;
	v11 =	vld [tilespmem:s14+$0xFFFFFFE0]  }
0x29d: {  	v29 =	vmul.f32 v16, v31;
	v25 =	vmul.f32 v25, v15;
	v12 =	vld [tilespmem:s26+$0xFFFFFFF0]  }
0x29e: {  	v9 =	vmul.f32 v9, v27;
	v16 =	vld [tilespmem:s28+$0xFFFFFFF0]  }
0x29f: {  	v28 =	vadd.f32 v28, v8;
	v25 =	vadd.f32 v25, v29;
	v30 =	vmul.f32 v35, v14;
	v15 =	vld [tilespmem:s30+$0xFFFFFFF0]  }
0x2a0: {  	v29 =	vmul.f32 v36, v10;
	v8 =	vld [tilespmem:s14+$0xFFFFFFF0]  }
0x2a1: {  	s20 =	simm.s32 $0x1A180;
	s21 =	simm.s32 $0x19B00;
	s22 =	simm.s32 $0x18E00;
	v25 =	vadd.f32 v25, v28;
	v30 =	vadd.f32 v30, v9;
	v31 =	vmul.f32 v37, v11;
	v9 =	vld [tilespmem:s26+$0x0]  }
0x2a2: {  	s23 =	simm.s32 $0x1AE80;
	s1 =	simm.s32 $0x1A800;
	s17 =	sadd.s32 $0x40, s17;
	v28 =	vmul.f32 v43, v12;
	v35 =	vld [tilespmem:s28+$0x0]  }
0x2a3: {  	s10 =	simm.s32 $0x5F0;
	s9 =	simm.s32 $0x1D580;
	s3 =	simm.s32 $0x1CF00;
	v29 =	vadd.f32 v31, v29;
	v31 =	vmul.f32 v38, v16;
	v36 =	vld [tilespmem:s30+$0x0];
	[tilespmem:s17+$0x10] =	vst v25  }
0x2a4: {  	v25 =	vmul.f32 v34, v15;
	v34 =	vld [tilespmem:s14+$0x0]  }
0x2a5: {  	v29 =	vadd.f32 v29, v30;
	v28 =	vadd.f32 v31, v28;
	v30 =	vmul.f32 v39, v8;
	v31 =	vld.idx.msk [tilespmem:v3+s13+$0x0], $0xffff  }
0x2a6: {  	v3 =	vmov v24;
	v26 =	vmul.f32 v26, v9;
	v37 =	vld.idx.msk [tilespmem:v2+s13+$0x0], $0xffff;
	v2 =	vmov v32  }
0x2a7: {  	[tilespmem:s15+$0xFFFFFFE0] =	vst v29;
	v25 =	vadd.f32 v30, v25;
	v29 =	vmul.f32 v40, v35;
	v30 =	vld.idx.msk [tilespmem:v1+s13+$0x0], $0xffff;
	v1 =	vmov v33  }
0x2a8: {  	v19 =	vld.idx.msk [tilespmem:v19+s13+$0x0], $0xffff;
	v32 =	vmul.f32 v41, v36  }
0x2a9: {  	v24 =	vld.idx.msk [tilespmem:v23+s13+$0x0], $0xffff;
	v23 =	vadd.f32 v25, v28;
	v28 =	vadd.f32 v29, v26;
	v29 =	vmul.f32 v42, v34  }
.Ltmp4:
0x2aa: {  	v26 =	vld.idx.msk [tilespmem:v21+s13+$0x0], $0xffff;
	(pc) =	sbr.rel @p0 .LBB2_12-.Ltmp4, $4  }
0x2ab: {  	v25 =	vld.idx.msk [tilespmem:v20+s13+$0x0], $0xffff;
	[tilespmem:s15+$0xFFFFFFF0] =	vst v23;
	v21 =	vadd.f32 v29, v32;
	v29 =	vmul.f32 v31, v5;
	v5 =	vmov v35  }
0x2ac: {  	v20 =	vld.idx.msk [tilespmem:v13+s13+$0x0], $0xffff;
	v13 =	vmul.f32 v37, v6;
	v6 =	vmov v36  }
0x2ad: {  	v18 =	vld.idx.msk [tilespmem:v18+s13+$0x0], $0xffff;
	v23 =	vadd.f32 v21, v28;
	v21 =	vadd.f32 v29, v22;
	v22 =	vmul.f32 v30, v7  }
0x2ae: {  	s19 =	sadd.s32 $0x40, s19;
	v19 =	vmul.f32 v19, v27;
	v7 =	vmov v34;
	v17 =	vld.idx.msk [tilespmem:v17+s13+$0x0], $0xffff  }
0x2af: {  	_ =	sdelay $0x3  }
0x2b0: {  	[tilespmem:s15+$0x0] =	vst v23;
	v4 =	vld.idx.msk [tilespmem:v4+s13+$0x0], $0xffff  }
0x2b1: {  	v0 =	vld.idx.msk [tilespmem:v0+s13+$0x0], $0xffff  }
0x2b2: {  	v3 =	vld.idx.msk [tilespmem:v3+s13+$0x0], $0xffff  }
0x2b3: {  	v2 =	vld.idx.msk [tilespmem:v2+s13+$0x0], $0xffff  }
0x2b4: {  	v14 =	vmul.f32 v24, v14;
	v1 =	vld.idx.msk [tilespmem:v1+s13+$0x0], $0xffff  }
0x2b5: {  	v13 =	vadd.f32 v22, v13;
	v10 =	vmul.f32 v26, v10;
	v11 =	vmul.f32 v25, v11  }
0x2b6: {  	v14 =	vadd.f32 v14, v19;
	v12 =	vmul.f32 v20, v12;
	v16 =	vmul.f32 v18, v16  }
0x2b7: {  	v13 =	vadd.f32 v13, v21;
	v15 =	vmul.f32 v17, v15;
	v4 =	vmul.f32 v4, v8  }
0x2b8: {  	v60 =	vadd.f32 v11, v10;
	v0 =	vmul.f32 v0, v9;
	v3 =	vmul.f32 v3, v5  }
0x2b9: {  	v61 =	vadd.f32 v16, v12;
	v2 =	vmul.f32 v2, v6;
	v1 =	vmul.f32 v1, v7  }
0x2ba: {  	v62 =	vadd.f32 v60, v14;
	v4 =	vadd.f32 v4, v15  }
0x2bb: {  	v0 =	vadd.f32 v3, v0;
	v1 =	vadd.f32 v1, v2  }
0x2bc: {  	[tilespmem:s16+$0x0] =	vst v13;
	v63 =	vadd.f32 v4, v61  }
0x2bd: {  	[tilespmem:s17+$0xFFFFFFE0] =	vst v62;
	v0 =	vadd.f32 v1, v0  }
0x2be: {  	[tilespmem:s17+$0xFFFFFFF0] =	vst v63  }
0x2bf: {  	[tilespmem:s17+$0x0] =	vst v0  }
.LBB2_14:
0x2c0: {  	v0 =	vld [tilespmem:s22+$0x0];
	_ =	sdelay $0x4  }
0x2c1: {  	v2 =	vld [tilespmem:s21+$0x0];
	v1 =	vadd.s32 $0x1, v0  }
0x2c2: {  	v4 =	vld [tilespmem:s20+$0x0];
	v3 =	vadd.s32 $0xE0, v0  }
0x2c3: {  	v6 =	vld [tilespmem:s1+$0x0];
	v5 =	vadd.s32 $0xE1, v0  }
0x2c4: {  	v7 =	vld [tilespmem:s23+$0x0]  }
0x2c5: {  	v8 =	vld.idx.msk [tilespmem:v0+s2+$0x0], $0xffff  }
0x2c6: {  	v9 =	vld.idx.msk [tilespmem:v1+s2+$0x0], $0xffff  }
0x2c7: {  	v10 =	vld.idx.msk [tilespmem:v3+s2+$0x0], $0xffff  }
0x2c8: {  	v11 =	vld.idx.msk [tilespmem:v5+s2+$0x0], $0xffff;
	_ =	sdelay $0x3  }
0x2c9: {  	v8 =	vmul.f32 v8, v2;
	v9 =	vmul.f32 v9, v4  }
0x2ca: {  	v10 =	vmul.f32 v10, v6;
	v11 =	vmul.f32 v11, v7;
	_ =	sdelay $0x1  }
0x2cb: {  	v8 =	vadd.f32 v9, v8;
	v60 =	vadd.f32 v11, v10;
	_ =	sdelay $0x1  }
0x2cc: {  	v8 =	vadd.f32 v60, v8;
	_ =	sdelay $0x1  }
0x2cd: {  	[tilespmem:s3+$0x0] =	vst v8  }
0x2ce: {  	v0 =	vld.idx.msk [tilespmem:v0+s13+$0x0], $0xffff  }
0x2cf: {  	v1 =	vld.idx.msk [tilespmem:v1+s13+$0x0], $0xffff  }
0x2d0: {  	v3 =	vld.idx.msk [tilespmem:v3+s13+$0x0], $0xffff  }
0x2d1: {  	v5 =	vld.idx.msk [tilespmem:v5+s13+$0x0], $0xffff;
	_ =	sdelay $0x3  }
0x2d2: {  	v0 =	vmul.f32 v0, v2;
	v1 =	vmul.f32 v1, v4  }
0x2d3: {  	s10 =	sadd.s32 $0x10, s10;
	v61 =	vmul.f32 v3, v6;
	v62 =	vmul.f32 v5, v7  }
0x2d4: {  	p0 =	slt.u32 s10, $0x610  }
.Ltmp5:
0x2d5: {  	v0 =	vadd.f32 v1, v0;
	v63 =	vadd.f32 v62, v61;
	(pc) =	sbr.rel @p0 .LBB2_14-.Ltmp5, $4  }
0x2d6: {  	_ = 	snop  }
0x2d7: {  	s23 =	sadd.s32 $0x10, s23;
	v0 =	vadd.f32 v63, v0  }
0x2d8: {  	s1 =	sadd.s32 $0x10, s1;
	s20 =	sadd.s32 $0x10, s20;
	s21 =	sadd.s32 $0x10, s21  }
0x2d9: {  	s22 =	sadd.s32 $0x10, s22;
	s3 =	sadd.s32 $0x10, s3;
	[tilespmem:s9+$0x0] =	vst v0;
	s9 =	sadd.s32 $0x10, s9  }
0x2da: {  	s28 =	smul.u32 $0xC40, s12  }
0x2db: {  	s1 =	rddreg [dreg:$0xb]  }
0x2dc: {  	s26 =	sshll.u32 s12, $0x1;
	s1 =	sadd.s32 s1, s28  }
0x2dd: {  	s3 =	rddreg [dreg:$0x5];
	s19 =	simm.s32 $0x1C900;
	s1 =	sshrl.u32 s1, $0x3  }
0x2de: {  	s5 =	simm.s32 $0x1CF80;
	s20 =	smin.u32 s26, $0x1D;
	s1 =	sadd.s32 s3, s1  }
0x2df: {  	[hbm4b:s1+s2] =	stream.linear.scatter [tilespmem:s19], [sflag:$0x4], $0x620, $0x38;
	[tilespmem:$0x1E300] =	vst v63  }
0x2e0: {  	s21 =	rddreg [dreg:$0xc];
	s3 =	smul.u32 $0x620, s20;
	s1 =	sadd.s32 $0x1880, s1  }
0x2e1: {  	[hbm4b:s1+s2] =	stream.linear.scatter [tilespmem:s5], [sflag:$0x4], $0x620, $0x38;
	[tilespmem:$0x1E300] =	vst v63  }
0x2e2: {  	s1 =	sadd.s32 s3, s21  }
0x2e3: {  	s22 =	rddreg [dreg:$0x3];
	s1 =	sshrl.u32 s1, $0x3  }
0x2e4: {  	s23 =	simm.s32 $0x18800;
	s9 =	rddreg [dreg:$0x4];
	s3 =	sadd.s32 s22, s1  }
0x2e5: {  	[tilespmem:s23], [sflag:$0x2] =	stream.linear.gather [hbm4b:s3+s2], $0x620, $0x38;
	[tilespmem:$0x1E300] =	vst v63  }
0x2e6: {  	s10 =	simm.s32 $0x19500;
	s3 =	sadd.s32 s9, s1  }
0x2e7: {  	[tilespmem:s10], [sflag:$0x2] =	stream.linear.gather [hbm4b:s3+s2], $0x620, $0x38;
	[tilespmem:$0x1E300] =	vst v63  }
0x2e8: {  	s15 =	simm.s32 $0x19B80;
	s14 =	sadd.s32 s6, s1  }
0x2e9: {  	[tilespmem:s15], [sflag:$0x2] =	stream.linear.gather [hbm4b:s14+s2], $0x620, $0x38;
	[tilespmem:$0x1E300] =	vst v63  }
0x2ea: {  	s17 =	simm.s32 $0x1A200;
	s16 =	sadd.s32 s7, s1  }
0x2eb: {  	[tilespmem:s17], [sflag:$0x2] =	stream.linear.gather [hbm4b:s16+s2], $0x620, $0x38;
	[tilespmem:$0x1E300] =	vst v63  }
0x2ec: {  	s18 =	simm.s32 $0x1A880;
	s1 =	sadd.s32 s8, s1  }
0x2ed: {  	[tilespmem:s18], [sflag:$0x2] =	stream.linear.gather [hbm4b:s1+s2], $0x620, $0x38;
	[tilespmem:$0x1E300] =	vst v63  }
0x2ee: {  	_ =	swait.ge [sflag:s29], $0x620  }
0x2ef: {  	[sflag:s29] =	ssyncset.done $0x0  }
0x2f0: {  	[sflag:s29] =	ssyncadd.s32 $0xFFFFF9E0  }
0x2f1: {  	_ =	swait.ge [sflag:s29], $0x620  }
0x2f2: {  	[sflag:s29] =	ssyncset.done $0x0  }
0x2f3: {  	[sflag:s29] =	ssyncadd.s32 $0xFFFFF9E0  }
0x2f4: {  	_ =	swait.ge [sflag:s29], $0x620  }
0x2f5: {  	[sflag:s29] =	ssyncset.done $0x0  }
0x2f6: {  	[sflag:s29] =	ssyncadd.s32 $0xFFFFF9E0  }
0x2f7: {  	_ =	swait.ge [sflag:s29], $0x620  }
0x2f8: {  	[sflag:s29] =	ssyncset.done $0x0  }
0x2f9: {  	[sflag:s29] =	ssyncadd.s32 $0xFFFFF9E0  }
0x2fa: {  	_ =	swait.ge [sflag:s29], $0x620  }
0x2fb: {  	[sflag:s29] =	ssyncset.done $0x0  }
0x2fc: {  	[sflag:s29] =	ssyncadd.s32 $0xFFFFF9E0  }
0x2fd: {  	_ =	swait.ge [sflag:s4], $0x620  }
0x2fe: {  	[sflag:s4] =	ssyncset.done $0x0  }
0x2ff: {  	[sflag:s4] =	ssyncadd.s32 $0xFFFFF9E0  }
0x300: {  	_ =	swait.ge [sflag:s4], $0x620  }
0x301: {  	[sflag:s4] =	ssyncset.done $0x0  }
0x302: {  	s19 =	simm.s32 $0x18EA0;
	[sflag:s4] =	ssyncadd.s32 $0xFFFFF9E0  }
0x303: {  	v0 =	vld [tilespmem:s19+$0x10];
	_ =	sdelay $0x1  }
0x304: {  	v1 =	vld [tilespmem:s19+$0xFFFFFFF0]  }
0x305: {  	v2 =	vld [tilespmem:s19+$0xFFFFFFE0]  }
0x306: {  	s20 =	simm.s32 $0x1AF20;
	v3 =	vld [tilespmem:s19+$0x0]  }
0x307: {  	s21 =	simm.s32 $0x1B5A0;
	v17 =	vld [tilespmem:s20+$0x10];
	v4 =	vadd.s32 $0x1, v0  }
0x308: {  	s22 =	simm.s32 $0x1BC20;
	v7 =	vld [tilespmem:s21+$0x10];
	v9 =	vadd.s32 $0xE0, v0  }
0x309: {  	s9 =	simm.s32 $0x1C2A0;
	v5 =	vld [tilespmem:s22+$0x10];
	v10 =	vadd.s32 $0xE1, v0  }
0x30a: {  	v8 =	vld [tilespmem:s9+$0x10];
	v11 =	vadd.s32 $0x1, v2  }
0x30b: {  	v14 =	vadd.s32 $0xE0, v2;
	v12 =	vld.idx.msk [tilespmem:v0+s2+$0x0], $0xffff  }
0x30c: {  	v16 =	vadd.s32 $0xE1, v2;
	v15 =	vld.idx.msk [tilespmem:v4+s2+$0x0], $0xffff  }
0x30d: {  	v23 =	vadd.s32 $0x1, v1;
	v19 =	vld.idx.msk [tilespmem:v9+s2+$0x0], $0xffff  }
0x30e: {  	v24 =	vadd.s32 $0xE0, v1;
	v20 =	vld.idx.msk [tilespmem:v10+s2+$0x0], $0xffff  }
0x30f: {  	v25 =	vadd.s32 $0xE1, v1;
	v13 =	vadd.s32 $0xE0, v3;
	v21 =	vld.idx.msk [tilespmem:v11+s2+$0x0], $0xffff  }
0x310: {  	v18 =	vadd.s32 $0x1, v3;
	v6 =	vadd.s32 $0xE1, v3;
	v22 =	vld.idx.msk [tilespmem:v14+s2+$0x0], $0xffff;
	[tilespmem:$0x1FF80] =	vst v13  }
0x311: {  	v26 =	vld.idx.msk [tilespmem:v16+s2+$0x0], $0xffff;
	[tilespmem:$0x1FF90] =	vst v6  }
0x312: {  	v27 =	vld.idx.msk [tilespmem:v23+s2+$0x0], $0xffff  }
0x313: {  	v28 =	vld.idx.msk [tilespmem:v24+s2+$0x0], $0xffff  }
0x314: {  	v29 =	vld.idx.msk [tilespmem:v25+s2+$0x0], $0xffff  }
0x315: {  	v30 =	vld.idx.msk [tilespmem:v18+s2+$0x0], $0xffff  }
0x316: {  	v31 =	vld.idx.msk [tilespmem:v13+s2+$0x0], $0xffff  }
0x317: {  	v32 =	vld.idx.msk [tilespmem:v6+s2+$0x0], $0xffff  }
0x318: {  	v34 =	vld [tilespmem:s20+$0xFFFFFFE0]  }
0x319: {  	v35 =	vld [tilespmem:s21+$0xFFFFFFE0]  }
0x31a: {  	v36 =	vld [tilespmem:s22+$0xFFFFFFE0]  }
0x31b: {  	v37 =	vld [tilespmem:s9+$0xFFFFFFE0]  }
0x31c: {  	v38 =	vld [tilespmem:s20+$0xFFFFFFF0]  }
0x31d: {  	v39 =	vld [tilespmem:s21+$0xFFFFFFF0]  }
0x31e: {  	v40 =	vld [tilespmem:s22+$0xFFFFFFF0]  }
0x31f: {  	s30 =	simm.s32 $0x1AF60;
	v41 =	vld [tilespmem:s9+$0xFFFFFFF0];
	v12 =	vmul.f32 v12, v17;
	v15 =	vmul.f32 v15, v7  }
0x320: {  	s31 =	simm.s32 $0x1B5E0;
	v42 =	vld [tilespmem:s30+$0x10];
	v19 =	vmul.f32 v19, v5;
	v20 =	vmul.f32 v20, v8  }
0x321: {  	s14 =	simm.s32 $0x1BC60;
	v44 =	vld [tilespmem:s31+$0x10]  }
0x322: {  	s15 =	simm.s32 $0x1C2E0;
	v45 =	vld [tilespmem:s14+$0x10];
	v12 =	vadd.f32 v15, v12;
	v15 =	vadd.f32 v20, v19  }
0x323: {  	v55 =	vld [tilespmem:s15+$0x10]  }
0x324: {  	v12 =	vadd.f32 v15, v12;
	v15 =	vld.idx.msk [tilespmem:v2+s2+$0x0], $0xffff  }
0x325: {  	s10 =	simm.s32 $0x1D620;
	v19 =	vld.idx.msk [tilespmem:v1+s2+$0x0], $0xffff  }
0x326: {  	v20 =	vmul.f32 v26, v37;
	v26 =	vld.idx.msk [tilespmem:v3+s2+$0x0], $0xffff;
	[tilespmem:s10+$0x10] =	vst v12  }
0x327: {  	v12 =	vld.idx.msk [tilespmem:v0+s13+$0x0], $0xffff  }
0x328: {  	v33 =	vld.idx.msk [tilespmem:v4+s13+$0x0], $0xffff;
	v4 =	vmul.f32 v21, v35  }
0x329: {  	v9 =	vld.idx.msk [tilespmem:v9+s13+$0x0], $0xffff;
	v0 =	vmul.f32 v15, v34;
	v15 =	vmul.f32 v22, v36  }
0x32a: {  	v10 =	vld.idx.msk [tilespmem:v10+s13+$0x0], $0xffff  }
0x32b: {  	v21 =	vld [tilespmem:s21+$0x0];
	v0 =	vadd.f32 v4, v0;
	v4 =	vadd.f32 v20, v15  }
0x32c: {  	v22 =	vld [tilespmem:s22+$0x0]  }
0x32d: {  	v28 =	vmul.f32 v28, v40;
	v20 =	vld [tilespmem:s20+$0x0];
	v0 =	vadd.f32 v4, v0  }
0x32e: {  	v15 =	vmul.f32 v19, v38;
	v19 =	vld [tilespmem:s9+$0x0];
	v4 =	vmul.f32 v29, v41  }
0x32f: {  	v27 =	vmul.f32 v27, v39;
	v8 =	vmul.f32 v10, v8;
	v10 =	vld [tilespmem:s14+$0xFFFFFFE0];
	[tilespmem:s10+$0xFFFFFFE0] =	vst v0  }
0x330: {  	s23 =	simm.s32 $0x18EE0;
	v0 =	vadd.f32 v4, v28;
	v28 =	vld.idx.msk [tilespmem:v11+s13+$0x0], $0xffff  }
0x331: {  	v15 =	vadd.f32 v27, v15;
	v11 =	vld [tilespmem:s23+$0x10]  }
0x332: {  	v27 =	vld.idx.msk [tilespmem:v2+s13+$0x0], $0xffff  }
0x333: {  	v16 =	vld.idx.msk [tilespmem:v16+s13+$0x0], $0xffff;
	v0 =	vadd.f32 v0, v15  }
0x334: {  	v2 =	vmul.f32 v30, v21;
	v30 =	vld [tilespmem:s23+$0xFFFFFFE0]  }
0x335: {  	v15 =	vld.idx.msk [tilespmem:v14+s13+$0x0], $0xffff;
	[tilespmem:s10+$0xFFFFFFF0] =	vst v0  }
0x336: {  	v0 =	vmul.f32 v26, v20;
	v26 =	vld.idx.msk [tilespmem:v1+s13+$0x0], $0xffff;
	v14 =	vadd.s32 $0x1, v11  }
0x337: {  	v4 =	vmul.f32 v32, v19;
	v29 =	vld.idx.msk [tilespmem:v23+s13+$0x0], $0xffff;
	v32 =	vadd.s32 $0xE0, v11  }
0x338: {  	v24 =	vld.idx.msk [tilespmem:v24+s13+$0x0], $0xffff;
	v43 =	vadd.s32 $0xE1, v11  }
0x339: {  	v23 =	vld [tilespmem:s23+$0xFFFFFFF0]  }
0x33a: {  	v5 =	vmul.f32 v9, v5;
	v47 =	vld.idx.msk [tilespmem:v11+s2+$0x0], $0xffff  }
0x33b: {  	v49 =	vld.idx.msk [tilespmem:v14+s2+$0x0], $0xffff  }
0x33c: {  	v5 =	vadd.f32 v8, v5;
	v51 =	vld.idx.msk [tilespmem:v32+s2+$0x0], $0xffff  }
0x33d: {  	v1 =	vmul.f32 v31, v22;
	v0 =	vadd.f32 v2, v0;
	v46 =	vadd.s32 $0x1, v30;
	v53 =	vld.idx.msk [tilespmem:v43+s2+$0x0], $0xffff  }
0x33e: {  	v25 =	vld.idx.msk [tilespmem:v25+s13+$0x0], $0xffff;
	v48 =	vadd.s32 $0xE0, v30;
	v8 =	vmul.f32 v27, v34;
	v9 =	vmul.f32 v28, v35  }
0x33f: {  	v50 =	vadd.s32 $0xE1, v30;
	v1 =	vadd.f32 v4, v1;
	v27 =	vmul.f32 v15, v36;
	v15 =	vld [tilespmem:s14+$0xFFFFFFF0]  }
0x340: {  	v28 =	vadd.f32 v9, v8;
	v8 =	vld [tilespmem:s15+$0xFFFFFFF0]  }
0x341: {  	v1 =	vadd.f32 v1, v0;
	v0 =	vld [tilespmem:s23+$0x0];
	v47 =	vmul.f32 v47, v42;
	v49 =	vmul.f32 v49, v44  }
0x342: {  	v52 =	vadd.s32 $0x1, v23;
	v56 =	vld.idx.msk [tilespmem:v46+s2+$0x0], $0xffff;
	v51 =	vmul.f32 v51, v45;
	v53 =	vmul.f32 v53, v55  }
0x343: {  	v26 =	vmul.f32 v26, v38;
	v9 =	vmul.f32 v29, v39;
	v57 =	vld.idx.msk [tilespmem:v48+s2+$0x0], $0xffff  }
0x344: {  	[tilespmem:s10+$0x0] =	vst v1;
	v58 =	vld.idx.msk [tilespmem:v50+s2+$0x0], $0xffff;
	v47 =	vadd.f32 v49, v47;
	v63 =	vadd.f32 v53, v51  }
0x345: {  	v31 =	vld.idx.msk [tilespmem:v3+s13+$0x0], $0xffff  }
0x346: {  	v26 =	vadd.f32 v9, v26;
	v9 =	vld [tilespmem:s30+$0x0];
	v47 =	vadd.f32 v63, v47  }
0x347: {  	s16 =	simm.s32 $0x1D660;
	v59 =	vld.idx.msk [tilespmem:v52+s2+$0x0], $0xffff  }
0x348: {  	v49 =	vld.idx.msk [tilespmem:v30+s2+$0x0], $0xffff;
	[tilespmem:s16+$0x10] =	vst v47  }
0x349: {  	v54 =	vadd.s32 $0xE0, v23;
	v47 =	vld.idx.msk [tilespmem:v11+s13+$0x0], $0xffff  }
0x34a: {  	v4 =	vadd.s32 $0xE1, v23;
	v6 =	vld.idx.msk [tilespmem:v14+s13+$0x0], $0xffff  }
0x34b: {  	v7 =	vmul.f32 v33, v7;
	v11 =	vmul.f32 v12, v17;
	v17 =	vld [tilespmem:s30+$0xFFFFFFE0]  }
0x34c: {  	v14 =	vld [tilespmem:s31+$0xFFFFFFE0]  }
0x34d: {  	v7 =	vadd.f32 v7, v11;
	v11 =	vld [tilespmem:s15+$0xFFFFFFE0]  }
0x34e: {  	v60 =	vld.idx.msk [tilespmem:v54+s2+$0x0], $0xffff  }
0x34f: {  	v24 =	vmul.f32 v24, v40;
	v3 =	vadd.s32 $0x1, v0;
	v61 =	vld.idx.msk [tilespmem:v4+s2+$0x0], $0xffff  }
0x350: {  	v2 =	vadd.s32 $0xE0, v0;
	v63 =	vld.idx.msk [tilespmem:v23+s2+$0x0], $0xffff;
	v7 =	vadd.f32 v5, v7;
	v5 =	vmul.f32 v16, v37  }
0x351: {  	v1 =	vadd.s32 $0xE1, v0;
	v57 =	vmul.f32 v57, v10;
	v12 =	vld [tilespmem:s30+$0xFFFFFFF0];
	v56 =	vmul.f32 v56, v14  }
0x352: {  	v16 =	vld [tilespmem:s31+$0xFFFFFFF0];
	v5 =	vadd.f32 v5, v27;
	v27 =	vmul.f32 v49, v17;
	v40 =	vmul.f32 v58, v11  }
0x353: {  	v25 =	vmul.f32 v25, v41;
	v13 =	vld.idx.msk [tilespmem:v0+s2+$0x0], $0xffff;
	v41 =	vmul.f32 v47, v42  }
0x354: {  	v62 =	vld.idx.msk [tilespmem:v3+s2+$0x0], $0xffff;
	v42 =	vmul.f32 v6, v44;
	v27 =	vadd.f32 v56, v27;
	v44 =	vadd.f32 v40, v57  }
0x355: {  	v51 =	vld.idx.msk [tilespmem:v2+s2+$0x0], $0xffff  }
0x356: {  	s17 =	simm.s32 $0x1DCA0;
	v25 =	vadd.f32 v25, v24;
	v53 =	vld.idx.msk [tilespmem:v1+s2+$0x0], $0xffff;
	v27 =	vadd.f32 v44, v27  }
0x357: {  	v32 =	vld.idx.msk [tilespmem:v32+s13+$0x0], $0xffff;
	v24 =	vmul.f32 v63, v12;
	[tilespmem:s17+$0x10] =	vst v7;
	v47 =	vmul.f32 v59, v16  }
0x358: {  	v58 =	vld [tilespmem:$0x1FF80];
	[tilespmem:s16+$0xFFFFFFE0] =	vst v27  }
0x359: {  	v33 =	vadd.f32 v47, v24;
	v24 =	vld [tilespmem:$0x1FF90]  }
0x35a: {  	v43 =	vld.idx.msk [tilespmem:v43+s13+$0x0], $0xffff  }
0x35b: {  	v6 =	vld [tilespmem:s14+$0x0]  }
0x35c: {  	v7 =	vld [tilespmem:s15+$0x0]  }
0x35d: {  	v28 =	vadd.f32 v5, v28;
	v5 =	vld [tilespmem:s31+$0x0]  }
0x35e: {  	v18 =	vld.idx.msk [tilespmem:v18+s13+$0x0], $0xffff;
	v49 =	vmul.f32 v60, v15;
	v56 =	vmul.f32 v61, v8  }
0x35f: {  	v31 =	vmul.f32 v31, v20;
	v30 =	vld.idx.msk [tilespmem:v30+s13+$0x0], $0xffff  }
0x360: {  	v13 =	vmul.f32 v13, v9;
	v32 =	vmul.f32 v32, v45;
	v27 =	vadd.f32 v56, v49;
	v36 =	vld.idx.msk [tilespmem:v58+s13+$0x0], $0xffff  }
0x361: {  	v63 =	vadd.f32 v25, v26;
	v57 =	vmul.f32 v43, v55;
	v61 =	vmul.f32 v51, v6;
	v59 =	vld.idx.msk [tilespmem:v24+s13+$0x0], $0xffff  }
0x362: {  	v60 =	vmul.f32 v62, v5;
	v62 =	vmul.f32 v53, v7;
	v26 =	vld.idx.msk [tilespmem:v48+s13+$0x0], $0xffff;
	v27 =	vadd.f32 v27, v33  }
0x363: {  	v35 =	vadd.f32 v42, v41;
	v32 =	vadd.f32 v57, v32;
	[tilespmem:s17+$0xFFFFFFE0] =	vst v28;
	v24 =	vld.idx.msk [tilespmem:v46+s13+$0x0], $0xffff  }
0x364: {  	v25 =	vld.idx.msk [tilespmem:v50+s13+$0x0], $0xffff;
	v34 =	vadd.f32 v60, v13;
	[tilespmem:s16+$0xFFFFFFF0] =	vst v27;
	v27 =	vadd.f32 v62, v61  }
0x365: {  	v21 =	vmul.f32 v18, v21;
	v32 =	vadd.f32 v32, v35;
	[tilespmem:s17+$0xFFFFFFF0] =	vst v63;
	v20 =	vld.idx.msk [tilespmem:v23+s13+$0x0], $0xffff  }
0x366: {  	s18 =	simm.s32 $0x1DCE0;
	v18 =	vld.idx.msk [tilespmem:v52+s13+$0x0], $0xffff;
	v23 =	vadd.f32 v27, v34;
	v13 =	vmul.f32 v36, v22;
	v22 =	vmul.f32 v59, v19  }
0x367: {  	s19 =	simm.s32 $0x40;
	s20 =	simm.s32 $0x18F20;
	v21 =	vadd.f32 v21, v31;
	[tilespmem:s18+$0x10] =	vst v32;
	v19 =	vmul.f32 v30, v17;
	v17 =	vld.idx.msk [tilespmem:v54+s13+$0x0], $0xffff  }
.LBB2_16:
0x368: {  	v27 =	vld [tilespmem:s20+$0x10];
	v14 =	vmul.f32 v24, v14;
	[tilespmem:s16+$0x0] =	vst v23;
	v22 =	vadd.f32 v22, v13  }
0x369: {  	v10 =	vmul.f32 v26, v10;
	v13 =	vld [tilespmem:s20+$0xFFFFFFF0]  }
0x36a: {  	v11 =	vmul.f32 v25, v11;
	v23 =	vld [tilespmem:s20+$0x0];
	v14 =	vadd.f32 v14, v19;
	v21 =	vadd.f32 v22, v21  }
0x36b: {  	v12 =	vmul.f32 v20, v12;
	v19 =	vld [tilespmem:s20+$0xFFFFFFE0]  }
0x36c: {  	v10 =	vadd.f32 v11, v10;
	v16 =	vmul.f32 v18, v16;
	v11 =	vld.idx.msk [tilespmem:v4+s13+$0x0], $0xffff;
	[tilespmem:s17+$0x0] =	vst v21;
	s17 =	smov.u32 s18  }
0x36d: {  	s19 =	sadd.s32 $0x40, s19;
	s30 =	sadd.s32 $0x40, s30;
	v15 =	vmul.f32 v17, v15;
	v25 =	vadd.s32 $0x1, v27;
	v22 =	vld.idx.msk [tilespmem:v0+s13+$0x0], $0xffff  }
0x36e: {  	s31 =	sadd.s32 $0x40, s31;
	p0 =	slt.u32 s19, $0x5C0;
	v26 =	vadd.s32 $0xE0, v27;
	v18 =	vadd.s32 $0x1, v13;
	v17 =	vadd.s32 $0xE0, v13;
	v28 =	vld [tilespmem:s30+$0x10]  }
0x36f: {  	s14 =	sadd.s32 $0x40, s14;
	v29 =	vadd.s32 $0xE1, v27;
	v4 =	vadd.s32 $0xE1, v13;
	v24 =	vadd.s32 $0x1, v23;
	v30 =	vld [tilespmem:s31+$0x10];
	v0 =	vmovc v23  }
0x370: {  	v23 =	vadd.s32 $0x1, v19;
	v21 =	vadd.s32 $0xE0, v19;
	v20 =	vadd.s32 $0xE1, v19;
	v31 =	vld [tilespmem:s14+$0x10]  }
0x371: {  	v12 =	vadd.f32 v16, v12;
	v32 =	vadd.s32 $0xE0, v0;
	v33 =	vadd.s32 $0xE1, v0;
	v34 =	vld.idx.msk [tilespmem:v27+s2+$0x0], $0xffff  }
0x372: {  	v10 =	vadd.f32 v10, v14;
	v8 =	vmul.f32 v11, v8;
	v16 =	vld.idx.msk [tilespmem:v25+s2+$0x0], $0xffff  }
0x373: {  	v22 =	vmul.f32 v22, v9;
	v11 =	vld.idx.msk [tilespmem:v26+s2+$0x0], $0xffff  }
0x374: {  	s15 =	sadd.s32 $0x40, s15;
	v8 =	vadd.f32 v8, v15;
	v9 =	vld.idx.msk [tilespmem:v29+s2+$0x0], $0xffff;
	[tilespmem:s18+$0xFFFFFFE0] =	vst v10  }
0x375: {  	v15 =	vld [tilespmem:s15+$0x10]  }
0x376: {  	v8 =	vadd.f32 v8, v12;
	v35 =	vld.idx.msk [tilespmem:v23+s2+$0x0], $0xffff  }
0x377: {  	v36 =	vld.idx.msk [tilespmem:v21+s2+$0x0], $0xffff  }
0x378: {  	v37 =	vld.idx.msk [tilespmem:v20+s2+$0x0], $0xffff;
	[tilespmem:s18+$0xFFFFFFF0] =	vst v8  }
0x379: {  	v10 =	vmul.f32 v16, v30;
	v8 =	vmul.f32 v34, v28;
	v38 =	vld.idx.msk [tilespmem:v18+s2+$0x0], $0xffff  }
0x37a: {  	v11 =	vmul.f32 v11, v31;
	v34 =	vld.idx.msk [tilespmem:v17+s2+$0x0], $0xffff;
	v9 =	vmul.f32 v9, v15  }
0x37b: {  	v39 =	vld.idx.msk [tilespmem:v4+s2+$0x0], $0xffff  }
0x37c: {  	v8 =	vadd.f32 v10, v8;
	v40 =	vld.idx.msk [tilespmem:v24+s2+$0x0], $0xffff;
	v9 =	vadd.f32 v9, v11  }
0x37d: {  	v41 =	vld.idx.msk [tilespmem:v32+s2+$0x0], $0xffff  }
0x37e: {  	v42 =	vld.idx.msk [tilespmem:v33+s2+$0x0], $0xffff;
	v8 =	vadd.f32 v9, v8  }
0x37f: {  	s16 =	sadd.s32 $0x40, s16;
	v9 =	vld.idx.msk [tilespmem:v19+s2+$0x0], $0xffff  }
0x380: {  	v43 =	vld.idx.msk [tilespmem:v13+s2+$0x0], $0xffff;
	[tilespmem:s16+$0x10] =	vst v8  }
0x381: {  	v8 =	vld.idx.msk [tilespmem:v27+s13+$0x0], $0xffff  }
0x382: {  	v12 =	vld.idx.msk [tilespmem:v25+s13+$0x0], $0xffff  }
0x383: {  	v16 =	vld.idx.msk [tilespmem:v26+s13+$0x0], $0xffff  }
0x384: {  	v25 =	vld.idx.msk [tilespmem:v29+s13+$0x0], $0xffff  }
0x385: {  	v26 =	vld.idx.msk [tilespmem:v0+s2+$0x0], $0xffff  }
0x386: {  	v27 =	vld [tilespmem:s30+$0xFFFFFFE0]  }
0x387: {  	v14 =	vld [tilespmem:s31+$0xFFFFFFE0]  }
0x388: {  	v10 =	vld [tilespmem:s14+$0xFFFFFFE0]  }
0x389: {  	v8 =	vmul.f32 v8, v28;
	v28 =	vmul.f32 v12, v30;
	v11 =	vld [tilespmem:s15+$0xFFFFFFE0]  }
0x38a: {  	v29 =	vmul.f32 v16, v31;
	v25 =	vmul.f32 v25, v15;
	v12 =	vld [tilespmem:s30+$0xFFFFFFF0]  }
0x38b: {  	v9 =	vmul.f32 v9, v27;
	v16 =	vld [tilespmem:s31+$0xFFFFFFF0]  }
0x38c: {  	v28 =	vadd.f32 v28, v8;
	v25 =	vadd.f32 v25, v29;
	v30 =	vmul.f32 v35, v14;
	v15 =	vld [tilespmem:s14+$0xFFFFFFF0]  }
0x38d: {  	v29 =	vmul.f32 v36, v10;
	v8 =	vld [tilespmem:s15+$0xFFFFFFF0]  }
0x38e: {  	s21 =	simm.s32 $0x1BB80;
	s22 =	simm.s32 $0x1B500;
	s23 =	simm.s32 $0x19480;
	v25 =	vadd.f32 v25, v28;
	v30 =	vadd.f32 v30, v9;
	v31 =	vmul.f32 v37, v11;
	v9 =	vld [tilespmem:s30+$0x0]  }
0x38f: {  	s1 =	simm.s32 $0x1C880;
	s10 =	simm.s32 $0x1C200;
	s18 =	sadd.s32 $0x40, s18;
	v28 =	vmul.f32 v43, v12;
	v35 =	vld [tilespmem:s31+$0x0]  }
0x390: {  	s9 =	simm.s32 $0x5F0;
	s3 =	simm.s32 $0x1E280;
	s5 =	simm.s32 $0x1DC00;
	v29 =	vadd.f32 v31, v29;
	v31 =	vmul.f32 v38, v16;
	v36 =	vld [tilespmem:s14+$0x0];
	[tilespmem:s18+$0x10] =	vst v25  }
0x391: {  	v25 =	vmul.f32 v34, v15;
	v34 =	vld [tilespmem:s15+$0x0]  }
0x392: {  	v29 =	vadd.f32 v29, v30;
	v28 =	vadd.f32 v31, v28;
	v30 =	vmul.f32 v39, v8;
	v31 =	vld.idx.msk [tilespmem:v3+s13+$0x0], $0xffff  }
0x393: {  	v3 =	vmov v24;
	v26 =	vmul.f32 v26, v9;
	v37 =	vld.idx.msk [tilespmem:v2+s13+$0x0], $0xffff;
	v2 =	vmov v32  }
0x394: {  	[tilespmem:s16+$0xFFFFFFE0] =	vst v29;
	v25 =	vadd.f32 v30, v25;
	v29 =	vmul.f32 v40, v35;
	v30 =	vld.idx.msk [tilespmem:v1+s13+$0x0], $0xffff;
	v1 =	vmov v33  }
0x395: {  	v19 =	vld.idx.msk [tilespmem:v19+s13+$0x0], $0xffff;
	v32 =	vmul.f32 v41, v36  }
0x396: {  	v24 =	vld.idx.msk [tilespmem:v23+s13+$0x0], $0xffff;
	v23 =	vadd.f32 v25, v28;
	v28 =	vadd.f32 v29, v26;
	v29 =	vmul.f32 v42, v34  }
.Ltmp6:
0x397: {  	v26 =	vld.idx.msk [tilespmem:v21+s13+$0x0], $0xffff;
	(pc) =	sbr.rel @p0 .LBB2_16-.Ltmp6, $4  }
0x398: {  	v25 =	vld.idx.msk [tilespmem:v20+s13+$0x0], $0xffff;
	[tilespmem:s16+$0xFFFFFFF0] =	vst v23;
	v21 =	vadd.f32 v29, v32;
	v29 =	vmul.f32 v31, v5;
	v5 =	vmov v35  }
0x399: {  	v20 =	vld.idx.msk [tilespmem:v13+s13+$0x0], $0xffff;
	v13 =	vmul.f32 v37, v6;
	v6 =	vmov v36  }
0x39a: {  	v18 =	vld.idx.msk [tilespmem:v18+s13+$0x0], $0xffff;
	v23 =	vadd.f32 v21, v28;
	v21 =	vadd.f32 v29, v22;
	v22 =	vmul.f32 v30, v7  }
0x39b: {  	s20 =	sadd.s32 $0x40, s20;
	v19 =	vmul.f32 v19, v27;
	v7 =	vmov v34;
	v17 =	vld.idx.msk [tilespmem:v17+s13+$0x0], $0xffff  }
0x39c: {  	_ =	sdelay $0x3  }
0x39d: {  	[tilespmem:s16+$0x0] =	vst v23;
	v4 =	vld.idx.msk [tilespmem:v4+s13+$0x0], $0xffff  }
0x39e: {  	v0 =	vld.idx.msk [tilespmem:v0+s13+$0x0], $0xffff  }
0x39f: {  	v3 =	vld.idx.msk [tilespmem:v3+s13+$0x0], $0xffff  }
0x3a0: {  	v2 =	vld.idx.msk [tilespmem:v2+s13+$0x0], $0xffff  }
0x3a1: {  	v14 =	vmul.f32 v24, v14;
	v1 =	vld.idx.msk [tilespmem:v1+s13+$0x0], $0xffff  }
0x3a2: {  	v13 =	vadd.f32 v22, v13;
	v10 =	vmul.f32 v26, v10;
	v11 =	vmul.f32 v25, v11  }
0x3a3: {  	v14 =	vadd.f32 v14, v19;
	v12 =	vmul.f32 v20, v12;
	v16 =	vmul.f32 v18, v16  }
0x3a4: {  	v13 =	vadd.f32 v13, v21;
	v15 =	vmul.f32 v17, v15;
	v4 =	vmul.f32 v4, v8  }
0x3a5: {  	v60 =	vadd.f32 v11, v10;
	v0 =	vmul.f32 v0, v9;
	v3 =	vmul.f32 v3, v5  }
0x3a6: {  	v61 =	vadd.f32 v16, v12;
	v2 =	vmul.f32 v2, v6;
	v1 =	vmul.f32 v1, v7  }
0x3a7: {  	v62 =	vadd.f32 v60, v14;
	v4 =	vadd.f32 v4, v15  }
0x3a8: {  	v0 =	vadd.f32 v3, v0;
	v1 =	vadd.f32 v1, v2  }
0x3a9: {  	[tilespmem:s17+$0x0] =	vst v13;
	v63 =	vadd.f32 v4, v61  }
0x3aa: {  	[tilespmem:s18+$0xFFFFFFE0] =	vst v62;
	v0 =	vadd.f32 v1, v0  }
0x3ab: {  	[tilespmem:s18+$0xFFFFFFF0] =	vst v63  }
0x3ac: {  	[tilespmem:s18+$0x0] =	vst v0  }
.LBB2_18:
0x3ad: {  	v0 =	vld [tilespmem:s23+$0x0];
	_ =	sdelay $0x4  }
0x3ae: {  	v2 =	vld [tilespmem:s22+$0x0];
	v1 =	vadd.s32 $0x1, v0  }
0x3af: {  	v4 =	vld [tilespmem:s21+$0x0];
	v3 =	vadd.s32 $0xE0, v0  }
0x3b0: {  	v6 =	vld [tilespmem:s10+$0x0];
	v5 =	vadd.s32 $0xE1, v0  }
0x3b1: {  	v7 =	vld [tilespmem:s1+$0x0]  }
0x3b2: {  	v8 =	vld.idx.msk [tilespmem:v0+s2+$0x0], $0xffff  }
0x3b3: {  	v9 =	vld.idx.msk [tilespmem:v1+s2+$0x0], $0xffff  }
0x3b4: {  	v10 =	vld.idx.msk [tilespmem:v3+s2+$0x0], $0xffff  }
0x3b5: {  	v11 =	vld.idx.msk [tilespmem:v5+s2+$0x0], $0xffff;
	_ =	sdelay $0x3  }
0x3b6: {  	v8 =	vmul.f32 v8, v2;
	v9 =	vmul.f32 v9, v4  }
0x3b7: {  	v10 =	vmul.f32 v10, v6;
	v11 =	vmul.f32 v11, v7;
	_ =	sdelay $0x1  }
0x3b8: {  	v8 =	vadd.f32 v9, v8;
	v60 =	vadd.f32 v11, v10;
	_ =	sdelay $0x1  }
0x3b9: {  	v8 =	vadd.f32 v60, v8;
	_ =	sdelay $0x1  }
0x3ba: {  	[tilespmem:s5+$0x0] =	vst v8  }
0x3bb: {  	v0 =	vld.idx.msk [tilespmem:v0+s13+$0x0], $0xffff  }
0x3bc: {  	v1 =	vld.idx.msk [tilespmem:v1+s13+$0x0], $0xffff  }
0x3bd: {  	v3 =	vld.idx.msk [tilespmem:v3+s13+$0x0], $0xffff  }
0x3be: {  	v5 =	vld.idx.msk [tilespmem:v5+s13+$0x0], $0xffff;
	_ =	sdelay $0x3  }
0x3bf: {  	v0 =	vmul.f32 v0, v2;
	v1 =	vmul.f32 v1, v4  }
0x3c0: {  	s9 =	sadd.s32 $0x10, s9;
	v61 =	vmul.f32 v3, v6;
	v62 =	vmul.f32 v5, v7  }
0x3c1: {  	p0 =	slt.u32 s9, $0x610  }
.Ltmp7:
0x3c2: {  	v0 =	vadd.f32 v1, v0;
	v63 =	vadd.f32 v62, v61;
	(pc) =	sbr.rel @p0 .LBB2_18-.Ltmp7, $4  }
0x3c3: {  	_ = 	snop  }
0x3c4: {  	s1 =	sadd.s32 $0x10, s1;
	v0 =	vadd.f32 v63, v0  }
0x3c5: {  	s10 =	sadd.s32 $0x10, s10;
	s21 =	sadd.s32 $0x10, s21;
	s22 =	sadd.s32 $0x10, s22  }
0x3c6: {  	s23 =	sadd.s32 $0x10, s23;
	s5 =	sadd.s32 $0x10, s5;
	[tilespmem:s3+$0x0] =	vst v0;
	s3 =	sadd.s32 $0x10, s3  }
0x3c7: {  	s1 =	sadd.s32 s28, s24  }
0x3c8: {  	s3 =	rddreg [dreg:$0x5];
	s17 =	smin.u32 s26, $0x1C;
	s1 =	sshrl.u32 s1, $0x3  }
0x3c9: {  	s16 =	simm.s32 $0x1D600;
	s1 =	sadd.s32 s3, s1;
	s3 =	smul.u32 $0x620, s17  }
0x3ca: {  	[hbm4b:s1+s2] =	stream.linear.scatter [tilespmem:s16], [sflag:$0x5], $0x620, $0x38;
	[tilespmem:$0x1E300] =	vst v63  }
0x3cb: {  	s5 =	simm.s32 $0x1DC80;
	s1 =	sadd.s32 $0x1880, s1;
	s18 =	sadd.s32 s3, s11  }
0x3cc: {  	[hbm4b:s1+s2] =	stream.linear.scatter [tilespmem:s5], [sflag:$0x5], $0x620, $0x38;
	[tilespmem:$0x1E300] =	vst v63  }
0x3cd: {  	s19 =	rddreg [dreg:$0x3];
	s1 =	sshrl.u32 s18, $0x3  }
0x3ce: {  	s20 =	simm.s32 $0x18E80;
	s21 =	rddreg [dreg:$0x4];
	s3 =	sadd.s32 s19, s1  }
0x3cf: {  	[tilespmem:s20], [sflag:$0x3] =	stream.linear.gather [hbm4b:s3+s2], $0x620, $0x38;
	[tilespmem:$0x1E300] =	vst v63  }
0x3d0: {  	s22 =	simm.s32 $0x1AF00;
	s12 =	sadd.s32 $0x1, s12;
	s3 =	sadd.s32 s21, s1  }
0x3d1: {  	[tilespmem:s22], [sflag:$0x3] =	stream.linear.gather [hbm4b:s3+s2], $0x620, $0x38;
	[tilespmem:$0x1E300] =	vst v63  }
0x3d2: {  	s26 =	simm.s32 $0x1B580;
	p0 =	sne.s32 s12, $0x10;
	s23 =	sadd.s32 s6, s1  }
0x3d3: {  	[tilespmem:s26], [sflag:$0x3] =	stream.linear.gather [hbm4b:s23+s2], $0x620, $0x38;
	[tilespmem:$0x1E300] =	vst v63  }
.Ltmp8:
0x3d4: {  	_ = 	snop;
	(pc) =	sbr.rel @p0 .LBB2_11-.Ltmp8, $4  }
0x3d5: {  	s30 =	simm.s32 $0x1BC00;
	s28 =	sadd.s32 s7, s1  }
0x3d6: {  	[tilespmem:s30], [sflag:$0x3] =	stream.linear.gather [hbm4b:s28+s2], $0x620, $0x38;
	[tilespmem:$0x1E300] =	vst v63  }
0x3d7: {  	s31 =	simm.s32 $0x1C280;
	s1 =	sadd.s32 s8, s1  }
0x3d8: {  	[tilespmem:s31], [sflag:$0x3] =	stream.linear.gather [hbm4b:s1+s2], $0x620, $0x38;
	[tilespmem:$0x1E300] =	vst v63  }
0x3d9: {  	_ =	swait.ge [sflag:s25], $0x620  }
0x3da: {  	[sflag:s25] =	ssyncset.done $0x0  }
0x3db: {  	[sflag:s25] =	ssyncadd.s32 $0xFFFFF9E0  }
0x3dc: {  	_ =	swait.ge [sflag:s25], $0x620  }
0x3dd: {  	[sflag:s25] =	ssyncset.done $0x0  }
0x3de: {  	[sflag:s25] =	ssyncadd.s32 $0xFFFFF9E0  }
0x3df: {  	_ =	swait.ge [sflag:s25], $0x620  }
0x3e0: {  	[sflag:s25] =	ssyncset.done $0x0  }
0x3e1: {  	[sflag:s25] =	ssyncadd.s32 $0xFFFFF9E0  }
0x3e2: {  	_ =	swait.ge [sflag:s25], $0x620  }
0x3e3: {  	[sflag:s25] =	ssyncset.done $0x0  }
0x3e4: {  	[sflag:s25] =	ssyncadd.s32 $0xFFFFF9E0  }
0x3e5: {  	_ =	swait.ge [sflag:s25], $0x620  }
0x3e6: {  	[sflag:s25] =	ssyncset.done $0x0  }
0x3e7: {  	[sflag:s25] =	ssyncadd.s32 $0xFFFFF9E0  }
0x3e8: {  	_ =	swait.ge [sflag:s29], $0x620  }
0x3e9: {  	[sflag:s29] =	ssyncset.done $0x0  }
0x3ea: {  	[sflag:s29] =	ssyncadd.s32 $0xFFFFF9E0  }
0x3eb: {  	_ =	swait.ge [sflag:s29], $0x620  }
0x3ec: {  	[sflag:s29] =	ssyncset.done $0x0  }
0x3ed: {  	[sflag:s29] =	ssyncadd.s32 $0xFFFFF9E0  }
0x3ee: {  	_ =	swait.ge [sflag:s29], $0x620  }
0x3ef: {  	[sflag:s29] =	ssyncset.done $0x0  }
0x3f0: {  	[sflag:s29] =	ssyncadd.s32 $0xFFFFF9E0  }
0x3f1: {  	_ =	swait.ge [sflag:s29], $0x620  }
0x3f2: {  	[sflag:s29] =	ssyncset.done $0x0  }
0x3f3: {  	[sflag:s29] =	ssyncadd.s32 $0xFFFFF9E0  }
0x3f4: {  	_ =	swait.ge [sflag:s29], $0x620  }
0x3f5: {  	[sflag:s29] =	ssyncset.done $0x0  }
0x3f6: {  	[sflag:s29] =	ssyncadd.s32 $0xFFFFF9E0  }
0x3f7: {  	_ =	swait.ge [sflag:s0], $0x620  }
0x3f8: {  	[sflag:s0] =	ssyncset.done $0x0  }
0x3f9: {  	[sflag:s0] =	ssyncadd.s32 $0xFFFFF9E0  }
0x3fa: {  	_ =	swait.ge [sflag:s0], $0x620  }
0x3fb: {  	[sflag:s0] =	ssyncset.done $0x0  }
0x3fc: {  	[sflag:s0] =	ssyncadd.s32 $0xFFFFF9E0  }
0x3fd: {  	_ =	swait.ge [sflag:s4], $0x620  }
0x3fe: {  	[sflag:s4] =	ssyncset.done $0x0  }
0x3ff: {  	[sflag:s4] =	ssyncadd.s32 $0xFFFFF9E0  }
0x400: {  	_ =	swait.ge [sflag:s4], $0x620  }
0x401: {  	s3 =	rddreg [dreg:$0xa]  }
0x402: {  	s3 =	sadd.s32 $0x1, s3  }
0x403: {  	p0 =	sne.s32 s3, $0x6  }
.Ltmp9:
0x404: {  	_ = 	snop;
	(pc) =	sbr.rel @p0 .LBB2_2-.Ltmp9, $3  }
0x405: {  	_ =	sdelay $0x1  }
0x406: {  	[sflag:s4] =	ssyncset.done $0x0  }
0x407: {  	[sflag:s4] =	ssyncadd.s32 $0xFFFFF9E0  }
0x408: {  	s3 =	rddreg [dreg:$0x9]  }
0x409: {  	s1 =	rddreg [dreg:$0x8];
	s3 =	sadd.s32 $0x1, s3  }
0x40a: {  	p0 =	sne.s32 s3, s1  }
.Ltmp10:
0x40b: {  	_ = 	snop;
	(pc) =	sbr.rel @p0 .LBB2_1-.Ltmp10, $1  }
0x40c: {  	_ =	sdelay $0x3  }
0x40d: {  	_ =	sfence.sel $0x180000  }
0x40e: {  	[bflag:$0x0] =	sbarrier.arrive $0xFFFF  }
0x40f: {  	_ =	strace $0x9000004A  }
0x410: {  	s0 =	stileid.u32;
	[bflag:$0x2] =	sbarrier.arrive $0xFFFF  }
0x411: {  	p0 =	sne.s32 s0, $0x0;
	s0 =	rddreg [dreg:$0x2]  }
0x412: {  	s0 =	sadd.s32 @!p0 $0x100000, s0  }
0x413: {  	[sflag:s0] =	ssyncadd.tile.s32 @!p0 $0x1;
	_ =	shalt  }
.Lfunc_end2:
_tile_overlayer_lowered:
.L_overlay_start_2:
0x414: {  	(tag) =	ssettag $0x2  }
0x415: {  	s0 =	rddreg [dreg:$0x0];
	s2 =	stileid.u32  }
0x416: {  	s1 =	rddreg [dreg:$0x1];
	p0 =	sne.s32 s2, $0x0  }
0x417: {  	s3 =	rddreg [dreg:$0x2];
	[bflag:$0x3] =	sbarrier.arrive $0xFFFF;
	s2 =	simm.s32 @!p0 $0x1C06  }
0x418: {  	[timem:s3], [sflag:s2] =	dma.local @!p0 [hbm:s0], s1  }
0x419: {  	s0 =	simm.s32 @!p0 $0x6  }
0x41a: {  	_ =	swait.ge @!p0 [sflag:s0], s1  }
0x41b: {  	s1 =	ssub.s32 @!p0 $0x0, s1;
	[sflag:s0] =	ssyncset.done @!p0 $0x0  }
0x41c: {  	[sflag:s0] =	ssyncadd.s32 @!p0 s1  }
0x41d: {  	[bflag:$0x3] =	sbarrier.arrive $0xFFFF  }
0x41e: {  	_ =	shalt  }

</sc_bundles>
